<compile_context>
chip_gen: v7x
topology: tpu7x:2x2x1
jax: 0.10.2.dev20260603
libtpu: 0.0.44.dev20260713+nightly
codegen_flags: <defaults>
</compile_context>

<pallas_src>
import functools

import jax
import jax.numpy as jnp
import numpy as np
from jax import lax
from jax.experimental import pallas as pl
from jax.experimental.pallas import tpu as pltpu
from jax.experimental.pallas import tpu_sc as plsc

_B, _N, _D = 128, 1024, 256
_NUM_MASK = 768
_NUM_UNMASK = _N - _NUM_MASK
_NC, _NS = 2, 16
_NW = _NC * _NS
_CA = 64
_CM = 96
_UROWS = _B * _NUM_UNMASK
_MROWS = _B * _NUM_MASK
_A_CHUNKS = _UROWS // (_NW * _CA)
_M_CHUNKS = _MROWS // (_NW * _CM)
_A_PW = _A_CHUNKS * _CA
_M_PW = _M_CHUNKS * _CM
_BUILD = _N // _NS


def _threefry2x32(k1, k2, x0, x1):
    rot = [[13, 15, 26, 6], [17, 29, 16, 24]]
    ks = [np.uint32(k1), np.uint32(k2),
          np.uint32(np.uint32(k1) ^ np.uint32(k2) ^ np.uint32(0x1BD11BDA))]
    x = [np.asarray(x0, np.uint32) + ks[0], np.asarray(x1, np.uint32) + ks[1]]

    def rotl(v, d):
        return (v << np.uint32(d)) | (v >> np.uint32(32 - d))

    for i in range(5):
        for r in rot[i % 2]:
            x[0] = x[0] + x[1]
            x[1] = rotl(x[1], r)
            x[1] = x[0] ^ x[1]
        x[0] = x[0] + ks[(i + 1) % 3]
        x[1] = x[1] + ks[(i + 2) % 3] + np.uint32(i + 1)
    return x


def _perm_indices():
    size = _B * _N
    idx = np.arange(size, dtype=np.uint64)
    with np.errstate(over="ignore"):
        o0, o1 = _threefry2x32(0, 42, (idx >> np.uint64(32)).astype(np.uint32),
                               (idx & np.uint64(0xFFFFFFFF)).astype(np.uint32))
    bits = (o0 ^ o1).reshape(_B, _N)
    f = ((bits >> np.uint32(9)) | np.uint32(0x3F800000)).view(np.float32) - np.float32(1.0)
    f = np.maximum(np.float32(0.0), f)
    rand = np.argsort(f, axis=-1, kind="stable").astype(np.int32)
    mask_idx = rand[:, :_NUM_MASK]
    unmask_idx = rand[:, _NUM_MASK:]
    ui_flat = unmask_idx.reshape(-1)
    mi_flat = mask_idx.reshape(-1)
    row_base = (np.arange(_B, dtype=np.int32) * _N)[:, None]
    uig_flat = (unmask_idx + row_base).reshape(-1)
    uip3 = np.ascontiguousarray(ui_flat.reshape(_NW, _A_CHUNKS, _CA))
    uig3 = np.ascontiguousarray(uig_flat.reshape(_NW, _A_CHUNKS, _CA))
    mi3 = np.ascontiguousarray(mi_flat.reshape(_NW, _M_CHUNKS, _CM))
    mi3 = mi3 + (np.arange(_NW, dtype=np.int32)[:, None, None] % _NC) * _N
    return mask_idx, unmask_idx, uig3, uip3, mi3


_MASK_IDX, _UNMASK_IDX, _UIG3, _UIP3, _MI3 = _perm_indices()


def _sc_body(x_hbm, pos_hbm, tok_hbm, uig_hbm, uip_hbm, mi_hbm,
             ue_hbm, up_hbm, me_hbm, ptok_hbm,
             idxg_v, idxp_v, idxm_v, bufx, bufp, bufm, tok_v,
             semx0, semx1, semp0, semp1):
    cid = lax.axis_index("c")
    sid = lax.axis_index("s")
    wid = sid * _NC + cid

    pltpu.sync_copy(tok_hbm, tok_v)
    pltpu.sync_copy(uig_hbm.at[wid], idxg_v)
    pltpu.sync_copy(uip_hbm.at[wid], idxp_v)
    pltpu.sync_copy(mi_hbm.at[wid], idxm_v)
    tok_regs = [tok_v[pl.ds(16 * j, 16)] for j in range(_D // 16)]

    r0 = sid * _BUILD
    bslice = bufx.at[pl.ds(0, _BUILD)]
    pltpu.sync_copy(pos_hbm.at[pl.ds(r0, _BUILD)], bslice)

    def build_add(r, c):
        for j in range(_D // 16):
            s = pl.ds(16 * j, 16)
            bufx[r, s] = bufx[r, s] + tok_regs[j]
        return c

    lax.fori_loop(0, _BUILD, build_add, 0)
    pltpu.sync_copy(bslice, ptok_hbm.at[pl.ds(cid * _N + r0, _BUILD)])
    plsc.subcore_barrier()

    m_base = wid * _M_PW
    m_slots = (pl.ds(0, _CM), pl.ds(_CM, _CM))
    m_sems = (semx0, semx1)

    def m_gather(k, slot, sem):
        pltpu.async_copy(ptok_hbm.at[idxm_v.at[k]], bufm.at[slot], sem)

    m_gather(0, m_slots[0], m_sems[0])
    m_gather(1, m_slots[1], m_sems[1])

    def m_pair(g, c):
        for s in range(2):
            k = 2 * g + s
            pltpu.make_async_copy(ptok_hbm.at[idxm_v.at[0]], bufm.at[m_slots[s]],
                                  m_sems[s]).wait()
            pltpu.sync_copy(bufm.at[m_slots[s]],
                            me_hbm.at[pl.ds(m_base + k * _CM, _CM)])
            knext = jnp.minimum(k + 2, _M_CHUNKS - 1)
            m_gather(knext, m_slots[s], m_sems[s])
        return c

    lax.fori_loop(0, _M_CHUNKS // 2, m_pair, 0)
    for s in range(2):
        pltpu.make_async_copy(ptok_hbm.at[idxm_v.at[0]], bufm.at[m_slots[s]],
                              m_sems[s]).wait()

    a_base = wid * _A_PW
    a_slots = (pl.ds(0, _CA), pl.ds(_CA, _CA))
    sems_x = (semx0, semx1)
    sems_p = (semp0, semp1)

    def a_gather(k, slot, semx, semp):
        pltpu.async_copy(x_hbm.at[idxg_v.at[k]], bufx.at[slot], semx)
        pltpu.async_copy(pos_hbm.at[idxp_v.at[k]], bufp.at[slot], semp)

    a_gather(0, a_slots[0], semx0, semp0)
    a_gather(1, a_slots[1], semx1, semp1)

    def a_pair(g, c):
        for s in range(2):
            k = 2 * g + s
            off = s * _CA
            pltpu.make_async_copy(x_hbm.at[idxg_v.at[0]], bufx.at[a_slots[s]],
                                  sems_x[s]).wait()
            pltpu.make_async_copy(pos_hbm.at[idxp_v.at[0]], bufp.at[a_slots[s]],
                                  sems_p[s]).wait()
            pltpu.sync_copy(bufp.at[a_slots[s]],
                            up_hbm.at[pl.ds(a_base + k * _CA, _CA)])

            def row_add(r, c2):
                for j in range(_D // 16):
                    sl = pl.ds(16 * j, 16)
                    bufx[off + r, sl] = bufx[off + r, sl] + bufp[off + r, sl]
                return c2

            lax.fori_loop(0, _CA, row_add, 0)
            pltpu.sync_copy(bufx.at[a_slots[s]],
                            ue_hbm.at[pl.ds(a_base + k * _CA, _CA)])
            knext = jnp.minimum(k + 2, _A_CHUNKS - 1)
            a_gather(knext, a_slots[s], sems_x[s], sems_p[s])
        return c

    lax.fori_loop(0, _A_CHUNKS // 2, a_pair, 0)
    for s in range(2):
        pltpu.make_async_copy(x_hbm.at[idxg_v.at[0]], bufx.at[a_slots[s]],
                              sems_x[s]).wait()
        pltpu.make_async_copy(pos_hbm.at[idxp_v.at[0]], bufp.at[a_slots[s]],
                              sems_p[s]).wait()


@functools.lru_cache(maxsize=None)
def _build_sc_kernel():
    mesh = plsc.VectorSubcoreMesh(core_axis_name="c", subcore_axis_name="s")
    return pl.kernel(
        _sc_body,
        out_type=(
            jax.ShapeDtypeStruct((_UROWS, _D), jnp.float32),
            jax.ShapeDtypeStruct((_UROWS, _D), jnp.float32),
            jax.ShapeDtypeStruct((_MROWS, _D), jnp.float32),
            jax.ShapeDtypeStruct((_NC * _N, _D), jnp.float32),
        ),
        mesh=mesh,
        scratch_types=[
            pltpu.VMEM((_A_CHUNKS, _CA), jnp.int32),
            pltpu.VMEM((_A_CHUNKS, _CA), jnp.int32),
            pltpu.VMEM((_M_CHUNKS, _CM), jnp.int32),
            pltpu.VMEM((2 * _CA, _D), jnp.float32),
            pltpu.VMEM((2 * _CA, _D), jnp.float32),
            pltpu.VMEM((2 * _CM, _D), jnp.float32),
            pltpu.VMEM((_D,), jnp.float32),
            pltpu.SemaphoreType.DMA,
            pltpu.SemaphoreType.DMA,
            pltpu.SemaphoreType.DMA,
            pltpu.SemaphoreType.DMA,
        ],
    )


def kernel(x, mask_token, pos_table):
    x_flat = x.reshape(_B * _N, _D)
    tok = mask_token.reshape(_D)
    ue, up, me, _ = _build_sc_kernel()(
        x_flat, pos_table, tok,
        jnp.asarray(_UIG3), jnp.asarray(_UIP3), jnp.asarray(_MI3),
    )
    return (
        ue.reshape(_B, _NUM_UNMASK, _D),
        me.reshape(_B, _NUM_MASK, _D),
        up.reshape(_B, _NUM_UNMASK, _D),
        jnp.asarray(_MASK_IDX),
        jnp.asarray(_UNMASK_IDX),
    )

# --- scband reference (transcript-rebuilt; emitter-appended) ---
"""Pipeline reference for scband-masked-patch-encoder-65240553226542 (READ-ONLY COPY).

The authoritative reference and input builder live on the scoring server;
editing this copy changes nothing except your own understanding.
"""

import jax, jax.numpy as jnp
import numpy as np

PATCH_SIZE = 16
MASK_PERCENTAGE = 0.75
MAX_LEN = 10000


def setup_inputs(seed: int = 0) -> dict:
    key = jax.random.key(seed)
    k1, k2, k3 = jax.random.split(key, 3)
    B, N, D = 128, 1024, PATCH_SIZE * PATCH_SIZE
    x = jax.random.normal(k1, (B, N, D), dtype=jnp.float32)
    # learned parameters
    mask_token = jax.random.normal(k2, (1, D), dtype=jnp.float32)
    pos_table = jax.random.normal(k3, (MAX_LEN, D), dtype=jnp.float32) * 0.02
    return {"x": x, "mask_token": mask_token, "pos_table": pos_table}


def reference(x, mask_token, pos_table):
    B, N, D = x.shape
    num_mask = int(N * MASK_PERCENTAGE)
    # rand_idx: argsort of uniform noise (deterministic key in JAX)
    rkey = jax.random.key(42)
    rand_indices = jnp.argsort(jax.random.uniform(rkey, (B, N)), axis=-1)
    mask_indices = rand_indices[:, :num_mask]
    unmask_indices = rand_indices[:, num_mask:]
    # position embeddings: embedding lookup of positions 0..N-1, tiled over batch
    positions = jnp.arange(N)
    pos_embeddings = jnp.take(pos_table, positions, axis=0)[None, ...]
    pos_embeddings = jnp.tile(pos_embeddings, (B, 1, 1))
    # batched gathers (tf.gather batch_dims=1 -> take_along_axis)
    unmasked_positions = jnp.take_along_axis(pos_embeddings, unmask_indices[:, :, None], axis=1)
    masked_positions = jnp.take_along_axis(pos_embeddings, mask_indices[:, :, None], axis=1)
    unmasked_embeddings = jnp.take_along_axis(x, unmask_indices[:, :, None], axis=1)
    unmasked_embeddings = unmasked_embeddings + unmasked_positions
    masked_embeddings = jnp.broadcast_to(mask_token[None, :, :], (B, num_mask, D))
    masked_embeddings = masked_embeddings + masked_positions
    return (unmasked_embeddings, masked_embeddings, unmasked_positions, mask_indices, unmask_indices)

if __name__ == "__main__":
    import jax
    _d = setup_inputs()
    print(jax.jit(kernel)(*tuple(_d.values())))

</pallas_src>

<mosaic_0001>
#map = affine_map<(d0, d1) -> (0, 0)>
#map1 = affine_map<(d0, d1) -> (0)>
#map2 = affine_map<(d0, d1) -> (0, 0, 0)>
module attributes {stable_mosaic.version = 14 : i64} {
  func.func @_sc_body(%arg0: i32, %arg1: i32, %arg2: memref<131072x256xf32, #tpu.memory_space<hbm>>, %arg3: memref<10000x256xf32, #tpu.memory_space<hbm>>, %arg4: memref<256xf32, #tpu.memory_space<hbm>>, %arg5: memref<32x16x64xi32, #tpu.memory_space<hbm>>, %arg6: memref<32x16x64xi32, #tpu.memory_space<hbm>>, %arg7: memref<32x32x96xi32, #tpu.memory_space<hbm>>, %arg8: memref<32768x256xf32, #tpu.memory_space<hbm>>, %arg9: memref<32768x256xf32, #tpu.memory_space<hbm>>, %arg10: memref<98304x256xf32, #tpu.memory_space<hbm>>, %arg11: memref<2048x256xf32, #tpu.memory_space<hbm>>, %arg12: memref<16x64xi32, #tpu.memory_space<vmem>>, %arg13: memref<16x64xi32, #tpu.memory_space<vmem>>, %arg14: memref<32x96xi32, #tpu.memory_space<vmem>>, %arg15: memref<128x256xf32, #tpu.memory_space<vmem>>, %arg16: memref<128x256xf32, #tpu.memory_space<vmem>>, %arg17: memref<192x256xf32, #tpu.memory_space<vmem>>, %arg18: memref<256xf32, #tpu.memory_space<vmem>>, %arg19: memref<!tpu.dma_semaphore, #tpu.memory_space<semaphore_mem>>, %arg20: memref<!tpu.dma_semaphore, #tpu.memory_space<semaphore_mem>>, %arg21: memref<!tpu.dma_semaphore, #tpu.memory_space<semaphore_mem>>, %arg22: memref<!tpu.dma_semaphore, #tpu.memory_space<semaphore_mem>>) attributes {dimension_semantics = [#tpu.dimension_semantics<core_parallel>, #tpu.dimension_semantics<subcore_parallel>], iteration_bounds = array<i64: 2, 16>, scalar_prefetch = 0 : i64, scratch_operands = 11 : i64, tpu.core_type = #tpu.core_type<sc_vector_subcore>, window_params = [{transform_indices = #map}, {transform_indices = #map}, {transform_indices = #map1}, {transform_indices = #map2}, {transform_indices = #map2}, {transform_indices = #map2}, {transform_indices = #map}, {transform_indices = #map}, {transform_indices = #map}, {transform_indices = #map}]} {
    %mul3A = arith.constant 2 : i32
    %mul3A_0 = arith.muli %arg1, %mul3A : i32
    %add3A = arith.addi %mul3A_0, %arg0 : i32
    "tpu.region"() ({
      %run_scoped3A = tpu.sem_alloc : memref<!tpu.dma_semaphore, #tpu.memory_space<semaphore_mem>>
      tpu.enqueue_dma source(%arg4 : memref<256xf32, #tpu.memory_space<hbm>>) target(%arg18 : memref<256xf32, #tpu.memory_space<vmem>>) target_semaphore(%run_scoped3A : memref<!tpu.dma_semaphore, #tpu.memory_space<semaphore_mem>>)
      tpu.wait_dma2 semaphore(%run_scoped3A : memref<!tpu.dma_semaphore, #tpu.memory_space<semaphore_mem>>) src(%arg4 : memref<256xf32, #tpu.memory_space<hbm>>) dst(%arg18 : memref<256xf32, #tpu.memory_space<vmem>>)
      tpu.yield
    }) : () -> ()
    "tpu.region"() ({
      %run_scoped3A = tpu.sem_alloc : memref<!tpu.dma_semaphore, #tpu.memory_space<semaphore_mem>>
      %dma_start3A_192 = arith.constant 0 : i32
      %dma_start3A_193 = arith.constant 0 : i32
      %dma_start3A_194 = tpu.memref_slice %arg5[%add3A, %dma_start3A_192, %dma_start3A_193] : memref<32x16x64xi32, #tpu.memory_space<hbm>> -> memref<1x16x64xi32, #tpu.memory_space<hbm>>
      %dma_start3A_195 = tpu.memref_squeeze %dma_start3A_194 : memref<1x16x64xi32, #tpu.memory_space<hbm>> -> memref<16x64xi32, #tpu.memory_space<hbm>>
      %dma_start3A_196 = arith.constant 0 : i32
      %dma_start3A_197 = arith.constant 0 : i32
      %dma_start3A_198 = tpu.memref_slice %arg5[%add3A, %dma_start3A_196, %dma_start3A_197] : memref<32x16x64xi32, #tpu.memory_space<hbm>> -> memref<1x16x64xi32, #tpu.memory_space<hbm>>
      %dma_start3A_199 = tpu.memref_squeeze %dma_start3A_198 : memref<1x16x64xi32, #tpu.memory_space<hbm>> -> memref<16x64xi32, #tpu.memory_space<hbm>>
      tpu.enqueue_dma source(%dma_start3A_199 : memref<16x64xi32, #tpu.memory_space<hbm>>) target(%arg12 : memref<16x64xi32, #tpu.memory_space<vmem>>) target_semaphore(%run_scoped3A : memref<!tpu.dma_semaphore, #tpu.memory_space<semaphore_mem>>)
      %dma_wait3A_200 = arith.constant 0 : i32
      %dma_wait3A_201 = arith.constant 0 : i32
      %dma_wait3A_202 = tpu.memref_slice %arg5[%add3A, %dma_wait3A_200, %dma_wait3A_201] : memref<32x16x64xi32, #tpu.memory_space<hbm>> -> memref<1x16x64xi32, #tpu.memory_space<hbm>>
      %dma_wait3A_203 = tpu.memref_squeeze %dma_wait3A_202 : memref<1x16x64xi32, #tpu.memory_space<hbm>> -> memref<16x64xi32, #tpu.memory_space<hbm>>
      %dma_wait3A_204 = arith.constant 0 : i32
      %dma_wait3A_205 = arith.constant 0 : i32
      %dma_wait3A_206 = tpu.memref_slice %arg5[%add3A, %dma_wait3A_204, %dma_wait3A_205] : memref<32x16x64xi32, #tpu.memory_space<hbm>> -> memref<1x16x64xi32, #tpu.memory_space<hbm>>
      %dma_wait3A_207 = tpu.memref_squeeze %dma_wait3A_206 : memref<1x16x64xi32, #tpu.memory_space<hbm>> -> memref<16x64xi32, #tpu.memory_space<hbm>>
      tpu.wait_dma2 semaphore(%run_scoped3A : memref<!tpu.dma_semaphore, #tpu.memory_space<semaphore_mem>>) src(%dma_wait3A_207 : memref<16x64xi32, #tpu.memory_space<hbm>>) dst(%arg12 : memref<16x64xi32, #tpu.memory_space<vmem>>)
      tpu.yield
    }) : () -> ()
    "tpu.region"() ({
      %run_scoped3A = tpu.sem_alloc : memref<!tpu.dma_semaphore, #tpu.memory_space<semaphore_mem>>
      %dma_start3A_192 = arith.constant 0 : i32
      %dma_start3A_193 = arith.constant 0 : i32
      %dma_start3A_194 = tpu.memref_slice %arg6[%add3A, %dma_start3A_192, %dma_start3A_193] : memref<32x16x64xi32, #tpu.memory_space<hbm>> -> memref<1x16x64xi32, #tpu.memory_space<hbm>>
      %dma_start3A_195 = tpu.memref_squeeze %dma_start3A_194 : memref<1x16x64xi32, #tpu.memory_space<hbm>> -> memref<16x64xi32, #tpu.memory_space<hbm>>
      %dma_start3A_196 = arith.constant 0 : i32
      %dma_start3A_197 = arith.constant 0 : i32
      %dma_start3A_198 = tpu.memref_slice %arg6[%add3A, %dma_start3A_196, %dma_start3A_197] : memref<32x16x64xi32, #tpu.memory_space<hbm>> -> memref<1x16x64xi32, #tpu.memory_space<hbm>>
      %dma_start3A_199 = tpu.memref_squeeze %dma_start3A_198 : memref<1x16x64xi32, #tpu.memory_space<hbm>> -> memref<16x64xi32, #tpu.memory_space<hbm>>
      tpu.enqueue_dma source(%dma_start3A_199 : memref<16x64xi32, #tpu.memory_space<hbm>>) target(%arg13 : memref<16x64xi32, #tpu.memory_space<vmem>>) target_semaphore(%run_scoped3A : memref<!tpu.dma_semaphore, #tpu.memory_space<semaphore_mem>>)
      %dma_wait3A_200 = arith.constant 0 : i32
      %dma_wait3A_201 = arith.constant 0 : i32
      %dma_wait3A_202 = tpu.memref_slice %arg6[%add3A, %dma_wait3A_200, %dma_wait3A_201] : memref<32x16x64xi32, #tpu.memory_space<hbm>> -> memref<1x16x64xi32, #tpu.memory_space<hbm>>
      %dma_wait3A_203 = tpu.memref_squeeze %dma_wait3A_202 : memref<1x16x64xi32, #tpu.memory_space<hbm>> -> memref<16x64xi32, #tpu.memory_space<hbm>>
      %dma_wait3A_204 = arith.constant 0 : i32
      %dma_wait3A_205 = arith.constant 0 : i32
      %dma_wait3A_206 = tpu.memref_slice %arg6[%add3A, %dma_wait3A_204, %dma_wait3A_205] : memref<32x16x64xi32, #tpu.memory_space<hbm>> -> memref<1x16x64xi32, #tpu.memory_space<hbm>>
      %dma_wait3A_207 = tpu.memref_squeeze %dma_wait3A_206 : memref<1x16x64xi32, #tpu.memory_space<hbm>> -> memref<16x64xi32, #tpu.memory_space<hbm>>
      tpu.wait_dma2 semaphore(%run_scoped3A : memref<!tpu.dma_semaphore, #tpu.memory_space<semaphore_mem>>) src(%dma_wait3A_207 : memref<16x64xi32, #tpu.memory_space<hbm>>) dst(%arg13 : memref<16x64xi32, #tpu.memory_space<vmem>>)
      tpu.yield
    }) : () -> ()
    "tpu.region"() ({
      %run_scoped3A = tpu.sem_alloc : memref<!tpu.dma_semaphore, #tpu.memory_space<semaphore_mem>>
      %dma_start3A_192 = arith.constant 0 : i32
      %dma_start3A_193 = arith.constant 0 : i32
      %dma_start3A_194 = tpu.memref_slice %arg7[%add3A, %dma_start3A_192, %dma_start3A_193] : memref<32x32x96xi32, #tpu.memory_space<hbm>> -> memref<1x32x96xi32, #tpu.memory_space<hbm>>
      %dma_start3A_195 = tpu.memref_squeeze %dma_start3A_194 : memref<1x32x96xi32, #tpu.memory_space<hbm>> -> memref<32x96xi32, #tpu.memory_space<hbm>>
      %dma_start3A_196 = arith.constant 0 : i32
      %dma_start3A_197 = arith.constant 0 : i32
      %dma_start3A_198 = tpu.memref_slice %arg7[%add3A, %dma_start3A_196, %dma_start3A_197] : memref<32x32x96xi32, #tpu.memory_space<hbm>> -> memref<1x32x96xi32, #tpu.memory_space<hbm>>
      %dma_start3A_199 = tpu.memref_squeeze %dma_start3A_198 : memref<1x32x96xi32, #tpu.memory_space<hbm>> -> memref<32x96xi32, #tpu.memory_space<hbm>>
      tpu.enqueue_dma source(%dma_start3A_199 : memref<32x96xi32, #tpu.memory_space<hbm>>) target(%arg14 : memref<32x96xi32, #tpu.memory_space<vmem>>) target_semaphore(%run_scoped3A : memref<!tpu.dma_semaphore, #tpu.memory_space<semaphore_mem>>)
      %dma_wait3A_200 = arith.constant 0 : i32
      %dma_wait3A_201 = arith.constant 0 : i32
      %dma_wait3A_202 = tpu.memref_slice %arg7[%add3A, %dma_wait3A_200, %dma_wait3A_201] : memref<32x32x96xi32, #tpu.memory_space<hbm>> -> memref<1x32x96xi32, #tpu.memory_space<hbm>>
      %dma_wait3A_203 = tpu.memref_squeeze %dma_wait3A_202 : memref<1x32x96xi32, #tpu.memory_space<hbm>> -> memref<32x96xi32, #tpu.memory_space<hbm>>
      %dma_wait3A_204 = arith.constant 0 : i32
      %dma_wait3A_205 = arith.constant 0 : i32
      %dma_wait3A_206 = tpu.memref_slice %arg7[%add3A, %dma_wait3A_204, %dma_wait3A_205] : memref<32x32x96xi32, #tpu.memory_space<hbm>> -> memref<1x32x96xi32, #tpu.memory_space<hbm>>
      %dma_wait3A_207 = tpu.memref_squeeze %dma_wait3A_206 : memref<1x32x96xi32, #tpu.memory_space<hbm>> -> memref<32x96xi32, #tpu.memory_space<hbm>>
      tpu.wait_dma2 semaphore(%run_scoped3A : memref<!tpu.dma_semaphore, #tpu.memory_space<semaphore_mem>>) src(%dma_wait3A_207 : memref<32x96xi32, #tpu.memory_space<hbm>>) dst(%arg14 : memref<32x96xi32, #tpu.memory_space<vmem>>)
      tpu.yield
    }) : () -> ()
    %get3A = arith.constant 0 : index
    %get3A_1 = tpu.vector_load %arg18[%get3A] {strides = array<i32>} : memref<256xf32, #tpu.memory_space<vmem>>, vector<16xf32>,
    %get3A_2 = vector.shape_cast %get3A_1 : vector<16xf32> to vector<16xf32>
    %get3A_3 = arith.constant 16 : index
    %get3A_4 = tpu.vector_load %arg18[%get3A_3] {strides = array<i32>} : memref<256xf32, #tpu.memory_space<vmem>>, vector<16xf32>,
    %get3A_5 = vector.shape_cast %get3A_4 : vector<16xf32> to vector<16xf32>
    %get3A_6 = arith.constant 32 : index
    %get3A_7 = tpu.vector_load %arg18[%get3A_6] {strides = array<i32>} : memref<256xf32, #tpu.memory_space<vmem>>, vector<16xf32>,
    %get3A_8 = vector.shape_cast %get3A_7 : vector<16xf32> to vector<16xf32>
    %get3A_9 = arith.constant 48 : index
    %get3A_10 = tpu.vector_load %arg18[%get3A_9] {strides = array<i32>} : memref<256xf32, #tpu.memory_space<vmem>>, vector<16xf32>,
    %get3A_11 = vector.shape_cast %get3A_10 : vector<16xf32> to vector<16xf32>
    %get3A_12 = arith.constant 64 : index
    %get3A_13 = tpu.vector_load %arg18[%get3A_12] {strides = array<i32>} : memref<256xf32, #tpu.memory_space<vmem>>, vector<16xf32>,
    %get3A_14 = vector.shape_cast %get3A_13 : vector<16xf32> to vector<16xf32>
    %get3A_15 = arith.constant 80 : index
    %get3A_16 = tpu.vector_load %arg18[%get3A_15] {strides = array<i32>} : memref<256xf32, #tpu.memory_space<vmem>>, vector<16xf32>,
    %get3A_17 = vector.shape_cast %get3A_16 : vector<16xf32> to vector<16xf32>
    %get3A_18 = arith.constant 96 : index
    %get3A_19 = tpu.vector_load %arg18[%get3A_18] {strides = array<i32>} : memref<256xf32, #tpu.memory_space<vmem>>, vector<16xf32>,
    %get3A_20 = vector.shape_cast %get3A_19 : vector<16xf32> to vector<16xf32>
    %get3A_21 = arith.constant 112 : index
    %get3A_22 = tpu.vector_load %arg18[%get3A_21] {strides = array<i32>} : memref<256xf32, #tpu.memory_space<vmem>>, vector<16xf32>,
    %get3A_23 = vector.shape_cast %get3A_22 : vector<16xf32> to vector<16xf32>
    %get3A_24 = arith.constant 128 : index
    %get3A_25 = tpu.vector_load %arg18[%get3A_24] {strides = array<i32>} : memref<256xf32, #tpu.memory_space<vmem>>, vector<16xf32>,
    %get3A_26 = vector.shape_cast %get3A_25 : vector<16xf32> to vector<16xf32>
    %get3A_27 = arith.constant 144 : index
    %get3A_28 = tpu.vector_load %arg18[%get3A_27] {strides = array<i32>} : memref<256xf32, #tpu.memory_space<vmem>>, vector<16xf32>,
    %get3A_29 = vector.shape_cast %get3A_28 : vector<16xf32> to vector<16xf32>
    %get3A_30 = arith.constant 160 : index
    %get3A_31 = tpu.vector_load %arg18[%get3A_30] {strides = array<i32>} : memref<256xf32, #tpu.memory_space<vmem>>, vector<16xf32>,
    %get3A_32 = vector.shape_cast %get3A_31 : vector<16xf32> to vector<16xf32>
    %get3A_33 = arith.constant 176 : index
    %get3A_34 = tpu.vector_load %arg18[%get3A_33] {strides = array<i32>} : memref<256xf32, #tpu.memory_space<vmem>>, vector<16xf32>,
    %get3A_35 = vector.shape_cast %get3A_34 : vector<16xf32> to vector<16xf32>
    %get3A_36 = arith.constant 192 : index
    %get3A_37 = tpu.vector_load %arg18[%get3A_36] {strides = array<i32>} : memref<256xf32, #tpu.memory_space<vmem>>, vector<16xf32>,
    %get3A_38 = vector.shape_cast %get3A_37 : vector<16xf32> to vector<16xf32>
    %get3A_39 = arith.constant 208 : index
    %get3A_40 = tpu.vector_load %arg18[%get3A_39] {strides = array<i32>} : memref<256xf32, #tpu.memory_space<vmem>>, vector<16xf32>,
    %get3A_41 = vector.shape_cast %get3A_40 : vector<16xf32> to vector<16xf32>
    %get3A_42 = arith.constant 224 : index
    %get3A_43 = tpu.vector_load %arg18[%get3A_42] {strides = array<i32>} : memref<256xf32, #tpu.memory_space<vmem>>, vector<16xf32>,
    %get3A_44 = vector.shape_cast %get3A_43 : vector<16xf32> to vector<16xf32>
    %get3A_45 = arith.constant 240 : index
    %get3A_46 = tpu.vector_load %arg18[%get3A_45] {strides = array<i32>} : memref<256xf32, #tpu.memory_space<vmem>>, vector<16xf32>,
    %get3A_47 = vector.shape_cast %get3A_46 : vector<16xf32> to vector<16xf32>
    %mul3A_48 = arith.constant 64 : i32
    %mul3A_49 = arith.muli %arg1, %mul3A_48 : i32
    "tpu.region"() ({
      %run_scoped3A = tpu.sem_alloc : memref<!tpu.dma_semaphore, #tpu.memory_space<semaphore_mem>>
      %dma_start3A_192 = arith.constant 0 : i32
      %dma_start3A_193 = arith.constant 0 : i32
      %dma_start3A_194 = tpu.memref_slice %arg15[%dma_start3A_192, %dma_start3A_193] : memref<128x256xf32, #tpu.memory_space<vmem>> -> memref<64x256xf32, #tpu.memory_space<vmem>>
      %dma_start3A_195 = arith.constant 0 : i32
      %dma_start3A_196 = tpu.memref_slice %arg3[%mul3A_49, %dma_start3A_195] : memref<10000x256xf32, #tpu.memory_space<hbm>> -> memref<64x256xf32, #tpu.memory_space<hbm>>
      %dma_start3A_197 = arith.constant 0 : i32
      %dma_start3A_198 = arith.constant 0 : i32
      %dma_start3A_199 = tpu.memref_slice %arg15[%dma_start3A_197, %dma_start3A_198] : memref<128x256xf32, #tpu.memory_space<vmem>> -> memref<64x256xf32, #tpu.memory_space<vmem>>
      %dma_start3A_200 = arith.constant 0 : i32
      %dma_start3A_201 = tpu.memref_slice %arg3[%mul3A_49, %dma_start3A_200] : memref<10000x256xf32, #tpu.memory_space<hbm>> -> memref<64x256xf32, #tpu.memory_space<hbm>>
      tpu.enqueue_dma source(%dma_start3A_201 : memref<64x256xf32, #tpu.memory_space<hbm>>) target(%dma_start3A_199 : memref<64x256xf32, #tpu.memory_space<vmem>>) target_semaphore(%run_scoped3A : memref<!tpu.dma_semaphore, #tpu.memory_space<semaphore_mem>>)
      %dma_wait3A_202 = arith.constant 0 : i32
      %dma_wait3A_203 = arith.constant 0 : i32
      %dma_wait3A_204 = tpu.memref_slice %arg15[%dma_wait3A_202, %dma_wait3A_203] : memref<128x256xf32, #tpu.memory_space<vmem>> -> memref<64x256xf32, #tpu.memory_space<vmem>>
      %dma_wait3A_205 = arith.constant 0 : i32
      %dma_wait3A_206 = tpu.memref_slice %arg3[%mul3A_49, %dma_wait3A_205] : memref<10000x256xf32, #tpu.memory_space<hbm>> -> memref<64x256xf32, #tpu.memory_space<hbm>>
      %dma_wait3A_207 = arith.constant 0 : i32
      %dma_wait3A_208 = arith.constant 0 : i32
      %dma_wait3A_209 = tpu.memref_slice %arg15[%dma_wait3A_207, %dma_wait3A_208] : memref<128x256xf32, #tpu.memory_space<vmem>> -> memref<64x256xf32, #tpu.memory_space<vmem>>
      %dma_wait3A_210 = arith.constant 0 : i32
      %dma_wait3A_211 = tpu.memref_slice %arg3[%mul3A_49, %dma_wait3A_210] : memref<10000x256xf32, #tpu.memory_space<hbm>> -> memref<64x256xf32, #tpu.memory_space<hbm>>
      tpu.wait_dma2 semaphore(%run_scoped3A : memref<!tpu.dma_semaphore, #tpu.memory_space<semaphore_mem>>) src(%dma_wait3A_211 : memref<64x256xf32, #tpu.memory_space<hbm>>) dst(%dma_wait3A_209 : memref<64x256xf32, #tpu.memory_space<vmem>>)
      tpu.yield
    }) : () -> ()
    %scan3A = arith.constant 0 : i32
    %scan3A_50 = arith.constant 0 : i32
    %scan3A_51 = arith.constant 64 : i32
    %scan3A_52 = arith.addi %scan3A_50, %scan3A_51 : i32
    %scan3A_53 = arith.constant 1 : i32
    scf.for %scan3A_192 = %scan3A_50 to %scan3A_52 step %scan3A_53  : i32 {
      %get3A_193 = arith.index_cast %scan3A_192 : i32 to index
      %get3A_194 = arith.constant 0 : index
      %get3A_195 = tpu.vector_load %arg15[%get3A_193, %get3A_194] {strides = array<i32>} : memref<128x256xf32, #tpu.memory_space<vmem>>, vector<1x16xf32>,
      %get3A_196 = vector.shape_cast %get3A_195 : vector<1x16xf32> to vector<16xf32>
      %add3A_197 = arith.addf %get3A_196, %get3A_2 : vector<16xf32>
      %swap3A = arith.index_cast %scan3A_192 : i32 to index
      %swap3A_198 = arith.constant 0 : index
      %swap3A_199 = tpu.vector_load %arg15[%swap3A, %swap3A_198] {strides = array<i32>} : memref<128x256xf32, #tpu.memory_space<vmem>>, vector<1x16xf32>,
      %swap3A_200 = vector.shape_cast %swap3A_199 : vector<1x16xf32> to vector<16xf32>
      %swap3A_201 = vector.shape_cast %add3A_197 : vector<16xf32> to vector<1x16xf32>
      tpu.vector_store %arg15[%swap3A, %swap3A_198], %swap3A_201 {strides = array<i32>} : memref<128x256xf32, #tpu.memory_space<vmem>>, vector<1x16xf32>,
      %get3A_202 = arith.index_cast %scan3A_192 : i32 to index
      %get3A_203 = arith.constant 16 : index
      %get3A_204 = tpu.vector_load %arg15[%get3A_202, %get3A_203] {strides = array<i32>} : memref<128x256xf32, #tpu.memory_space<vmem>>, vector<1x16xf32>,
      %get3A_205 = vector.shape_cast %get3A_204 : vector<1x16xf32> to vector<16xf32>
      %add3A_206 = arith.addf %get3A_205, %get3A_5 : vector<16xf32>
      %swap3A_207 = arith.index_cast %scan3A_192 : i32 to index
      %swap3A_208 = arith.constant 16 : index
      %swap3A_209 = tpu.vector_load %arg15[%swap3A_207, %swap3A_208] {strides = array<i32>} : memref<128x256xf32, #tpu.memory_space<vmem>>, vector<1x16xf32>,
      %swap3A_210 = vector.shape_cast %swap3A_209 : vector<1x16xf32> to vector<16xf32>
      %swap3A_211 = vector.shape_cast %add3A_206 : vector<16xf32> to vector<1x16xf32>
      tpu.vector_store %arg15[%swap3A_207, %swap3A_208], %swap3A_211 {strides = array<i32>} : memref<128x256xf32, #tpu.memory_space<vmem>>, vector<1x16xf32>,
      %get3A_212 = arith.index_cast %scan3A_192 : i32 to index
      %get3A_213 = arith.constant 32 : index
      %get3A_214 = tpu.vector_load %arg15[%get3A_212, %get3A_213] {strides = array<i32>} : memref<128x256xf32, #tpu.memory_space<vmem>>, vector<1x16xf32>,
      %get3A_215 = vector.shape_cast %get3A_214 : vector<1x16xf32> to vector<16xf32>
      %add3A_216 = arith.addf %get3A_215, %get3A_8 : vector<16xf32>
      %swap3A_217 = arith.index_cast %scan3A_192 : i32 to index
      %swap3A_218 = arith.constant 32 : index
      %swap3A_219 = tpu.vector_load %arg15[%swap3A_217, %swap3A_218] {strides = array<i32>} : memref<128x256xf32, #tpu.memory_space<vmem>>, vector<1x16xf32>,
      %swap3A_220 = vector.shape_cast %swap3A_219 : vector<1x16xf32> to vector<16xf32>
      %swap3A_221 = vector.shape_cast %add3A_216 : vector<16xf32> to vector<1x16xf32>
      tpu.vector_store %arg15[%swap3A_217, %swap3A_218], %swap3A_221 {strides = array<i32>} : memref<128x256xf32, #tpu.memory_space<vmem>>, vector<1x16xf32>,
      %get3A_222 = arith.index_cast %scan3A_192 : i32 to index
      %get3A_223 = arith.constant 48 : index
      %get3A_224 = tpu.vector_load %arg15[%get3A_222, %get3A_223] {strides = array<i32>} : memref<128x256xf32, #tpu.memory_space<vmem>>, vector<1x16xf32>,
      %get3A_225 = vector.shape_cast %get3A_224 : vector<1x16xf32> to vector<16xf32>
      %add3A_226 = arith.addf %get3A_225, %get3A_11 : vector<16xf32>
      %swap3A_227 = arith.index_cast %scan3A_192 : i32 to index
      %swap3A_228 = arith.constant 48 : index
      %swap3A_229 = tpu.vector_load %arg15[%swap3A_227, %swap3A_228] {strides = array<i32>} : memref<128x256xf32, #tpu.memory_space<vmem>>, vector<1x16xf32>,
      %swap3A_230 = vector.shape_cast %swap3A_229 : vector<1x16xf32> to vector<16xf32>
      %swap3A_231 = vector.shape_cast %add3A_226 : vector<16xf32> to vector<1x16xf32>
      tpu.vector_store %arg15[%swap3A_227, %swap3A_228], %swap3A_231 {strides = array<i32>} : memref<128x256xf32, #tpu.memory_space<vmem>>, vector<1x16xf32>,
      %get3A_232 = arith.index_cast %scan3A_192 : i32 to index
      %get3A_233 = arith.constant 64 : index
      %get3A_234 = tpu.vector_load %arg15[%get3A_232, %get3A_233] {strides = array<i32>} : memref<128x256xf32, #tpu.memory_space<vmem>>, vector<1x16xf32>,
      %get3A_235 = vector.shape_cast %get3A_234 : vector<1x16xf32> to vector<16xf32>
      %add3A_236 = arith.addf %get3A_235, %get3A_14 : vector<16xf32>
      %swap3A_237 = arith.index_cast %scan3A_192 : i32 to index
      %swap3A_238 = arith.constant 64 : index
      %swap3A_239 = tpu.vector_load %arg15[%swap3A_237, %swap3A_238] {strides = array<i32>} : memref<128x256xf32, #tpu.memory_space<vmem>>, vector<1x16xf32>,
      %swap3A_240 = vector.shape_cast %swap3A_239 : vector<1x16xf32> to vector<16xf32>
      %swap3A_241 = vector.shape_cast %add3A_236 : vector<16xf32> to vector<1x16xf32>
      tpu.vector_store %arg15[%swap3A_237, %swap3A_238], %swap3A_241 {strides = array<i32>} : memref<128x256xf32, #tpu.memory_space<vmem>>, vector<1x16xf32>,
      %get3A_242 = arith.index_cast %scan3A_192 : i32 to index
      %get3A_243 = arith.constant 80 : index
      %get3A_244 = tpu.vector_load %arg15[%get3A_242, %get3A_243] {strides = array<i32>} : memref<128x256xf32, #tpu.memory_space<vmem>>, vector<1x16xf32>,
      %get3A_245 = vector.shape_cast %get3A_244 : vector<1x16xf32> to vector<16xf32>
      %add3A_246 = arith.addf %get3A_245, %get3A_17 : vector<16xf32>
      %swap3A_247 = arith.index_cast %scan3A_192 : i32 to index
      %swap3A_248 = arith.constant 80 : index
      %swap3A_249 = tpu.vector_load %arg15[%swap3A_247, %swap3A_248] {strides = array<i32>} : memref<128x256xf32, #tpu.memory_space<vmem>>, vector<1x16xf32>,
      %swap3A_250 = vector.shape_cast %swap3A_249 : vector<1x16xf32> to vector<16xf32>
      %swap3A_251 = vector.shape_cast %add3A_246 : vector<16xf32> to vector<1x16xf32>
      tpu.vector_store %arg15[%swap3A_247, %swap3A_248], %swap3A_251 {strides = array<i32>} : memref<128x256xf32, #tpu.memory_space<vmem>>, vector<1x16xf32>,
      %get3A_252 = arith.index_cast %scan3A_192 : i32 to index
      %get3A_253 = arith.constant 96 : index
      %get3A_254 = tpu.vector_load %arg15[%get3A_252, %get3A_253] {strides = array<i32>} : memref<128x256xf32, #tpu.memory_space<vmem>>, vector<1x16xf32>,
      %get3A_255 = vector.shape_cast %get3A_254 : vector<1x16xf32> to vector<16xf32>
      %add3A_256 = arith.addf %get3A_255, %get3A_20 : vector<16xf32>
      %swap3A_257 = arith.index_cast %scan3A_192 : i32 to index
      %swap3A_258 = arith.constant 96 : index
      %swap3A_259 = tpu.vector_load %arg15[%swap3A_257, %swap3A_258] {strides = array<i32>} : memref<128x256xf32, #tpu.memory_space<vmem>>, vector<1x16xf32>,
      %swap3A_260 = vector.shape_cast %swap3A_259 : vector<1x16xf32> to vector<16xf32>
      %swap3A_261 = vector.shape_cast %add3A_256 : vector<16xf32> to vector<1x16xf32>
      tpu.vector_store %arg15[%swap3A_257, %swap3A_258], %swap3A_261 {strides = array<i32>} : memref<128x256xf32, #tpu.memory_space<vmem>>, vector<1x16xf32>,
      %get3A_262 = arith.index_cast %scan3A_192 : i32 to index
      %get3A_263 = arith.constant 112 : index
      %get3A_264 = tpu.vector_load %arg15[%get3A_262, %get3A_263] {strides = array<i32>} : memref<128x256xf32, #tpu.memory_space<vmem>>, vector<1x16xf32>,
      %get3A_265 = vector.shape_cast %get3A_264 : vector<1x16xf32> to vector<16xf32>
      %add3A_266 = arith.addf %get3A_265, %get3A_23 : vector<16xf32>
      %swap3A_267 = arith.index_cast %scan3A_192 : i32 to index
      %swap3A_268 = arith.constant 112 : index
      %swap3A_269 = tpu.vector_load %arg15[%swap3A_267, %swap3A_268] {strides = array<i32>} : memref<128x256xf32, #tpu.memory_space<vmem>>, vector<1x16xf32>,
      %swap3A_270 = vector.shape_cast %swap3A_269 : vector<1x16xf32> to vector<16xf32>
      %swap3A_271 = vector.shape_cast %add3A_266 : vector<16xf32> to vector<1x16xf32>
      tpu.vector_store %arg15[%swap3A_267, %swap3A_268], %swap3A_271 {strides = array<i32>} : memref<128x256xf32, #tpu.memory_space<vmem>>, vector<1x16xf32>,
      %get3A_272 = arith.index_cast %scan3A_192 : i32 to index
      %get3A_273 = arith.constant 128 : index
      %get3A_274 = tpu.vector_load %arg15[%get3A_272, %get3A_273] {strides = array<i32>} : memref<128x256xf32, #tpu.memory_space<vmem>>, vector<1x16xf32>,
      %get3A_275 = vector.shape_cast %get3A_274 : vector<1x16xf32> to vector<16xf32>
      %add3A_276 = arith.addf %get3A_275, %get3A_26 : vector<16xf32>
      %swap3A_277 = arith.index_cast %scan3A_192 : i32 to index
      %swap3A_278 = arith.constant 128 : index
      %swap3A_279 = tpu.vector_load %arg15[%swap3A_277, %swap3A_278] {strides = array<i32>} : memref<128x256xf32, #tpu.memory_space<vmem>>, vector<1x16xf32>,
      %swap3A_280 = vector.shape_cast %swap3A_279 : vector<1x16xf32> to vector<16xf32>
      %swap3A_281 = vector.shape_cast %add3A_276 : vector<16xf32> to vector<1x16xf32>
      tpu.vector_store %arg15[%swap3A_277, %swap3A_278], %swap3A_281 {strides = array<i32>} : memref<128x256xf32, #tpu.memory_space<vmem>>, vector<1x16xf32>,
      %get3A_282 = arith.index_cast %scan3A_192 : i32 to index
      %get3A_283 = arith.constant 144 : index
      %get3A_284 = tpu.vector_load %arg15[%get3A_282, %get3A_283] {strides = array<i32>} : memref<128x256xf32, #tpu.memory_space<vmem>>, vector<1x16xf32>,
      %get3A_285 = vector.shape_cast %get3A_284 : vector<1x16xf32> to vector<16xf32>
      %add3A_286 = arith.addf %get3A_285, %get3A_29 : vector<16xf32>
      %swap3A_287 = arith.index_cast %scan3A_192 : i32 to index
      %swap3A_288 = arith.constant 144 : index
      %swap3A_289 = tpu.vector_load %arg15[%swap3A_287, %swap3A_288] {strides = array<i32>} : memref<128x256xf32, #tpu.memory_space<vmem>>, vector<1x16xf32>,
      %swap3A_290 = vector.shape_cast %swap3A_289 : vector<1x16xf32> to vector<16xf32>
      %swap3A_291 = vector.shape_cast %add3A_286 : vector<16xf32> to vector<1x16xf32>
      tpu.vector_store %arg15[%swap3A_287, %swap3A_288], %swap3A_291 {strides = array<i32>} : memref<128x256xf32, #tpu.memory_space<vmem>>, vector<1x16xf32>,
      %get3A_292 = arith.index_cast %scan3A_192 : i32 to index
      %get3A_293 = arith.constant 160 : index
      %get3A_294 = tpu.vector_load %arg15[%get3A_292, %get3A_293] {strides = array<i32>} : memref<128x256xf32, #tpu.memory_space<vmem>>, vector<1x16xf32>,
      %get3A_295 = vector.shape_cast %get3A_294 : vector<1x16xf32> to vector<16xf32>
      %add3A_296 = arith.addf %get3A_295, %get3A_32 : vector<16xf32>
      %swap3A_297 = arith.index_cast %scan3A_192 : i32 to index
      %swap3A_298 = arith.constant 160 : index
      %swap3A_299 = tpu.vector_load %arg15[%swap3A_297, %swap3A_298] {strides = array<i32>} : memref<128x256xf32, #tpu.memory_space<vmem>>, vector<1x16xf32>,
      %swap3A_300 = vector.shape_cast %swap3A_299 : vector<1x16xf32> to vector<16xf32>
      %swap3A_301 = vector.shape_cast %add3A_296 : vector<16xf32> to vector<1x16xf32>
      tpu.vector_store %arg15[%swap3A_297, %swap3A_298], %swap3A_301 {strides = array<i32>} : memref<128x256xf32, #tpu.memory_space<vmem>>, vector<1x16xf32>,
      %get3A_302 = arith.index_cast %scan3A_192 : i32 to index
      %get3A_303 = arith.constant 176 : index
      %get3A_304 = tpu.vector_load %arg15[%get3A_302, %get3A_303] {strides = array<i32>} : memref<128x256xf32, #tpu.memory_space<vmem>>, vector<1x16xf32>,
      %get3A_305 = vector.shape_cast %get3A_304 : vector<1x16xf32> to vector<16xf32>
      %add3A_306 = arith.addf %get3A_305, %get3A_35 : vector<16xf32>
      %swap3A_307 = arith.index_cast %scan3A_192 : i32 to index
      %swap3A_308 = arith.constant 176 : index
      %swap3A_309 = tpu.vector_load %arg15[%swap3A_307, %swap3A_308] {strides = array<i32>} : memref<128x256xf32, #tpu.memory_space<vmem>>, vector<1x16xf32>,
      %swap3A_310 = vector.shape_cast %swap3A_309 : vector<1x16xf32> to vector<16xf32>
      %swap3A_311 = vector.shape_cast %add3A_306 : vector<16xf32> to vector<1x16xf32>
      tpu.vector_store %arg15[%swap3A_307, %swap3A_308], %swap3A_311 {strides = array<i32>} : memref<128x256xf32, #tpu.memory_space<vmem>>, vector<1x16xf32>,
      %get3A_312 = arith.index_cast %scan3A_192 : i32 to index
      %get3A_313 = arith.constant 192 : index
      %get3A_314 = tpu.vector_load %arg15[%get3A_312, %get3A_313] {strides = array<i32>} : memref<128x256xf32, #tpu.memory_space<vmem>>, vector<1x16xf32>,
      %get3A_315 = vector.shape_cast %get3A_314 : vector<1x16xf32> to vector<16xf32>
      %add3A_316 = arith.addf %get3A_315, %get3A_38 : vector<16xf32>
      %swap3A_317 = arith.index_cast %scan3A_192 : i32 to index
      %swap3A_318 = arith.constant 192 : index
      %swap3A_319 = tpu.vector_load %arg15[%swap3A_317, %swap3A_318] {strides = array<i32>} : memref<128x256xf32, #tpu.memory_space<vmem>>, vector<1x16xf32>,
      %swap3A_320 = vector.shape_cast %swap3A_319 : vector<1x16xf32> to vector<16xf32>
      %swap3A_321 = vector.shape_cast %add3A_316 : vector<16xf32> to vector<1x16xf32>
      tpu.vector_store %arg15[%swap3A_317, %swap3A_318], %swap3A_321 {strides = array<i32>} : memref<128x256xf32, #tpu.memory_space<vmem>>, vector<1x16xf32>,
      %get3A_322 = arith.index_cast %scan3A_192 : i32 to index
      %get3A_323 = arith.constant 208 : index
      %get3A_324 = tpu.vector_load %arg15[%get3A_322, %get3A_323] {strides = array<i32>} : memref<128x256xf32, #tpu.memory_space<vmem>>, vector<1x16xf32>,
      %get3A_325 = vector.shape_cast %get3A_324 : vector<1x16xf32> to vector<16xf32>
      %add3A_326 = arith.addf %get3A_325, %get3A_41 : vector<16xf32>
      %swap3A_327 = arith.index_cast %scan3A_192 : i32 to index
      %swap3A_328 = arith.constant 208 : index
      %swap3A_329 = tpu.vector_load %arg15[%swap3A_327, %swap3A_328] {strides = array<i32>} : memref<128x256xf32, #tpu.memory_space<vmem>>, vector<1x16xf32>,
      %swap3A_330 = vector.shape_cast %swap3A_329 : vector<1x16xf32> to vector<16xf32>
      %swap3A_331 = vector.shape_cast %add3A_326 : vector<16xf32> to vector<1x16xf32>
      tpu.vector_store %arg15[%swap3A_327, %swap3A_328], %swap3A_331 {strides = array<i32>} : memref<128x256xf32, #tpu.memory_space<vmem>>, vector<1x16xf32>,
      %get3A_332 = arith.index_cast %scan3A_192 : i32 to index
      %get3A_333 = arith.constant 224 : index
      %get3A_334 = tpu.vector_load %arg15[%get3A_332, %get3A_333] {strides = array<i32>} : memref<128x256xf32, #tpu.memory_space<vmem>>, vector<1x16xf32>,
      %get3A_335 = vector.shape_cast %get3A_334 : vector<1x16xf32> to vector<16xf32>
      %add3A_336 = arith.addf %get3A_335, %get3A_44 : vector<16xf32>
      %swap3A_337 = arith.index_cast %scan3A_192 : i32 to index
      %swap3A_338 = arith.constant 224 : index
      %swap3A_339 = tpu.vector_load %arg15[%swap3A_337, %swap3A_338] {strides = array<i32>} : memref<128x256xf32, #tpu.memory_space<vmem>>, vector<1x16xf32>,
      %swap3A_340 = vector.shape_cast %swap3A_339 : vector<1x16xf32> to vector<16xf32>
      %swap3A_341 = vector.shape_cast %add3A_336 : vector<16xf32> to vector<1x16xf32>
      tpu.vector_store %arg15[%swap3A_337, %swap3A_338], %swap3A_341 {strides = array<i32>} : memref<128x256xf32, #tpu.memory_space<vmem>>, vector<1x16xf32>,
      %get3A_342 = arith.index_cast %scan3A_192 : i32 to index
      %get3A_343 = arith.constant 240 : index
      %get3A_344 = tpu.vector_load %arg15[%get3A_342, %get3A_343] {strides = array<i32>} : memref<128x256xf32, #tpu.memory_space<vmem>>, vector<1x16xf32>,
      %get3A_345 = vector.shape_cast %get3A_344 : vector<1x16xf32> to vector<16xf32>
      %add3A_346 = arith.addf %get3A_345, %get3A_47 : vector<16xf32>
      %swap3A_347 = arith.index_cast %scan3A_192 : i32 to index
      %swap3A_348 = arith.constant 240 : index
      %swap3A_349 = tpu.vector_load %arg15[%swap3A_347, %swap3A_348] {strides = array<i32>} : memref<128x256xf32, #tpu.memory_space<vmem>>, vector<1x16xf32>,
      %swap3A_350 = vector.shape_cast %swap3A_349 : vector<1x16xf32> to vector<16xf32>
      %swap3A_351 = vector.shape_cast %add3A_346 : vector<16xf32> to vector<1x16xf32>
      tpu.vector_store %arg15[%swap3A_347, %swap3A_348], %swap3A_351 {strides = array<i32>} : memref<128x256xf32, #tpu.memory_space<vmem>>, vector<1x16xf32>,
    }
    %scan3A_54 = arith.constant 64 : i32
    %mul3A_55 = arith.constant 1024 : i32
    %mul3A_56 = arith.muli %arg0, %mul3A_55 : i32
    %add3A_57 = arith.addi %mul3A_56, %mul3A_49 : i32
    "tpu.region"() ({
      %run_scoped3A = tpu.sem_alloc : memref<!tpu.dma_semaphore, #tpu.memory_space<semaphore_mem>>
      %dma_start3A_192 = arith.constant 0 : i32
      %dma_start3A_193 = arith.constant 0 : i32
      %dma_start3A_194 = tpu.memref_slice %arg15[%dma_start3A_192, %dma_start3A_193] : memref<128x256xf32, #tpu.memory_space<vmem>> -> memref<64x256xf32, #tpu.memory_space<vmem>>
      %dma_start3A_195 = arith.constant 0 : i32
      %dma_start3A_196 = tpu.memref_slice %arg11[%add3A_57, %dma_start3A_195] : memref<2048x256xf32, #tpu.memory_space<hbm>> -> memref<64x256xf32, #tpu.memory_space<hbm>>
      %dma_start3A_197 = arith.constant 0 : i32
      %dma_start3A_198 = tpu.memref_slice %arg11[%add3A_57, %dma_start3A_197] : memref<2048x256xf32, #tpu.memory_space<hbm>> -> memref<64x256xf32, #tpu.memory_space<hbm>>
      %dma_start3A_199 = arith.constant 0 : i32
      %dma_start3A_200 = arith.constant 0 : i32
      %dma_start3A_201 = tpu.memref_slice %arg15[%dma_start3A_199, %dma_start3A_200] : memref<128x256xf32, #tpu.memory_space<vmem>> -> memref<64x256xf32, #tpu.memory_space<vmem>>
      tpu.enqueue_dma source(%dma_start3A_201 : memref<64x256xf32, #tpu.memory_space<vmem>>) target(%dma_start3A_198 : memref<64x256xf32, #tpu.memory_space<hbm>>) target_semaphore(%run_scoped3A : memref<!tpu.dma_semaphore, #tpu.memory_space<semaphore_mem>>)
      %dma_wait3A_202 = arith.constant 0 : i32
      %dma_wait3A_203 = arith.constant 0 : i32
      %dma_wait3A_204 = tpu.memref_slice %arg15[%dma_wait3A_202, %dma_wait3A_203] : memref<128x256xf32, #tpu.memory_space<vmem>> -> memref<64x256xf32, #tpu.memory_space<vmem>>
      %dma_wait3A_205 = arith.constant 0 : i32
      %dma_wait3A_206 = tpu.memref_slice %arg11[%add3A_57, %dma_wait3A_205] : memref<2048x256xf32, #tpu.memory_space<hbm>> -> memref<64x256xf32, #tpu.memory_space<hbm>>
      %dma_wait3A_207 = arith.constant 0 : i32
      %dma_wait3A_208 = tpu.memref_slice %arg11[%add3A_57, %dma_wait3A_207] : memref<2048x256xf32, #tpu.memory_space<hbm>> -> memref<64x256xf32, #tpu.memory_space<hbm>>
      %dma_wait3A_209 = arith.constant 0 : i32
      %dma_wait3A_210 = arith.constant 0 : i32
      %dma_wait3A_211 = tpu.memref_slice %arg15[%dma_wait3A_209, %dma_wait3A_210] : memref<128x256xf32, #tpu.memory_space<vmem>> -> memref<64x256xf32, #tpu.memory_space<vmem>>
      tpu.wait_dma2 semaphore(%run_scoped3A : memref<!tpu.dma_semaphore, #tpu.memory_space<semaphore_mem>>) src(%dma_wait3A_211 : memref<64x256xf32, #tpu.memory_space<vmem>>) dst(%dma_wait3A_208 : memref<64x256xf32, #tpu.memory_space<hbm>>)
      tpu.yield
    }) : () -> ()
    %barrier3A = arith.constant 0 : index
    tpu.barrier barrier_id(%barrier3A)
    %mul3A_58 = arith.constant 3072 : i32
    %mul3A_59 = arith.muli %add3A, %mul3A_58 : i32
    %dma_start3A = arith.constant 0 : i32
    %dma_start3A_60 = arith.constant 0 : i32
    %dma_start3A_61 = arith.constant 0 : i32
    %dma_start3A_62 = tpu.memref_slice %arg17[%dma_start3A_60, %dma_start3A_61] : memref<192x256xf32, #tpu.memory_space<vmem>> -> memref<96x256xf32, #tpu.memory_space<vmem>>
    %dma_start3A_63 = arith.constant 0 : i32
    %dma_start3A_64 = tpu.memref_slice %arg14[%dma_start3A, %dma_start3A_63] : memref<32x96xi32, #tpu.memory_space<vmem>> -> memref<1x96xi32, #tpu.memory_space<vmem>>
    %dma_start3A_65 = tpu.memref_squeeze %dma_start3A_64 : memref<1x96xi32, #tpu.memory_space<vmem>> -> memref<96xi32, #tpu.memory_space<vmem>>
    %dma_start3A_66 = arith.constant 0 : i32
    %dma_start3A_67 = arith.constant 0 : i32
    %dma_start3A_68 = tpu.memref_slice %arg11[%dma_start3A_66, %dma_start3A_67] : memref<2048x256xf32, #tpu.memory_space<hbm>> -> memref<2048x256xf32, #tpu.memory_space<hbm>>
    tpu.enqueue_indirect_dma source(%dma_start3A_68 : memref<2048x256xf32, #tpu.memory_space<hbm>>) target(%dma_start3A_62 : memref<96x256xf32, #tpu.memory_space<vmem>>) offsets(%dma_start3A_65 : memref<96xi32, #tpu.memory_space<vmem>>) semaphore(%arg19 : memref<!tpu.dma_semaphore, #tpu.memory_space<semaphore_mem>>)
    %dma_start3A_69 = arith.constant 1 : i32
    %dma_start3A_70 = arith.constant 96 : i32
    %dma_start3A_71 = arith.constant 0 : i32
    %dma_start3A_72 = tpu.memref_slice %arg17[%dma_start3A_70, %dma_start3A_71] : memref<192x256xf32, #tpu.memory_space<vmem>> -> memref<96x256xf32, #tpu.memory_space<vmem>>
    %dma_start3A_73 = arith.constant 0 : i32
    %dma_start3A_74 = tpu.memref_slice %arg14[%dma_start3A_69, %dma_start3A_73] : memref<32x96xi32, #tpu.memory_space<vmem>> -> memref<1x96xi32, #tpu.memory_space<vmem>>
    %dma_start3A_75 = tpu.memref_squeeze %dma_start3A_74 : memref<1x96xi32, #tpu.memory_space<vmem>> -> memref<96xi32, #tpu.memory_space<vmem>>
    %dma_start3A_76 = arith.constant 0 : i32
    %dma_start3A_77 = arith.constant 0 : i32
    %dma_start3A_78 = tpu.memref_slice %arg11[%dma_start3A_76, %dma_start3A_77] : memref<2048x256xf32, #tpu.memory_space<hbm>> -> memref<2048x256xf32, #tpu.memory_space<hbm>>
    tpu.enqueue_indirect_dma source(%dma_start3A_78 : memref<2048x256xf32, #tpu.memory_space<hbm>>) target(%dma_start3A_72 : memref<96x256xf32, #tpu.memory_space<vmem>>) offsets(%dma_start3A_75 : memref<96xi32, #tpu.memory_space<vmem>>) semaphore(%arg20 : memref<!tpu.dma_semaphore, #tpu.memory_space<semaphore_mem>>)
    %scan3A_79 = arith.constant 0 : i32
    %scan3A_80 = arith.constant 0 : i32
    %scan3A_81 = arith.constant 16 : i32
    %scan3A_82 = arith.addi %scan3A_80, %scan3A_81 : i32
    %scan3A_83 = arith.constant 1 : i32
    scf.for %scan3A_192 = %scan3A_80 to %scan3A_82 step %scan3A_83  : i32 {
      %mul3A_193 = arith.constant 2 : i32
      %mul3A_194 = arith.muli %mul3A_193, %scan3A_192 : i32
      %add3A_195 = arith.constant 0 : i32
      %add3A_196 = arith.addi %mul3A_194, %add3A_195 : i32
      %dma_wait3A_197 = arith.constant 0 : i32
      %dma_wait3A_198 = arith.constant 0 : i32
      %dma_wait3A_199 = arith.constant 0 : i32
      %dma_wait3A_200 = tpu.memref_slice %arg17[%dma_wait3A_198, %dma_wait3A_199] : memref<192x256xf32, #tpu.memory_space<vmem>> -> memref<96x256xf32, #tpu.memory_space<vmem>>
      %dma_wait3A_201 = arith.constant 0 : i32
      %dma_wait3A_202 = tpu.memref_slice %arg14[%dma_wait3A_197, %dma_wait3A_201] : memref<32x96xi32, #tpu.memory_space<vmem>> -> memref<1x96xi32, #tpu.memory_space<vmem>>
      %dma_wait3A_203 = tpu.memref_squeeze %dma_wait3A_202 : memref<1x96xi32, #tpu.memory_space<vmem>> -> memref<96xi32, #tpu.memory_space<vmem>>
      %dma_wait3A_204 = arith.constant 0 : i32
      %dma_wait3A_205 = arith.constant 0 : i32
      %dma_wait3A_206 = tpu.memref_slice %arg11[%dma_wait3A_204, %dma_wait3A_205] : memref<2048x256xf32, #tpu.memory_space<hbm>> -> memref<2048x256xf32, #tpu.memory_space<hbm>>
      tpu.wait_indirect_dma semaphore(%arg19 : memref<!tpu.dma_semaphore, #tpu.memory_space<semaphore_mem>>) src(%dma_wait3A_206 : memref<2048x256xf32, #tpu.memory_space<hbm>>) dst(%dma_wait3A_200 : memref<96x256xf32, #tpu.memory_space<vmem>>)
      %mul3A_207 = arith.constant 96 : i32
      %mul3A_208 = arith.muli %add3A_196, %mul3A_207 : i32
      %add3A_209 = arith.addi %mul3A_59, %mul3A_208 : i32
      "tpu.region"() ({
        %run_scoped3A = tpu.sem_alloc : memref<!tpu.dma_semaphore, #tpu.memory_space<semaphore_mem>>
        %dma_start3A_252 = arith.constant 0 : i32
        %dma_start3A_253 = arith.constant 0 : i32
        %dma_start3A_254 = tpu.memref_slice %arg17[%dma_start3A_252, %dma_start3A_253] : memref<192x256xf32, #tpu.memory_space<vmem>> -> memref<96x256xf32, #tpu.memory_space<vmem>>
        %dma_start3A_255 = arith.constant 0 : i32
        %dma_start3A_256 = tpu.memref_slice %arg10[%add3A_209, %dma_start3A_255] : memref<98304x256xf32, #tpu.memory_space<hbm>> -> memref<96x256xf32, #tpu.memory_space<hbm>>
        %dma_start3A_257 = arith.constant 0 : i32
        %dma_start3A_258 = tpu.memref_slice %arg10[%add3A_209, %dma_start3A_257] : memref<98304x256xf32, #tpu.memory_space<hbm>> -> memref<96x256xf32, #tpu.memory_space<hbm>>
        %dma_start3A_259 = arith.constant 0 : i32
        %dma_start3A_260 = arith.constant 0 : i32
        %dma_start3A_261 = tpu.memref_slice %arg17[%dma_start3A_259, %dma_start3A_260] : memref<192x256xf32, #tpu.memory_space<vmem>> -> memref<96x256xf32, #tpu.memory_space<vmem>>
        tpu.enqueue_dma source(%dma_start3A_261 : memref<96x256xf32, #tpu.memory_space<vmem>>) target(%dma_start3A_258 : memref<96x256xf32, #tpu.memory_space<hbm>>) target_semaphore(%run_scoped3A : memref<!tpu.dma_semaphore, #tpu.memory_space<semaphore_mem>>)
        %dma_wait3A_262 = arith.constant 0 : i32
        %dma_wait3A_263 = arith.constant 0 : i32
        %dma_wait3A_264 = tpu.memref_slice %arg17[%dma_wait3A_262, %dma_wait3A_263] : memref<192x256xf32, #tpu.memory_space<vmem>> -> memref<96x256xf32, #tpu.memory_space<vmem>>
        %dma_wait3A_265 = arith.constant 0 : i32
        %dma_wait3A_266 = tpu.memref_slice %arg10[%add3A_209, %dma_wait3A_265] : memref<98304x256xf32, #tpu.memory_space<hbm>> -> memref<96x256xf32, #tpu.memory_space<hbm>>
        %dma_wait3A_267 = arith.constant 0 : i32
        %dma_wait3A_268 = tpu.memref_slice %arg10[%add3A_209, %dma_wait3A_267] : memref<98304x256xf32, #tpu.memory_space<hbm>> -> memref<96x256xf32, #tpu.memory_space<hbm>>
        %dma_wait3A_269 = arith.constant 0 : i32
        %dma_wait3A_270 = arith.constant 0 : i32
        %dma_wait3A_271 = tpu.memref_slice %arg17[%dma_wait3A_269, %dma_wait3A_270] : memref<192x256xf32, #tpu.memory_space<vmem>> -> memref<96x256xf32, #tpu.memory_space<vmem>>
        tpu.wait_dma2 semaphore(%run_scoped3A : memref<!tpu.dma_semaphore, #tpu.memory_space<semaphore_mem>>) src(%dma_wait3A_271 : memref<96x256xf32, #tpu.memory_space<vmem>>) dst(%dma_wait3A_268 : memref<96x256xf32, #tpu.memory_space<hbm>>)
        tpu.yield
      }) : () -> ()
      %add3A_210 = arith.constant 2 : i32
      %add3A_211 = arith.addi %add3A_196, %add3A_210 : i32
      %min3A = arith.constant 31 : i32
      %min3A_212 = arith.minsi %add3A_211, %min3A : i32
      %dma_start3A_213 = arith.constant 0 : i32
      %dma_start3A_214 = arith.constant 0 : i32
      %dma_start3A_215 = tpu.memref_slice %arg17[%dma_start3A_213, %dma_start3A_214] : memref<192x256xf32, #tpu.memory_space<vmem>> -> memref<96x256xf32, #tpu.memory_space<vmem>>
      %dma_start3A_216 = arith.constant 0 : i32
      %dma_start3A_217 = tpu.memref_slice %arg14[%min3A_212, %dma_start3A_216] : memref<32x96xi32, #tpu.memory_space<vmem>> -> memref<1x96xi32, #tpu.memory_space<vmem>>
      %dma_start3A_218 = tpu.memref_squeeze %dma_start3A_217 : memref<1x96xi32, #tpu.memory_space<vmem>> -> memref<96xi32, #tpu.memory_space<vmem>>
      %dma_start3A_219 = arith.constant 0 : i32
      %dma_start3A_220 = arith.constant 0 : i32
      %dma_start3A_221 = tpu.memref_slice %arg11[%dma_start3A_219, %dma_start3A_220] : memref<2048x256xf32, #tpu.memory_space<hbm>> -> memref<2048x256xf32, #tpu.memory_space<hbm>>
      tpu.enqueue_indirect_dma source(%dma_start3A_221 : memref<2048x256xf32, #tpu.memory_space<hbm>>) target(%dma_start3A_215 : memref<96x256xf32, #tpu.memory_space<vmem>>) offsets(%dma_start3A_218 : memref<96xi32, #tpu.memory_space<vmem>>) semaphore(%arg19 : memref<!tpu.dma_semaphore, #tpu.memory_space<semaphore_mem>>)
      %mul3A_222 = arith.constant 2 : i32
      %mul3A_223 = arith.muli %mul3A_222, %scan3A_192 : i32
      %add3A_224 = arith.constant 1 : i32
      %add3A_225 = arith.addi %mul3A_223, %add3A_224 : i32
      %dma_wait3A_226 = arith.constant 0 : i32
      %dma_wait3A_227 = arith.constant 96 : i32
      %dma_wait3A_228 = arith.constant 0 : i32
      %dma_wait3A_229 = tpu.memref_slice %arg17[%dma_wait3A_227, %dma_wait3A_228] : memref<192x256xf32, #tpu.memory_space<vmem>> -> memref<96x256xf32, #tpu.memory_space<vmem>>
      %dma_wait3A_230 = arith.constant 0 : i32
      %dma_wait3A_231 = tpu.memref_slice %arg14[%dma_wait3A_226, %dma_wait3A_230] : memref<32x96xi32, #tpu.memory_space<vmem>> -> memref<1x96xi32, #tpu.memory_space<vmem>>
      %dma_wait3A_232 = tpu.memref_squeeze %dma_wait3A_231 : memref<1x96xi32, #tpu.memory_space<vmem>> -> memref<96xi32, #tpu.memory_space<vmem>>
      %dma_wait3A_233 = arith.constant 0 : i32
      %dma_wait3A_234 = arith.constant 0 : i32
      %dma_wait3A_235 = tpu.memref_slice %arg11[%dma_wait3A_233, %dma_wait3A_234] : memref<2048x256xf32, #tpu.memory_space<hbm>> -> memref<2048x256xf32, #tpu.memory_space<hbm>>
      tpu.wait_indirect_dma semaphore(%arg20 : memref<!tpu.dma_semaphore, #tpu.memory_space<semaphore_mem>>) src(%dma_wait3A_235 : memref<2048x256xf32, #tpu.memory_space<hbm>>) dst(%dma_wait3A_229 : memref<96x256xf32, #tpu.memory_space<vmem>>)
      %mul3A_236 = arith.constant 96 : i32
      %mul3A_237 = arith.muli %add3A_225, %mul3A_236 : i32
      %add3A_238 = arith.addi %mul3A_59, %mul3A_237 : i32
      "tpu.region"() ({
        %run_scoped3A = tpu.sem_alloc : memref<!tpu.dma_semaphore, #tpu.memory_space<semaphore_mem>>
        %dma_start3A_252 = arith.constant 96 : i32
        %dma_start3A_253 = arith.constant 0 : i32
        %dma_start3A_254 = tpu.memref_slice %arg17[%dma_start3A_252, %dma_start3A_253] : memref<192x256xf32, #tpu.memory_space<vmem>> -> memref<96x256xf32, #tpu.memory_space<vmem>>
        %dma_start3A_255 = arith.constant 0 : i32
        %dma_start3A_256 = tpu.memref_slice %arg10[%add3A_238, %dma_start3A_255] : memref<98304x256xf32, #tpu.memory_space<hbm>> -> memref<96x256xf32, #tpu.memory_space<hbm>>
        %dma_start3A_257 = arith.constant 0 : i32
        %dma_start3A_258 = tpu.memref_slice %arg10[%add3A_238, %dma_start3A_257] : memref<98304x256xf32, #tpu.memory_space<hbm>> -> memref<96x256xf32, #tpu.memory_space<hbm>>
        %dma_start3A_259 = arith.constant 96 : i32
        %dma_start3A_260 = arith.constant 0 : i32
        %dma_start3A_261 = tpu.memref_slice %arg17[%dma_start3A_259, %dma_start3A_260] : memref<192x256xf32, #tpu.memory_space<vmem>> -> memref<96x256xf32, #tpu.memory_space<vmem>>
        tpu.enqueue_dma source(%dma_start3A_261 : memref<96x256xf32, #tpu.memory_space<vmem>>) target(%dma_start3A_258 : memref<96x256xf32, #tpu.memory_space<hbm>>) target_semaphore(%run_scoped3A : memref<!tpu.dma_semaphore, #tpu.memory_space<semaphore_mem>>)
        %dma_wait3A_262 = arith.constant 96 : i32
        %dma_wait3A_263 = arith.constant 0 : i32
        %dma_wait3A_264 = tpu.memref_slice %arg17[%dma_wait3A_262, %dma_wait3A_263] : memref<192x256xf32, #tpu.memory_space<vmem>> -> memref<96x256xf32, #tpu.memory_space<vmem>>
        %dma_wait3A_265 = arith.constant 0 : i32
        %dma_wait3A_266 = tpu.memref_slice %arg10[%add3A_238, %dma_wait3A_265] : memref<98304x256xf32, #tpu.memory_space<hbm>> -> memref<96x256xf32, #tpu.memory_space<hbm>>
        %dma_wait3A_267 = arith.constant 0 : i32
        %dma_wait3A_268 = tpu.memref_slice %arg10[%add3A_238, %dma_wait3A_267] : memref<98304x256xf32, #tpu.memory_space<hbm>> -> memref<96x256xf32, #tpu.memory_space<hbm>>
        %dma_wait3A_269 = arith.constant 96 : i32
        %dma_wait3A_270 = arith.constant 0 : i32
        %dma_wait3A_271 = tpu.memref_slice %arg17[%dma_wait3A_269, %dma_wait3A_270] : memref<192x256xf32, #tpu.memory_space<vmem>> -> memref<96x256xf32, #tpu.memory_space<vmem>>
        tpu.wait_dma2 semaphore(%run_scoped3A : memref<!tpu.dma_semaphore, #tpu.memory_space<semaphore_mem>>) src(%dma_wait3A_271 : memref<96x256xf32, #tpu.memory_space<vmem>>) dst(%dma_wait3A_268 : memref<96x256xf32, #tpu.memory_space<hbm>>)
        tpu.yield
      }) : () -> ()
      %add3A_239 = arith.constant 2 : i32
      %add3A_240 = arith.addi %add3A_225, %add3A_239 : i32
      %min3A_241 = arith.constant 31 : i32
      %min3A_242 = arith.minsi %add3A_240, %min3A_241 : i32
      %dma_start3A_243 = arith.constant 96 : i32
      %dma_start3A_244 = arith.constant 0 : i32
      %dma_start3A_245 = tpu.memref_slice %arg17[%dma_start3A_243, %dma_start3A_244] : memref<192x256xf32, #tpu.memory_space<vmem>> -> memref<96x256xf32, #tpu.memory_space<vmem>>
      %dma_start3A_246 = arith.constant 0 : i32
      %dma_start3A_247 = tpu.memref_slice %arg14[%min3A_242, %dma_start3A_246] : memref<32x96xi32, #tpu.memory_space<vmem>> -> memref<1x96xi32, #tpu.memory_space<vmem>>
      %dma_start3A_248 = tpu.memref_squeeze %dma_start3A_247 : memref<1x96xi32, #tpu.memory_space<vmem>> -> memref<96xi32, #tpu.memory_space<vmem>>
      %dma_start3A_249 = arith.constant 0 : i32
      %dma_start3A_250 = arith.constant 0 : i32
      %dma_start3A_251 = tpu.memref_slice %arg11[%dma_start3A_249, %dma_start3A_250] : memref<2048x256xf32, #tpu.memory_space<hbm>> -> memref<2048x256xf32, #tpu.memory_space<hbm>>
      tpu.enqueue_indirect_dma source(%dma_start3A_251 : memref<2048x256xf32, #tpu.memory_space<hbm>>) target(%dma_start3A_245 : memref<96x256xf32, #tpu.memory_space<vmem>>) offsets(%dma_start3A_248 : memref<96xi32, #tpu.memory_space<vmem>>) semaphore(%arg20 : memref<!tpu.dma_semaphore, #tpu.memory_space<semaphore_mem>>)
    }
    %scan3A_84 = arith.constant 16 : i32
    %dma_wait3A = arith.constant 0 : i32
    %dma_wait3A_85 = arith.constant 0 : i32
    %dma_wait3A_86 = arith.constant 0 : i32
    %dma_wait3A_87 = tpu.memref_slice %arg17[%dma_wait3A_85, %dma_wait3A_86] : memref<192x256xf32, #tpu.memory_space<vmem>> -> memref<96x256xf32, #tpu.memory_space<vmem>>
    %dma_wait3A_88 = arith.constant 0 : i32
    %dma_wait3A_89 = tpu.memref_slice %arg14[%dma_wait3A, %dma_wait3A_88] : memref<32x96xi32, #tpu.memory_space<vmem>> -> memref<1x96xi32, #tpu.memory_space<vmem>>
    %dma_wait3A_90 = tpu.memref_squeeze %dma_wait3A_89 : memref<1x96xi32, #tpu.memory_space<vmem>> -> memref<96xi32, #tpu.memory_space<vmem>>
    %dma_wait3A_91 = arith.constant 0 : i32
    %dma_wait3A_92 = arith.constant 0 : i32
    %dma_wait3A_93 = tpu.memref_slice %arg11[%dma_wait3A_91, %dma_wait3A_92] : memref<2048x256xf32, #tpu.memory_space<hbm>> -> memref<2048x256xf32, #tpu.memory_space<hbm>>
    tpu.wait_indirect_dma semaphore(%arg19 : memref<!tpu.dma_semaphore, #tpu.memory_space<semaphore_mem>>) src(%dma_wait3A_93 : memref<2048x256xf32, #tpu.memory_space<hbm>>) dst(%dma_wait3A_87 : memref<96x256xf32, #tpu.memory_space<vmem>>)
    %dma_wait3A_94 = arith.constant 0 : i32
    %dma_wait3A_95 = arith.constant 96 : i32
    %dma_wait3A_96 = arith.constant 0 : i32
    %dma_wait3A_97 = tpu.memref_slice %arg17[%dma_wait3A_95, %dma_wait3A_96] : memref<192x256xf32, #tpu.memory_space<vmem>> -> memref<96x256xf32, #tpu.memory_space<vmem>>
    %dma_wait3A_98 = arith.constant 0 : i32
    %dma_wait3A_99 = tpu.memref_slice %arg14[%dma_wait3A_94, %dma_wait3A_98] : memref<32x96xi32, #tpu.memory_space<vmem>> -> memref<1x96xi32, #tpu.memory_space<vmem>>
    %dma_wait3A_100 = tpu.memref_squeeze %dma_wait3A_99 : memref<1x96xi32, #tpu.memory_space<vmem>> -> memref<96xi32, #tpu.memory_space<vmem>>
    %dma_wait3A_101 = arith.constant 0 : i32
    %dma_wait3A_102 = arith.constant 0 : i32
    %dma_wait3A_103 = tpu.memref_slice %arg11[%dma_wait3A_101, %dma_wait3A_102] : memref<2048x256xf32, #tpu.memory_space<hbm>> -> memref<2048x256xf32, #tpu.memory_space<hbm>>
    tpu.wait_indirect_dma semaphore(%arg20 : memref<!tpu.dma_semaphore, #tpu.memory_space<semaphore_mem>>) src(%dma_wait3A_103 : memref<2048x256xf32, #tpu.memory_space<hbm>>) dst(%dma_wait3A_97 : memref<96x256xf32, #tpu.memory_space<vmem>>)
    %mul3A_104 = arith.constant 1024 : i32
    %mul3A_105 = arith.muli %add3A, %mul3A_104 : i32
    %dma_start3A_106 = arith.constant 0 : i32
    %dma_start3A_107 = arith.constant 0 : i32
    %dma_start3A_108 = arith.constant 0 : i32
    %dma_start3A_109 = tpu.memref_slice %arg15[%dma_start3A_107, %dma_start3A_108] : memref<128x256xf32, #tpu.memory_space<vmem>> -> memref<64x256xf32, #tpu.memory_space<vmem>>
    %dma_start3A_110 = arith.constant 0 : i32
    %dma_start3A_111 = tpu.memref_slice %arg12[%dma_start3A_106, %dma_start3A_110] : memref<16x64xi32, #tpu.memory_space<vmem>> -> memref<1x64xi32, #tpu.memory_space<vmem>>
    %dma_start3A_112 = tpu.memref_squeeze %dma_start3A_111 : memref<1x64xi32, #tpu.memory_space<vmem>> -> memref<64xi32, #tpu.memory_space<vmem>>
    %dma_start3A_113 = arith.constant 0 : i32
    %dma_start3A_114 = arith.constant 0 : i32
    %dma_start3A_115 = tpu.memref_slice %arg2[%dma_start3A_113, %dma_start3A_114] : memref<131072x256xf32, #tpu.memory_space<hbm>> -> memref<131072x256xf32, #tpu.memory_space<hbm>>
    tpu.enqueue_indirect_dma source(%dma_start3A_115 : memref<131072x256xf32, #tpu.memory_space<hbm>>) target(%dma_start3A_109 : memref<64x256xf32, #tpu.memory_space<vmem>>) offsets(%dma_start3A_112 : memref<64xi32, #tpu.memory_space<vmem>>) semaphore(%arg19 : memref<!tpu.dma_semaphore, #tpu.memory_space<semaphore_mem>>)
    %dma_start3A_116 = arith.constant 0 : i32
    %dma_start3A_117 = arith.constant 0 : i32
    %dma_start3A_118 = arith.constant 0 : i32
    %dma_start3A_119 = tpu.memref_slice %arg16[%dma_start3A_117, %dma_start3A_118] : memref<128x256xf32, #tpu.memory_space<vmem>> -> memref<64x256xf32, #tpu.memory_space<vmem>>
    %dma_start3A_120 = arith.constant 0 : i32
    %dma_start3A_121 = tpu.memref_slice %arg13[%dma_start3A_116, %dma_start3A_120] : memref<16x64xi32, #tpu.memory_space<vmem>> -> memref<1x64xi32, #tpu.memory_space<vmem>>
    %dma_start3A_122 = tpu.memref_squeeze %dma_start3A_121 : memref<1x64xi32, #tpu.memory_space<vmem>> -> memref<64xi32, #tpu.memory_space<vmem>>
    %dma_start3A_123 = arith.constant 0 : i32
    %dma_start3A_124 = arith.constant 0 : i32
    %dma_start3A_125 = tpu.memref_slice %arg3[%dma_start3A_123, %dma_start3A_124] : memref<10000x256xf32, #tpu.memory_space<hbm>> -> memref<10000x256xf32, #tpu.memory_space<hbm>>
    tpu.enqueue_indirect_dma source(%dma_start3A_125 : memref<10000x256xf32, #tpu.memory_space<hbm>>) target(%dma_start3A_119 : memref<64x256xf32, #tpu.memory_space<vmem>>) offsets(%dma_start3A_122 : memref<64xi32, #tpu.memory_space<vmem>>) semaphore(%arg21 : memref<!tpu.dma_semaphore, #tpu.memory_space<semaphore_mem>>)
    %dma_start3A_126 = arith.constant 1 : i32
    %dma_start3A_127 = arith.constant 64 : i32
    %dma_start3A_128 = arith.constant 0 : i32
    %dma_start3A_129 = tpu.memref_slice %arg15[%dma_start3A_127, %dma_start3A_128] : memref<128x256xf32, #tpu.memory_space<vmem>> -> memref<64x256xf32, #tpu.memory_space<vmem>>
    %dma_start3A_130 = arith.constant 0 : i32
    %dma_start3A_131 = tpu.memref_slice %arg12[%dma_start3A_126, %dma_start3A_130] : memref<16x64xi32, #tpu.memory_space<vmem>> -> memref<1x64xi32, #tpu.memory_space<vmem>>
    %dma_start3A_132 = tpu.memref_squeeze %dma_start3A_131 : memref<1x64xi32, #tpu.memory_space<vmem>> -> memref<64xi32, #tpu.memory_space<vmem>>
    %dma_start3A_133 = arith.constant 0 : i32
    %dma_start3A_134 = arith.constant 0 : i32
    %dma_start3A_135 = tpu.memref_slice %arg2[%dma_start3A_133, %dma_start3A_134] : memref<131072x256xf32, #tpu.memory_space<hbm>> -> memref<131072x256xf32, #tpu.memory_space<hbm>>
    tpu.enqueue_indirect_dma source(%dma_start3A_135 : memref<131072x256xf32, #tpu.memory_space<hbm>>) target(%dma_start3A_129 : memref<64x256xf32, #tpu.memory_space<vmem>>) offsets(%dma_start3A_132 : memref<64xi32, #tpu.memory_space<vmem>>) semaphore(%arg20 : memref<!tpu.dma_semaphore, #tpu.memory_space<semaphore_mem>>)
    %dma_start3A_136 = arith.constant 1 : i32
    %dma_start3A_137 = arith.constant 64 : i32
    %dma_start3A_138 = arith.constant 0 : i32
    %dma_start3A_139 = tpu.memref_slice %arg16[%dma_start3A_137, %dma_start3A_138] : memref<128x256xf32, #tpu.memory_space<vmem>> -> memref<64x256xf32, #tpu.memory_space<vmem>>
    %dma_start3A_140 = arith.constant 0 : i32
    %dma_start3A_141 = tpu.memref_slice %arg13[%dma_start3A_136, %dma_start3A_140] : memref<16x64xi32, #tpu.memory_space<vmem>> -> memref<1x64xi32, #tpu.memory_space<vmem>>
    %dma_start3A_142 = tpu.memref_squeeze %dma_start3A_141 : memref<1x64xi32, #tpu.memory_space<vmem>> -> memref<64xi32, #tpu.memory_space<vmem>>
    %dma_start3A_143 = arith.constant 0 : i32
    %dma_start3A_144 = arith.constant 0 : i32
    %dma_start3A_145 = tpu.memref_slice %arg3[%dma_start3A_143, %dma_start3A_144] : memref<10000x256xf32, #tpu.memory_space<hbm>> -> memref<10000x256xf32, #tpu.memory_space<hbm>>
    tpu.enqueue_indirect_dma source(%dma_start3A_145 : memref<10000x256xf32, #tpu.memory_space<hbm>>) target(%dma_start3A_139 : memref<64x256xf32, #tpu.memory_space<vmem>>) offsets(%dma_start3A_142 : memref<64xi32, #tpu.memory_space<vmem>>) semaphore(%arg22 : memref<!tpu.dma_semaphore, #tpu.memory_space<semaphore_mem>>)
    %scan3A_146 = arith.constant 0 : i32
    %scan3A_147 = arith.constant 0 : i32
    %scan3A_148 = arith.constant 8 : i32
    %scan3A_149 = arith.addi %scan3A_147, %scan3A_148 : i32
    %scan3A_150 = arith.constant 1 : i32
    scf.for %scan3A_192 = %scan3A_147 to %scan3A_149 step %scan3A_150  : i32 {
      %mul3A_193 = arith.constant 2 : i32
      %mul3A_194 = arith.muli %mul3A_193, %scan3A_192 : i32
      %add3A_195 = arith.constant 0 : i32
      %add3A_196 = arith.addi %mul3A_194, %add3A_195 : i32
      %dma_wait3A_197 = arith.constant 0 : i32
      %dma_wait3A_198 = arith.constant 0 : i32
      %dma_wait3A_199 = arith.constant 0 : i32
      %dma_wait3A_200 = tpu.memref_slice %arg15[%dma_wait3A_198, %dma_wait3A_199] : memref<128x256xf32, #tpu.memory_space<vmem>> -> memref<64x256xf32, #tpu.memory_space<vmem>>
      %dma_wait3A_201 = arith.constant 0 : i32
      %dma_wait3A_202 = tpu.memref_slice %arg12[%dma_wait3A_197, %dma_wait3A_201] : memref<16x64xi32, #tpu.memory_space<vmem>> -> memref<1x64xi32, #tpu.memory_space<vmem>>
      %dma_wait3A_203 = tpu.memref_squeeze %dma_wait3A_202 : memref<1x64xi32, #tpu.memory_space<vmem>> -> memref<64xi32, #tpu.memory_space<vmem>>
      %dma_wait3A_204 = arith.constant 0 : i32
      %dma_wait3A_205 = arith.constant 0 : i32
      %dma_wait3A_206 = tpu.memref_slice %arg2[%dma_wait3A_204, %dma_wait3A_205] : memref<131072x256xf32, #tpu.memory_space<hbm>> -> memref<131072x256xf32, #tpu.memory_space<hbm>>
      tpu.wait_indirect_dma semaphore(%arg19 : memref<!tpu.dma_semaphore, #tpu.memory_space<semaphore_mem>>) src(%dma_wait3A_206 : memref<131072x256xf32, #tpu.memory_space<hbm>>) dst(%dma_wait3A_200 : memref<64x256xf32, #tpu.memory_space<vmem>>)
      %dma_wait3A_207 = arith.constant 0 : i32
      %dma_wait3A_208 = arith.constant 0 : i32
      %dma_wait3A_209 = arith.constant 0 : i32
      %dma_wait3A_210 = tpu.memref_slice %arg16[%dma_wait3A_208, %dma_wait3A_209] : memref<128x256xf32, #tpu.memory_space<vmem>> -> memref<64x256xf32, #tpu.memory_space<vmem>>
      %dma_wait3A_211 = arith.constant 0 : i32
      %dma_wait3A_212 = tpu.memref_slice %arg13[%dma_wait3A_207, %dma_wait3A_211] : memref<16x64xi32, #tpu.memory_space<vmem>> -> memref<1x64xi32, #tpu.memory_space<vmem>>
      %dma_wait3A_213 = tpu.memref_squeeze %dma_wait3A_212 : memref<1x64xi32, #tpu.memory_space<vmem>> -> memref<64xi32, #tpu.memory_space<vmem>>
      %dma_wait3A_214 = arith.constant 0 : i32
      %dma_wait3A_215 = arith.constant 0 : i32
      %dma_wait3A_216 = tpu.memref_slice %arg3[%dma_wait3A_214, %dma_wait3A_215] : memref<10000x256xf32, #tpu.memory_space<hbm>> -> memref<10000x256xf32, #tpu.memory_space<hbm>>
      tpu.wait_indirect_dma semaphore(%arg21 : memref<!tpu.dma_semaphore, #tpu.memory_space<semaphore_mem>>) src(%dma_wait3A_216 : memref<10000x256xf32, #tpu.memory_space<hbm>>) dst(%dma_wait3A_210 : memref<64x256xf32, #tpu.memory_space<vmem>>)
      %mul3A_217 = arith.constant 64 : i32
      %mul3A_218 = arith.muli %add3A_196, %mul3A_217 : i32
      %add3A_219 = arith.addi %mul3A_105, %mul3A_218 : i32
      "tpu.region"() ({
        %run_scoped3A = tpu.sem_alloc : memref<!tpu.dma_semaphore, #tpu.memory_space<semaphore_mem>>
        %dma_start3A_308 = arith.constant 0 : i32
        %dma_start3A_309 = arith.constant 0 : i32
        %dma_start3A_310 = tpu.memref_slice %arg16[%dma_start3A_308, %dma_start3A_309] : memref<128x256xf32, #tpu.memory_space<vmem>> -> memref<64x256xf32, #tpu.memory_space<vmem>>
        %dma_start3A_311 = arith.constant 0 : i32
        %dma_start3A_312 = tpu.memref_slice %arg9[%add3A_219, %dma_start3A_311] : memref<32768x256xf32, #tpu.memory_space<hbm>> -> memref<64x256xf32, #tpu.memory_space<hbm>>
        %dma_start3A_313 = arith.constant 0 : i32
        %dma_start3A_314 = tpu.memref_slice %arg9[%add3A_219, %dma_start3A_313] : memref<32768x256xf32, #tpu.memory_space<hbm>> -> memref<64x256xf32, #tpu.memory_space<hbm>>
        %dma_start3A_315 = arith.constant 0 : i32
        %dma_start3A_316 = arith.constant 0 : i32
        %dma_start3A_317 = tpu.memref_slice %arg16[%dma_start3A_315, %dma_start3A_316] : memref<128x256xf32, #tpu.memory_space<vmem>> -> memref<64x256xf32, #tpu.memory_space<vmem>>
        tpu.enqueue_dma source(%dma_start3A_317 : memref<64x256xf32, #tpu.memory_space<vmem>>) target(%dma_start3A_314 : memref<64x256xf32, #tpu.memory_space<hbm>>) target_semaphore(%run_scoped3A : memref<!tpu.dma_semaphore, #tpu.memory_space<semaphore_mem>>)
        %dma_wait3A_318 = arith.constant 0 : i32
        %dma_wait3A_319 = arith.constant 0 : i32
        %dma_wait3A_320 = tpu.memref_slice %arg16[%dma_wait3A_318, %dma_wait3A_319] : memref<128x256xf32, #tpu.memory_space<vmem>> -> memref<64x256xf32, #tpu.memory_space<vmem>>
        %dma_wait3A_321 = arith.constant 0 : i32
        %dma_wait3A_322 = tpu.memref_slice %arg9[%add3A_219, %dma_wait3A_321] : memref<32768x256xf32, #tpu.memory_space<hbm>> -> memref<64x256xf32, #tpu.memory_space<hbm>>
        %dma_wait3A_323 = arith.constant 0 : i32
        %dma_wait3A_324 = tpu.memref_slice %arg9[%add3A_219, %dma_wait3A_323] : memref<32768x256xf32, #tpu.memory_space<hbm>> -> memref<64x256xf32, #tpu.memory_space<hbm>>
        %dma_wait3A_325 = arith.constant 0 : i32
        %dma_wait3A_326 = arith.constant 0 : i32
        %dma_wait3A_327 = tpu.memref_slice %arg16[%dma_wait3A_325, %dma_wait3A_326] : memref<128x256xf32, #tpu.memory_space<vmem>> -> memref<64x256xf32, #tpu.memory_space<vmem>>
        tpu.wait_dma2 semaphore(%run_scoped3A : memref<!tpu.dma_semaphore, #tpu.memory_space<semaphore_mem>>) src(%dma_wait3A_327 : memref<64x256xf32, #tpu.memory_space<vmem>>) dst(%dma_wait3A_324 : memref<64x256xf32, #tpu.memory_space<hbm>>)
        tpu.yield
      }) : () -> ()
      %scan3A_220 = arith.constant 0 : i32
      %scan3A_221 = arith.constant 0 : i32
      %scan3A_222 = arith.constant 64 : i32
      %scan3A_223 = arith.addi %scan3A_221, %scan3A_222 : i32
      %scan3A_224 = arith.constant 1 : i32
      scf.for %scan3A_308 = %scan3A_221 to %scan3A_223 step %scan3A_224  : i32 {
        %add3A_309 = arith.constant 0 : i32
        %add3A_310 = arith.addi %add3A_309, %scan3A_308 : i32
        %get3A_311 = arith.index_cast %add3A_310 : i32 to index
        %get3A_312 = arith.constant 0 : index
        %get3A_313 = tpu.vector_load %arg15[%get3A_311, %get3A_312] {strides = array<i32>} : memref<128x256xf32, #tpu.memory_space<vmem>>, vector<1x16xf32>,
        %get3A_314 = vector.shape_cast %get3A_313 : vector<1x16xf32> to vector<16xf32>
        %add3A_315 = arith.constant 0 : i32
        %add3A_316 = arith.addi %add3A_315, %scan3A_308 : i32
        %get3A_317 = arith.index_cast %add3A_316 : i32 to index
        %get3A_318 = arith.constant 0 : index
        %get3A_319 = tpu.vector_load %arg16[%get3A_317, %get3A_318] {strides = array<i32>} : memref<128x256xf32, #tpu.memory_space<vmem>>, vector<1x16xf32>,
        %get3A_320 = vector.shape_cast %get3A_319 : vector<1x16xf32> to vector<16xf32>
        %add3A_321 = arith.addf %get3A_314, %get3A_320 : vector<16xf32>
        %add3A_322 = arith.constant 0 : i32
        %add3A_323 = arith.addi %add3A_322, %scan3A_308 : i32
        %swap3A = arith.index_cast %add3A_323 : i32 to index
        %swap3A_324 = arith.constant 0 : index
        %swap3A_325 = tpu.vector_load %arg15[%swap3A, %swap3A_324] {strides = array<i32>} : memref<128x256xf32, #tpu.memory_space<vmem>>, vector<1x16xf32>,
        %swap3A_326 = vector.shape_cast %swap3A_325 : vector<1x16xf32> to vector<16xf32>
        %swap3A_327 = vector.shape_cast %add3A_321 : vector<16xf32> to vector<1x16xf32>
        tpu.vector_store %arg15[%swap3A, %swap3A_324], %swap3A_327 {strides = array<i32>} : memref<128x256xf32, #tpu.memory_space<vmem>>, vector<1x16xf32>,
        %add3A_328 = arith.constant 0 : i32
        %add3A_329 = arith.addi %add3A_328, %scan3A_308 : i32
        %get3A_330 = arith.index_cast %add3A_329 : i32 to index
        %get3A_331 = arith.constant 16 : index
        %get3A_332 = tpu.vector_load %arg15[%get3A_330, %get3A_331] {strides = array<i32>} : memref<128x256xf32, #tpu.memory_space<vmem>>, vector<1x16xf32>,
        %get3A_333 = vector.shape_cast %get3A_332 : vector<1x16xf32> to vector<16xf32>
        %add3A_334 = arith.constant 0 : i32
        %add3A_335 = arith.addi %add3A_334, %scan3A_308 : i32
        %get3A_336 = arith.index_cast %add3A_335 : i32 to index
        %get3A_337 = arith.constant 16 : index
        %get3A_338 = tpu.vector_load %arg16[%get3A_336, %get3A_337] {strides = array<i32>} : memref<128x256xf32, #tpu.memory_space<vmem>>, vector<1x16xf32>,
        %get3A_339 = vector.shape_cast %get3A_338 : vector<1x16xf32> to vector<16xf32>
        %add3A_340 = arith.addf %get3A_333, %get3A_339 : vector<16xf32>
        %add3A_341 = arith.constant 0 : i32
        %add3A_342 = arith.addi %add3A_341, %scan3A_308 : i32
        %swap3A_343 = arith.index_cast %add3A_342 : i32 to index
        %swap3A_344 = arith.constant 16 : index
        %swap3A_345 = tpu.vector_load %arg15[%swap3A_343, %swap3A_344] {strides = array<i32>} : memref<128x256xf32, #tpu.memory_space<vmem>>, vector<1x16xf32>,
        %swap3A_346 = vector.shape_cast %swap3A_345 : vector<1x16xf32> to vector<16xf32>
        %swap3A_347 = vector.shape_cast %add3A_340 : vector<16xf32> to vector<1x16xf32>
        tpu.vector_store %arg15[%swap3A_343, %swap3A_344], %swap3A_347 {strides = array<i32>} : memref<128x256xf32, #tpu.memory_space<vmem>>, vector<1x16xf32>,
        %add3A_348 = arith.constant 0 : i32
        %add3A_349 = arith.addi %add3A_348, %scan3A_308 : i32
        %get3A_350 = arith.index_cast %add3A_349 : i32 to index
        %get3A_351 = arith.constant 32 : index
        %get3A_352 = tpu.vector_load %arg15[%get3A_350, %get3A_351] {strides = array<i32>} : memref<128x256xf32, #tpu.memory_space<vmem>>, vector<1x16xf32>,
        %get3A_353 = vector.shape_cast %get3A_352 : vector<1x16xf32> to vector<16xf32>
        %add3A_354 = arith.constant 0 : i32
        %add3A_355 = arith.addi %add3A_354, %scan3A_308 : i32
        %get3A_356 = arith.index_cast %add3A_355 : i32 to index
        %get3A_357 = arith.constant 32 : index
        %get3A_358 = tpu.vector_load %arg16[%get3A_356, %get3A_357] {strides = array<i32>} : memref<128x256xf32, #tpu.memory_space<vmem>>, vector<1x16xf32>,
        %get3A_359 = vector.shape_cast %get3A_358 : vector<1x16xf32> to vector<16xf32>
        %add3A_360 = arith.addf %get3A_353, %get3A_359 : vector<16xf32>
        %add3A_361 = arith.constant 0 : i32
        %add3A_362 = arith.addi %add3A_361, %scan3A_308 : i32
        %swap3A_363 = arith.index_cast %add3A_362 : i32 to index
        %swap3A_364 = arith.constant 32 : index
        %swap3A_365 = tpu.vector_load %arg15[%swap3A_363, %swap3A_364] {strides = array<i32>} : memref<128x256xf32, #tpu.memory_space<vmem>>, vector<1x16xf32>,
        %swap3A_366 = vector.shape_cast %swap3A_365 : vector<1x16xf32> to vector<16xf32>
        %swap3A_367 = vector.shape_cast %add3A_360 : vector<16xf32> to vector<1x16xf32>
        tpu.vector_store %arg15[%swap3A_363, %swap3A_364], %swap3A_367 {strides = array<i32>} : memref<128x256xf32, #tpu.memory_space<vmem>>, vector<1x16xf32>,
        %add3A_368 = arith.constant 0 : i32
        %add3A_369 = arith.addi %add3A_368, %scan3A_308 : i32
        %get3A_370 = arith.index_cast %add3A_369 : i32 to index
        %get3A_371 = arith.constant 48 : index
        %get3A_372 = tpu.vector_load %arg15[%get3A_370, %get3A_371] {strides = array<i32>} : memref<128x256xf32, #tpu.memory_space<vmem>>, vector<1x16xf32>,
        %get3A_373 = vector.shape_cast %get3A_372 : vector<1x16xf32> to vector<16xf32>
        %add3A_374 = arith.constant 0 : i32
        %add3A_375 = arith.addi %add3A_374, %scan3A_308 : i32
        %get3A_376 = arith.index_cast %add3A_375 : i32 to index
        %get3A_377 = arith.constant 48 : index
        %get3A_378 = tpu.vector_load %arg16[%get3A_376, %get3A_377] {strides = array<i32>} : memref<128x256xf32, #tpu.memory_space<vmem>>, vector<1x16xf32>,
        %get3A_379 = vector.shape_cast %get3A_378 : vector<1x16xf32> to vector<16xf32>
        %add3A_380 = arith.addf %get3A_373, %get3A_379 : vector<16xf32>
        %add3A_381 = arith.constant 0 : i32
        %add3A_382 = arith.addi %add3A_381, %scan3A_308 : i32
        %swap3A_383 = arith.index_cast %add3A_382 : i32 to index
        %swap3A_384 = arith.constant 48 : index
        %swap3A_385 = tpu.vector_load %arg15[%swap3A_383, %swap3A_384] {strides = array<i32>} : memref<128x256xf32, #tpu.memory_space<vmem>>, vector<1x16xf32>,
        %swap3A_386 = vector.shape_cast %swap3A_385 : vector<1x16xf32> to vector<16xf32>
        %swap3A_387 = vector.shape_cast %add3A_380 : vector<16xf32> to vector<1x16xf32>
        tpu.vector_store %arg15[%swap3A_383, %swap3A_384], %swap3A_387 {strides = array<i32>} : memref<128x256xf32, #tpu.memory_space<vmem>>, vector<1x16xf32>,
        %add3A_388 = arith.constant 0 : i32
        %add3A_389 = arith.addi %add3A_388, %scan3A_308 : i32
        %get3A_390 = arith.index_cast %add3A_389 : i32 to index
        %get3A_391 = arith.constant 64 : index
        %get3A_392 = tpu.vector_load %arg15[%get3A_390, %get3A_391] {strides = array<i32>} : memref<128x256xf32, #tpu.memory_space<vmem>>, vector<1x16xf32>,
        %get3A_393 = vector.shape_cast %get3A_392 : vector<1x16xf32> to vector<16xf32>
        %add3A_394 = arith.constant 0 : i32
        %add3A_395 = arith.addi %add3A_394, %scan3A_308 : i32
        %get3A_396 = arith.index_cast %add3A_395 : i32 to index
        %get3A_397 = arith.constant 64 : index
        %get3A_398 = tpu.vector_load %arg16[%get3A_396, %get3A_397] {strides = array<i32>} : memref<128x256xf32, #tpu.memory_space<vmem>>, vector<1x16xf32>,
        %get3A_399 = vector.shape_cast %get3A_398 : vector<1x16xf32> to vector<16xf32>
        %add3A_400 = arith.addf %get3A_393, %get3A_399 : vector<16xf32>
        %add3A_401 = arith.constant 0 : i32
        %add3A_402 = arith.addi %add3A_401, %scan3A_308 : i32
        %swap3A_403 = arith.index_cast %add3A_402 : i32 to index
        %swap3A_404 = arith.constant 64 : index
        %swap3A_405 = tpu.vector_load %arg15[%swap3A_403, %swap3A_404] {strides = array<i32>} : memref<128x256xf32, #tpu.memory_space<vmem>>, vector<1x16xf32>,
        %swap3A_406 = vector.shape_cast %swap3A_405 : vector<1x16xf32> to vector<16xf32>
        %swap3A_407 = vector.shape_cast %add3A_400 : vector<16xf32> to vector<1x16xf32>
        tpu.vector_store %arg15[%swap3A_403, %swap3A_404], %swap3A_407 {strides = array<i32>} : memref<128x256xf32, #tpu.memory_space<vmem>>, vector<1x16xf32>,
        %add3A_408 = arith.constant 0 : i32
        %add3A_409 = arith.addi %add3A_408, %scan3A_308 : i32
        %get3A_410 = arith.index_cast %add3A_409 : i32 to index
        %get3A_411 = arith.constant 80 : index
        %get3A_412 = tpu.vector_load %arg15[%get3A_410, %get3A_411] {strides = array<i32>} : memref<128x256xf32, #tpu.memory_space<vmem>>, vector<1x16xf32>,
        %get3A_413 = vector.shape_cast %get3A_412 : vector<1x16xf32> to vector<16xf32>
        %add3A_414 = arith.constant 0 : i32
        %add3A_415 = arith.addi %add3A_414, %scan3A_308 : i32
        %get3A_416 = arith.index_cast %add3A_415 : i32 to index
        %get3A_417 = arith.constant 80 : index
        %get3A_418 = tpu.vector_load %arg16[%get3A_416, %get3A_417] {strides = array<i32>} : memref<128x256xf32, #tpu.memory_space<vmem>>, vector<1x16xf32>,
        %get3A_419 = vector.shape_cast %get3A_418 : vector<1x16xf32> to vector<16xf32>
        %add3A_420 = arith.addf %get3A_413, %get3A_419 : vector<16xf32>
        %add3A_421 = arith.constant 0 : i32
        %add3A_422 = arith.addi %add3A_421, %scan3A_308 : i32
        %swap3A_423 = arith.index_cast %add3A_422 : i32 to index
        %swap3A_424 = arith.constant 80 : index
        %swap3A_425 = tpu.vector_load %arg15[%swap3A_423, %swap3A_424] {strides = array<i32>} : memref<128x256xf32, #tpu.memory_space<vmem>>, vector<1x16xf32>,
        %swap3A_426 = vector.shape_cast %swap3A_425 : vector<1x16xf32> to vector<16xf32>
        %swap3A_427 = vector.shape_cast %add3A_420 : vector<16xf32> to vector<1x16xf32>
        tpu.vector_store %arg15[%swap3A_423, %swap3A_424], %swap3A_427 {strides = array<i32>} : memref<128x256xf32, #tpu.memory_space<vmem>>, vector<1x16xf32>,
        %add3A_428 = arith.constant 0 : i32
        %add3A_429 = arith.addi %add3A_428, %scan3A_308 : i32
        %get3A_430 = arith.index_cast %add3A_429 : i32 to index
        %get3A_431 = arith.constant 96 : index
        %get3A_432 = tpu.vector_load %arg15[%get3A_430, %get3A_431] {strides = array<i32>} : memref<128x256xf32, #tpu.memory_space<vmem>>, vector<1x16xf32>,
        %get3A_433 = vector.shape_cast %get3A_432 : vector<1x16xf32> to vector<16xf32>
        %add3A_434 = arith.constant 0 : i32
        %add3A_435 = arith.addi %add3A_434, %scan3A_308 : i32
        %get3A_436 = arith.index_cast %add3A_435 : i32 to index
        %get3A_437 = arith.constant 96 : index
        %get3A_438 = tpu.vector_load %arg16[%get3A_436, %get3A_437] {strides = array<i32>} : memref<128x256xf32, #tpu.memory_space<vmem>>, vector<1x16xf32>,
        %get3A_439 = vector.shape_cast %get3A_438 : vector<1x16xf32> to vector<16xf32>
        %add3A_440 = arith.addf %get3A_433, %get3A_439 : vector<16xf32>
        %add3A_441 = arith.constant 0 : i32
        %add3A_442 = arith.addi %add3A_441, %scan3A_308 : i32
        %swap3A_443 = arith.index_cast %add3A_442 : i32 to index
        %swap3A_444 = arith.constant 96 : index
        %swap3A_445 = tpu.vector_load %arg15[%swap3A_443, %swap3A_444] {strides = array<i32>} : memref<128x256xf32, #tpu.memory_space<vmem>>, vector<1x16xf32>,
        %swap3A_446 = vector.shape_cast %swap3A_445 : vector<1x16xf32> to vector<16xf32>
        %swap3A_447 = vector.shape_cast %add3A_440 : vector<16xf32> to vector<1x16xf32>
        tpu.vector_store %arg15[%swap3A_443, %swap3A_444], %swap3A_447 {strides = array<i32>} : memref<128x256xf32, #tpu.memory_space<vmem>>, vector<1x16xf32>,
        %add3A_448 = arith.constant 0 : i32
        %add3A_449 = arith.addi %add3A_448, %scan3A_308 : i32
        %get3A_450 = arith.index_cast %add3A_449 : i32 to index
        %get3A_451 = arith.constant 112 : index
        %get3A_452 = tpu.vector_load %arg15[%get3A_450, %get3A_451] {strides = array<i32>} : memref<128x256xf32, #tpu.memory_space<vmem>>, vector<1x16xf32>,
        %get3A_453 = vector.shape_cast %get3A_452 : vector<1x16xf32> to vector<16xf32>
        %add3A_454 = arith.constant 0 : i32
        %add3A_455 = arith.addi %add3A_454, %scan3A_308 : i32
        %get3A_456 = arith.index_cast %add3A_455 : i32 to index
        %get3A_457 = arith.constant 112 : index
        %get3A_458 = tpu.vector_load %arg16[%get3A_456, %get3A_457] {strides = array<i32>} : memref<128x256xf32, #tpu.memory_space<vmem>>, vector<1x16xf32>,
        %get3A_459 = vector.shape_cast %get3A_458 : vector<1x16xf32> to vector<16xf32>
        %add3A_460 = arith.addf %get3A_453, %get3A_459 : vector<16xf32>
        %add3A_461 = arith.constant 0 : i32
        %add3A_462 = arith.addi %add3A_461, %scan3A_308 : i32
        %swap3A_463 = arith.index_cast %add3A_462 : i32 to index
        %swap3A_464 = arith.constant 112 : index
        %swap3A_465 = tpu.vector_load %arg15[%swap3A_463, %swap3A_464] {strides = array<i32>} : memref<128x256xf32, #tpu.memory_space<vmem>>, vector<1x16xf32>,
        %swap3A_466 = vector.shape_cast %swap3A_465 : vector<1x16xf32> to vector<16xf32>
        %swap3A_467 = vector.shape_cast %add3A_460 : vector<16xf32> to vector<1x16xf32>
        tpu.vector_store %arg15[%swap3A_463, %swap3A_464], %swap3A_467 {strides = array<i32>} : memref<128x256xf32, #tpu.memory_space<vmem>>, vector<1x16xf32>,
        %add3A_468 = arith.constant 0 : i32
        %add3A_469 = arith.addi %add3A_468, %scan3A_308 : i32
        %get3A_470 = arith.index_cast %add3A_469 : i32 to index
        %get3A_471 = arith.constant 128 : index
        %get3A_472 = tpu.vector_load %arg15[%get3A_470, %get3A_471] {strides = array<i32>} : memref<128x256xf32, #tpu.memory_space<vmem>>, vector<1x16xf32>,
        %get3A_473 = vector.shape_cast %get3A_472 : vector<1x16xf32> to vector<16xf32>
        %add3A_474 = arith.constant 0 : i32
        %add3A_475 = arith.addi %add3A_474, %scan3A_308 : i32
        %get3A_476 = arith.index_cast %add3A_475 : i32 to index
        %get3A_477 = arith.constant 128 : index
        %get3A_478 = tpu.vector_load %arg16[%get3A_476, %get3A_477] {strides = array<i32>} : memref<128x256xf32, #tpu.memory_space<vmem>>, vector<1x16xf32>,
        %get3A_479 = vector.shape_cast %get3A_478 : vector<1x16xf32> to vector<16xf32>
        %add3A_480 = arith.addf %get3A_473, %get3A_479 : vector<16xf32>
        %add3A_481 = arith.constant 0 : i32
        %add3A_482 = arith.addi %add3A_481, %scan3A_308 : i32
        %swap3A_483 = arith.index_cast %add3A_482 : i32 to index
        %swap3A_484 = arith.constant 128 : index
        %swap3A_485 = tpu.vector_load %arg15[%swap3A_483, %swap3A_484] {strides = array<i32>} : memref<128x256xf32, #tpu.memory_space<vmem>>, vector<1x16xf32>,
        %swap3A_486 = vector.shape_cast %swap3A_485 : vector<1x16xf32> to vector<16xf32>
        %swap3A_487 = vector.shape_cast %add3A_480 : vector<16xf32> to vector<1x16xf32>
        tpu.vector_store %arg15[%swap3A_483, %swap3A_484], %swap3A_487 {strides = array<i32>} : memref<128x256xf32, #tpu.memory_space<vmem>>, vector<1x16xf32>,
        %add3A_488 = arith.constant 0 : i32
        %add3A_489 = arith.addi %add3A_488, %scan3A_308 : i32
        %get3A_490 = arith.index_cast %add3A_489 : i32 to index
        %get3A_491 = arith.constant 144 : index
        %get3A_492 = tpu.vector_load %arg15[%get3A_490, %get3A_491] {strides = array<i32>} : memref<128x256xf32, #tpu.memory_space<vmem>>, vector<1x16xf32>,
        %get3A_493 = vector.shape_cast %get3A_492 : vector<1x16xf32> to vector<16xf32>
        %add3A_494 = arith.constant 0 : i32
        %add3A_495 = arith.addi %add3A_494, %scan3A_308 : i32
        %get3A_496 = arith.index_cast %add3A_495 : i32 to index
        %get3A_497 = arith.constant 144 : index
        %get3A_498 = tpu.vector_load %arg16[%get3A_496, %get3A_497] {strides = array<i32>} : memref<128x256xf32, #tpu.memory_space<vmem>>, vector<1x16xf32>,
        %get3A_499 = vector.shape_cast %get3A_498 : vector<1x16xf32> to vector<16xf32>
        %add3A_500 = arith.addf %get3A_493, %get3A_499 : vector<16xf32>
        %add3A_501 = arith.constant 0 : i32
        %add3A_502 = arith.addi %add3A_501, %scan3A_308 : i32
        %swap3A_503 = arith.index_cast %add3A_502 : i32 to index
        %swap3A_504 = arith.constant 144 : index
        %swap3A_505 = tpu.vector_load %arg15[%swap3A_503, %swap3A_504] {strides = array<i32>} : memref<128x256xf32, #tpu.memory_space<vmem>>, vector<1x16xf32>,
        %swap3A_506 = vector.shape_cast %swap3A_505 : vector<1x16xf32> to vector<16xf32>
        %swap3A_507 = vector.shape_cast %add3A_500 : vector<16xf32> to vector<1x16xf32>
        tpu.vector_store %arg15[%swap3A_503, %swap3A_504], %swap3A_507 {strides = array<i32>} : memref<128x256xf32, #tpu.memory_space<vmem>>, vector<1x16xf32>,
        %add3A_508 = arith.constant 0 : i32
        %add3A_509 = arith.addi %add3A_508, %scan3A_308 : i32
        %get3A_510 = arith.index_cast %add3A_509 : i32 to index
        %get3A_511 = arith.constant 160 : index
        %get3A_512 = tpu.vector_load %arg15[%get3A_510, %get3A_511] {strides = array<i32>} : memref<128x256xf32, #tpu.memory_space<vmem>>, vector<1x16xf32>,
        %get3A_513 = vector.shape_cast %get3A_512 : vector<1x16xf32> to vector<16xf32>
        %add3A_514 = arith.constant 0 : i32
        %add3A_515 = arith.addi %add3A_514, %scan3A_308 : i32
        %get3A_516 = arith.index_cast %add3A_515 : i32 to index
        %get3A_517 = arith.constant 160 : index
        %get3A_518 = tpu.vector_load %arg16[%get3A_516, %get3A_517] {strides = array<i32>} : memref<128x256xf32, #tpu.memory_space<vmem>>, vector<1x16xf32>,
        %get3A_519 = vector.shape_cast %get3A_518 : vector<1x16xf32> to vector<16xf32>
        %add3A_520 = arith.addf %get3A_513, %get3A_519 : vector<16xf32>
        %add3A_521 = arith.constant 0 : i32
        %add3A_522 = arith.addi %add3A_521, %scan3A_308 : i32
        %swap3A_523 = arith.index_cast %add3A_522 : i32 to index
        %swap3A_524 = arith.constant 160 : index
        %swap3A_525 = tpu.vector_load %arg15[%swap3A_523, %swap3A_524] {strides = array<i32>} : memref<128x256xf32, #tpu.memory_space<vmem>>, vector<1x16xf32>,
        %swap3A_526 = vector.shape_cast %swap3A_525 : vector<1x16xf32> to vector<16xf32>
        %swap3A_527 = vector.shape_cast %add3A_520 : vector<16xf32> to vector<1x16xf32>
        tpu.vector_store %arg15[%swap3A_523, %swap3A_524], %swap3A_527 {strides = array<i32>} : memref<128x256xf32, #tpu.memory_space<vmem>>, vector<1x16xf32>,
        %add3A_528 = arith.constant 0 : i32
        %add3A_529 = arith.addi %add3A_528, %scan3A_308 : i32
        %get3A_530 = arith.index_cast %add3A_529 : i32 to index
        %get3A_531 = arith.constant 176 : index
        %get3A_532 = tpu.vector_load %arg15[%get3A_530, %get3A_531] {strides = array<i32>} : memref<128x256xf32, #tpu.memory_space<vmem>>, vector<1x16xf32>,
        %get3A_533 = vector.shape_cast %get3A_532 : vector<1x16xf32> to vector<16xf32>
        %add3A_534 = arith.constant 0 : i32
        %add3A_535 = arith.addi %add3A_534, %scan3A_308 : i32
        %get3A_536 = arith.index_cast %add3A_535 : i32 to index
        %get3A_537 = arith.constant 176 : index
        %get3A_538 = tpu.vector_load %arg16[%get3A_536, %get3A_537] {strides = array<i32>} : memref<128x256xf32, #tpu.memory_space<vmem>>, vector<1x16xf32>,
        %get3A_539 = vector.shape_cast %get3A_538 : vector<1x16xf32> to vector<16xf32>
        %add3A_540 = arith.addf %get3A_533, %get3A_539 : vector<16xf32>
        %add3A_541 = arith.constant 0 : i32
        %add3A_542 = arith.addi %add3A_541, %scan3A_308 : i32
        %swap3A_543 = arith.index_cast %add3A_542 : i32 to index
        %swap3A_544 = arith.constant 176 : index
        %swap3A_545 = tpu.vector_load %arg15[%swap3A_543, %swap3A_544] {strides = array<i32>} : memref<128x256xf32, #tpu.memory_space<vmem>>, vector<1x16xf32>,
        %swap3A_546 = vector.shape_cast %swap3A_545 : vector<1x16xf32> to vector<16xf32>
        %swap3A_547 = vector.shape_cast %add3A_540 : vector<16xf32> to vector<1x16xf32>
        tpu.vector_store %arg15[%swap3A_543, %swap3A_544], %swap3A_547 {strides = array<i32>} : memref<128x256xf32, #tpu.memory_space<vmem>>, vector<1x16xf32>,
        %add3A_548 = arith.constant 0 : i32
        %add3A_549 = arith.addi %add3A_548, %scan3A_308 : i32
        %get3A_550 = arith.index_cast %add3A_549 : i32 to index
        %get3A_551 = arith.constant 192 : index
        %get3A_552 = tpu.vector_load %arg15[%get3A_550, %get3A_551] {strides = array<i32>} : memref<128x256xf32, #tpu.memory_space<vmem>>, vector<1x16xf32>,
        %get3A_553 = vector.shape_cast %get3A_552 : vector<1x16xf32> to vector<16xf32>
        %add3A_554 = arith.constant 0 : i32
        %add3A_555 = arith.addi %add3A_554, %scan3A_308 : i32
        %get3A_556 = arith.index_cast %add3A_555 : i32 to index
        %get3A_557 = arith.constant 192 : index
        %get3A_558 = tpu.vector_load %arg16[%get3A_556, %get3A_557] {strides = array<i32>} : memref<128x256xf32, #tpu.memory_space<vmem>>, vector<1x16xf32>,
        %get3A_559 = vector.shape_cast %get3A_558 : vector<1x16xf32> to vector<16xf32>
        %add3A_560 = arith.addf %get3A_553, %get3A_559 : vector<16xf32>
        %add3A_561 = arith.constant 0 : i32
        %add3A_562 = arith.addi %add3A_561, %scan3A_308 : i32
        %swap3A_563 = arith.index_cast %add3A_562 : i32 to index
        %swap3A_564 = arith.constant 192 : index
        %swap3A_565 = tpu.vector_load %arg15[%swap3A_563, %swap3A_564] {strides = array<i32>} : memref<128x256xf32, #tpu.memory_space<vmem>>, vector<1x16xf32>,
        %swap3A_566 = vector.shape_cast %swap3A_565 : vector<1x16xf32> to vector<16xf32>
        %swap3A_567 = vector.shape_cast %add3A_560 : vector<16xf32> to vector<1x16xf32>
        tpu.vector_store %arg15[%swap3A_563, %swap3A_564], %swap3A_567 {strides = array<i32>} : memref<128x256xf32, #tpu.memory_space<vmem>>, vector<1x16xf32>,
        %add3A_568 = arith.constant 0 : i32
        %add3A_569 = arith.addi %add3A_568, %scan3A_308 : i32
        %get3A_570 = arith.index_cast %add3A_569 : i32 to index
        %get3A_571 = arith.constant 208 : index
        %get3A_572 = tpu.vector_load %arg15[%get3A_570, %get3A_571] {strides = array<i32>} : memref<128x256xf32, #tpu.memory_space<vmem>>, vector<1x16xf32>,
        %get3A_573 = vector.shape_cast %get3A_572 : vector<1x16xf32> to vector<16xf32>
        %add3A_574 = arith.constant 0 : i32
        %add3A_575 = arith.addi %add3A_574, %scan3A_308 : i32
        %get3A_576 = arith.index_cast %add3A_575 : i32 to index
        %get3A_577 = arith.constant 208 : index
        %get3A_578 = tpu.vector_load %arg16[%get3A_576, %get3A_577] {strides = array<i32>} : memref<128x256xf32, #tpu.memory_space<vmem>>, vector<1x16xf32>,
        %get3A_579 = vector.shape_cast %get3A_578 : vector<1x16xf32> to vector<16xf32>
        %add3A_580 = arith.addf %get3A_573, %get3A_579 : vector<16xf32>
        %add3A_581 = arith.constant 0 : i32
        %add3A_582 = arith.addi %add3A_581, %scan3A_308 : i32
        %swap3A_583 = arith.index_cast %add3A_582 : i32 to index
        %swap3A_584 = arith.constant 208 : index
        %swap3A_585 = tpu.vector_load %arg15[%swap3A_583, %swap3A_584] {strides = array<i32>} : memref<128x256xf32, #tpu.memory_space<vmem>>, vector<1x16xf32>,
        %swap3A_586 = vector.shape_cast %swap3A_585 : vector<1x16xf32> to vector<16xf32>
        %swap3A_587 = vector.shape_cast %add3A_580 : vector<16xf32> to vector<1x16xf32>
        tpu.vector_store %arg15[%swap3A_583, %swap3A_584], %swap3A_587 {strides = array<i32>} : memref<128x256xf32, #tpu.memory_space<vmem>>, vector<1x16xf32>,
        %add3A_588 = arith.constant 0 : i32
        %add3A_589 = arith.addi %add3A_588, %scan3A_308 : i32
        %get3A_590 = arith.index_cast %add3A_589 : i32 to index
        %get3A_591 = arith.constant 224 : index
        %get3A_592 = tpu.vector_load %arg15[%get3A_590, %get3A_591] {strides = array<i32>} : memref<128x256xf32, #tpu.memory_space<vmem>>, vector<1x16xf32>,
        %get3A_593 = vector.shape_cast %get3A_592 : vector<1x16xf32> to vector<16xf32>
        %add3A_594 = arith.constant 0 : i32
        %add3A_595 = arith.addi %add3A_594, %scan3A_308 : i32
        %get3A_596 = arith.index_cast %add3A_595 : i32 to index
        %get3A_597 = arith.constant 224 : index
        %get3A_598 = tpu.vector_load %arg16[%get3A_596, %get3A_597] {strides = array<i32>} : memref<128x256xf32, #tpu.memory_space<vmem>>, vector<1x16xf32>,
        %get3A_599 = vector.shape_cast %get3A_598 : vector<1x16xf32> to vector<16xf32>
        %add3A_600 = arith.addf %get3A_593, %get3A_599 : vector<16xf32>
        %add3A_601 = arith.constant 0 : i32
        %add3A_602 = arith.addi %add3A_601, %scan3A_308 : i32
        %swap3A_603 = arith.index_cast %add3A_602 : i32 to index
        %swap3A_604 = arith.constant 224 : index
        %swap3A_605 = tpu.vector_load %arg15[%swap3A_603, %swap3A_604] {strides = array<i32>} : memref<128x256xf32, #tpu.memory_space<vmem>>, vector<1x16xf32>,
        %swap3A_606 = vector.shape_cast %swap3A_605 : vector<1x16xf32> to vector<16xf32>
        %swap3A_607 = vector.shape_cast %add3A_600 : vector<16xf32> to vector<1x16xf32>
        tpu.vector_store %arg15[%swap3A_603, %swap3A_604], %swap3A_607 {strides = array<i32>} : memref<128x256xf32, #tpu.memory_space<vmem>>, vector<1x16xf32>,
        %add3A_608 = arith.constant 0 : i32
        %add3A_609 = arith.addi %add3A_608, %scan3A_308 : i32
        %get3A_610 = arith.index_cast %add3A_609 : i32 to index
        %get3A_611 = arith.constant 240 : index
        %get3A_612 = tpu.vector_load %arg15[%get3A_610, %get3A_611] {strides = array<i32>} : memref<128x256xf32, #tpu.memory_space<vmem>>, vector<1x16xf32>,
        %get3A_613 = vector.shape_cast %get3A_612 : vector<1x16xf32> to vector<16xf32>
        %add3A_614 = arith.constant 0 : i32
        %add3A_615 = arith.addi %add3A_614, %scan3A_308 : i32
        %get3A_616 = arith.index_cast %add3A_615 : i32 to index
        %get3A_617 = arith.constant 240 : index
        %get3A_618 = tpu.vector_load %arg16[%get3A_616, %get3A_617] {strides = array<i32>} : memref<128x256xf32, #tpu.memory_space<vmem>>, vector<1x16xf32>,
        %get3A_619 = vector.shape_cast %get3A_618 : vector<1x16xf32> to vector<16xf32>
        %add3A_620 = arith.addf %get3A_613, %get3A_619 : vector<16xf32>
        %add3A_621 = arith.constant 0 : i32
        %add3A_622 = arith.addi %add3A_621, %scan3A_308 : i32
        %swap3A_623 = arith.index_cast %add3A_622 : i32 to index
        %swap3A_624 = arith.constant 240 : index
        %swap3A_625 = tpu.vector_load %arg15[%swap3A_623, %swap3A_624] {strides = array<i32>} : memref<128x256xf32, #tpu.memory_space<vmem>>, vector<1x16xf32>,
        %swap3A_626 = vector.shape_cast %swap3A_625 : vector<1x16xf32> to vector<16xf32>
        %swap3A_627 = vector.shape_cast %add3A_620 : vector<16xf32> to vector<1x16xf32>
        tpu.vector_store %arg15[%swap3A_623, %swap3A_624], %swap3A_627 {strides = array<i32>} : memref<128x256xf32, #tpu.memory_space<vmem>>, vector<1x16xf32>,
      }
      %scan3A_225 = arith.constant 64 : i32
      %mul3A_226 = arith.constant 64 : i32
      %mul3A_227 = arith.muli %add3A_196, %mul3A_226 : i32
      %add3A_228 = arith.addi %mul3A_105, %mul3A_227 : i32
      "tpu.region"() ({
        %run_scoped3A = tpu.sem_alloc : memref<!tpu.dma_semaphore, #tpu.memory_space<semaphore_mem>>
        %dma_start3A_308 = arith.constant 0 : i32
        %dma_start3A_309 = arith.constant 0 : i32
        %dma_start3A_310 = tpu.memref_slice %arg15[%dma_start3A_308, %dma_start3A_309] : memref<128x256xf32, #tpu.memory_space<vmem>> -> memref<64x256xf32, #tpu.memory_space<vmem>>
        %dma_start3A_311 = arith.constant 0 : i32
        %dma_start3A_312 = tpu.memref_slice %arg8[%add3A_228, %dma_start3A_311] : memref<32768x256xf32, #tpu.memory_space<hbm>> -> memref<64x256xf32, #tpu.memory_space<hbm>>
        %dma_start3A_313 = arith.constant 0 : i32
        %dma_start3A_314 = tpu.memref_slice %arg8[%add3A_228, %dma_start3A_313] : memref<32768x256xf32, #tpu.memory_space<hbm>> -> memref<64x256xf32, #tpu.memory_space<hbm>>
        %dma_start3A_315 = arith.constant 0 : i32
        %dma_start3A_316 = arith.constant 0 : i32
        %dma_start3A_317 = tpu.memref_slice %arg15[%dma_start3A_315, %dma_start3A_316] : memref<128x256xf32, #tpu.memory_space<vmem>> -> memref<64x256xf32, #tpu.memory_space<vmem>>
        tpu.enqueue_dma source(%dma_start3A_317 : memref<64x256xf32, #tpu.memory_space<vmem>>) target(%dma_start3A_314 : memref<64x256xf32, #tpu.memory_space<hbm>>) target_semaphore(%run_scoped3A : memref<!tpu.dma_semaphore, #tpu.memory_space<semaphore_mem>>)
        %dma_wait3A_318 = arith.constant 0 : i32
        %dma_wait3A_319 = arith.constant 0 : i32
        %dma_wait3A_320 = tpu.memref_slice %arg15[%dma_wait3A_318, %dma_wait3A_319] : memref<128x256xf32, #tpu.memory_space<vmem>> -> memref<64x256xf32, #tpu.memory_space<vmem>>
        %dma_wait3A_321 = arith.constant 0 : i32
        %dma_wait3A_322 = tpu.memref_slice %arg8[%add3A_228, %dma_wait3A_321] : memref<32768x256xf32, #tpu.memory_space<hbm>> -> memref<64x256xf32, #tpu.memory_space<hbm>>
        %dma_wait3A_323 = arith.constant 0 : i32
        %dma_wait3A_324 = tpu.memref_slice %arg8[%add3A_228, %dma_wait3A_323] : memref<32768x256xf32, #tpu.memory_space<hbm>> -> memref<64x256xf32, #tpu.memory_space<hbm>>
        %dma_wait3A_325 = arith.constant 0 : i32
        %dma_wait3A_326 = arith.constant 0 : i32
        %dma_wait3A_327 = tpu.memref_slice %arg15[%dma_wait3A_325, %dma_wait3A_326] : memref<128x256xf32, #tpu.memory_space<vmem>> -> memref<64x256xf32, #tpu.memory_space<vmem>>
        tpu.wait_dma2 semaphore(%run_scoped3A : memref<!tpu.dma_semaphore, #tpu.memory_space<semaphore_mem>>) src(%dma_wait3A_327 : memref<64x256xf32, #tpu.memory_space<vmem>>) dst(%dma_wait3A_324 : memref<64x256xf32, #tpu.memory_space<hbm>>)
        tpu.yield
      }) : () -> ()
      %add3A_229 = arith.constant 2 : i32
      %add3A_230 = arith.addi %add3A_196, %add3A_229 : i32
      %min3A = arith.constant 15 : i32
      %min3A_231 = arith.minsi %add3A_230, %min3A : i32
      %dma_start3A_232 = arith.constant 0 : i32
      %dma_start3A_233 = arith.constant 0 : i32
      %dma_start3A_234 = tpu.memref_slice %arg15[%dma_start3A_232, %dma_start3A_233] : memref<128x256xf32, #tpu.memory_space<vmem>> -> memref<64x256xf32, #tpu.memory_space<vmem>>
      %dma_start3A_235 = arith.constant 0 : i32
      %dma_start3A_236 = tpu.memref_slice %arg12[%min3A_231, %dma_start3A_235] : memref<16x64xi32, #tpu.memory_space<vmem>> -> memref<1x64xi32, #tpu.memory_space<vmem>>
      %dma_start3A_237 = tpu.memref_squeeze %dma_start3A_236 : memref<1x64xi32, #tpu.memory_space<vmem>> -> memref<64xi32, #tpu.memory_space<vmem>>
      %dma_start3A_238 = arith.constant 0 : i32
      %dma_start3A_239 = arith.constant 0 : i32
      %dma_start3A_240 = tpu.memref_slice %arg2[%dma_start3A_238, %dma_start3A_239] : memref<131072x256xf32, #tpu.memory_space<hbm>> -> memref<131072x256xf32, #tpu.memory_space<hbm>>
      tpu.enqueue_indirect_dma source(%dma_start3A_240 : memref<131072x256xf32, #tpu.memory_space<hbm>>) target(%dma_start3A_234 : memref<64x256xf32, #tpu.memory_space<vmem>>) offsets(%dma_start3A_237 : memref<64xi32, #tpu.memory_space<vmem>>) semaphore(%arg19 : memref<!tpu.dma_semaphore, #tpu.memory_space<semaphore_mem>>)
      %dma_start3A_241 = arith.constant 0 : i32
      %dma_start3A_242 = arith.constant 0 : i32
      %dma_start3A_243 = tpu.memref_slice %arg16[%dma_start3A_241, %dma_start3A_242] : memref<128x256xf32, #tpu.memory_space<vmem>> -> memref<64x256xf32, #tpu.memory_space<vmem>>
      %dma_start3A_244 = arith.constant 0 : i32
      %dma_start3A_245 = tpu.memref_slice %arg13[%min3A_231, %dma_start3A_244] : memref<16x64xi32, #tpu.memory_space<vmem>> -> memref<1x64xi32, #tpu.memory_space<vmem>>
      %dma_start3A_246 = tpu.memref_squeeze %dma_start3A_245 : memref<1x64xi32, #tpu.memory_space<vmem>> -> memref<64xi32, #tpu.memory_space<vmem>>
      %dma_start3A_247 = arith.constant 0 : i32
      %dma_start3A_248 = arith.constant 0 : i32
      %dma_start3A_249 = tpu.memref_slice %arg3[%dma_start3A_247, %dma_start3A_248] : memref<10000x256xf32, #tpu.memory_space<hbm>> -> memref<10000x256xf32, #tpu.memory_space<hbm>>
      tpu.enqueue_indirect_dma source(%dma_start3A_249 : memref<10000x256xf32, #tpu.memory_space<hbm>>) target(%dma_start3A_243 : memref<64x256xf32, #tpu.memory_space<vmem>>) offsets(%dma_start3A_246 : memref<64xi32, #tpu.memory_space<vmem>>) semaphore(%arg21 : memref<!tpu.dma_semaphore, #tpu.memory_space<semaphore_mem>>)
      %mul3A_250 = arith.constant 2 : i32
      %mul3A_251 = arith.muli %mul3A_250, %scan3A_192 : i32
      %add3A_252 = arith.constant 1 : i32
      %add3A_253 = arith.addi %mul3A_251, %add3A_252 : i32
      %dma_wait3A_254 = arith.constant 0 : i32
      %dma_wait3A_255 = arith.constant 64 : i32
      %dma_wait3A_256 = arith.constant 0 : i32
      %dma_wait3A_257 = tpu.memref_slice %arg15[%dma_wait3A_255, %dma_wait3A_256] : memref<128x256xf32, #tpu.memory_space<vmem>> -> memref<64x256xf32, #tpu.memory_space<vmem>>
      %dma_wait3A_258 = arith.constant 0 : i32
      %dma_wait3A_259 = tpu.memref_slice %arg12[%dma_wait3A_254, %dma_wait3A_258] : memref<16x64xi32, #tpu.memory_space<vmem>> -> memref<1x64xi32, #tpu.memory_space<vmem>>
      %dma_wait3A_260 = tpu.memref_squeeze %dma_wait3A_259 : memref<1x64xi32, #tpu.memory_space<vmem>> -> memref<64xi32, #tpu.memory_space<vmem>>
      %dma_wait3A_261 = arith.constant 0 : i32
      %dma_wait3A_262 = arith.constant 0 : i32
      %dma_wait3A_263 = tpu.memref_slice %arg2[%dma_wait3A_261, %dma_wait3A_262] : memref<131072x256xf32, #tpu.memory_space<hbm>> -> memref<131072x256xf32, #tpu.memory_space<hbm>>
      tpu.wait_indirect_dma semaphore(%arg20 : memref<!tpu.dma_semaphore, #tpu.memory_space<semaphore_mem>>) src(%dma_wait3A_263 : memref<131072x256xf32, #tpu.memory_space<hbm>>) dst(%dma_wait3A_257 : memref<64x256xf32, #tpu.memory_space<vmem>>)
      %dma_wait3A_264 = arith.constant 0 : i32
      %dma_wait3A_265 = arith.constant 64 : i32
      %dma_wait3A_266 = arith.constant 0 : i32
      %dma_wait3A_267 = tpu.memref_slice %arg16[%dma_wait3A_265, %dma_wait3A_266] : memref<128x256xf32, #tpu.memory_space<vmem>> -> memref<64x256xf32, #tpu.memory_space<vmem>>
      %dma_wait3A_268 = arith.constant 0 : i32
      %dma_wait3A_269 = tpu.memref_slice %arg13[%dma_wait3A_264, %dma_wait3A_268] : memref<16x64xi32, #tpu.memory_space<vmem>> -> memref<1x64xi32, #tpu.memory_space<vmem>>
      %dma_wait3A_270 = tpu.memref_squeeze %dma_wait3A_269 : memref<1x64xi32, #tpu.memory_space<vmem>> -> memref<64xi32, #tpu.memory_space<vmem>>
      %dma_wait3A_271 = arith.constant 0 : i32
      %dma_wait3A_272 = arith.constant 0 : i32
      %dma_wait3A_273 = tpu.memref_slice %arg3[%dma_wait3A_271, %dma_wait3A_272] : memref<10000x256xf32, #tpu.memory_space<hbm>> -> memref<10000x256xf32, #tpu.memory_space<hbm>>
      tpu.wait_indirect_dma semaphore(%arg22 : memref<!tpu.dma_semaphore, #tpu.memory_space<semaphore_mem>>) src(%dma_wait3A_273 : memref<10000x256xf32, #tpu.memory_space<hbm>>) dst(%dma_wait3A_267 : memref<64x256xf32, #tpu.memory_space<vmem>>)
      %mul3A_274 = arith.constant 64 : i32
      %mul3A_275 = arith.muli %add3A_253, %mul3A_274 : i32
      %add3A_276 = arith.addi %mul3A_105, %mul3A_275 : i32
      "tpu.region"() ({
        %run_scoped3A = tpu.sem_alloc : memref<!tpu.dma_semaphore, #tpu.memory_space<semaphore_mem>>
        %dma_start3A_308 = arith.constant 64 : i32
        %dma_start3A_309 = arith.constant 0 : i32
        %dma_start3A_310 = tpu.memref_slice %arg16[%dma_start3A_308, %dma_start3A_309] : memref<128x256xf32, #tpu.memory_space<vmem>> -> memref<64x256xf32, #tpu.memory_space<vmem>>
        %dma_start3A_311 = arith.constant 0 : i32
        %dma_start3A_312 = tpu.memref_slice %arg9[%add3A_276, %dma_start3A_311] : memref<32768x256xf32, #tpu.memory_space<hbm>> -> memref<64x256xf32, #tpu.memory_space<hbm>>
        %dma_start3A_313 = arith.constant 0 : i32
        %dma_start3A_314 = tpu.memref_slice %arg9[%add3A_276, %dma_start3A_313] : memref<32768x256xf32, #tpu.memory_space<hbm>> -> memref<64x256xf32, #tpu.memory_space<hbm>>
        %dma_start3A_315 = arith.constant 64 : i32
        %dma_start3A_316 = arith.constant 0 : i32
        %dma_start3A_317 = tpu.memref_slice %arg16[%dma_start3A_315, %dma_start3A_316] : memref<128x256xf32, #tpu.memory_space<vmem>> -> memref<64x256xf32, #tpu.memory_space<vmem>>
        tpu.enqueue_dma source(%dma_start3A_317 : memref<64x256xf32, #tpu.memory_space<vmem>>) target(%dma_start3A_314 : memref<64x256xf32, #tpu.memory_space<hbm>>) target_semaphore(%run_scoped3A : memref<!tpu.dma_semaphore, #tpu.memory_space<semaphore_mem>>)
        %dma_wait3A_318 = arith.constant 64 : i32
        %dma_wait3A_319 = arith.constant 0 : i32
        %dma_wait3A_320 = tpu.memref_slice %arg16[%dma_wait3A_318, %dma_wait3A_319] : memref<128x256xf32, #tpu.memory_space<vmem>> -> memref<64x256xf32, #tpu.memory_space<vmem>>
        %dma_wait3A_321 = arith.constant 0 : i32
        %dma_wait3A_322 = tpu.memref_slice %arg9[%add3A_276, %dma_wait3A_321] : memref<32768x256xf32, #tpu.memory_space<hbm>> -> memref<64x256xf32, #tpu.memory_space<hbm>>
        %dma_wait3A_323 = arith.constant 0 : i32
        %dma_wait3A_324 = tpu.memref_slice %arg9[%add3A_276, %dma_wait3A_323] : memref<32768x256xf32, #tpu.memory_space<hbm>> -> memref<64x256xf32, #tpu.memory_space<hbm>>
        %dma_wait3A_325 = arith.constant 64 : i32
        %dma_wait3A_326 = arith.constant 0 : i32
        %dma_wait3A_327 = tpu.memref_slice %arg16[%dma_wait3A_325, %dma_wait3A_326] : memref<128x256xf32, #tpu.memory_space<vmem>> -> memref<64x256xf32, #tpu.memory_space<vmem>>
        tpu.wait_dma2 semaphore(%run_scoped3A : memref<!tpu.dma_semaphore, #tpu.memory_space<semaphore_mem>>) src(%dma_wait3A_327 : memref<64x256xf32, #tpu.memory_space<vmem>>) dst(%dma_wait3A_324 : memref<64x256xf32, #tpu.memory_space<hbm>>)
        tpu.yield
      }) : () -> ()
      %scan3A_277 = arith.constant 0 : i32
      %scan3A_278 = arith.constant 0 : i32
      %scan3A_279 = arith.constant 64 : i32
      %scan3A_280 = arith.addi %scan3A_278, %scan3A_279 : i32
      %scan3A_281 = arith.constant 1 : i32
      scf.for %scan3A_308 = %scan3A_278 to %scan3A_280 step %scan3A_281  : i32 {
        %add3A_309 = arith.constant 64 : i32
        %add3A_310 = arith.addi %add3A_309, %scan3A_308 : i32
        %get3A_311 = arith.index_cast %add3A_310 : i32 to index
        %get3A_312 = arith.constant 0 : index
        %get3A_313 = tpu.vector_load %arg15[%get3A_311, %get3A_312] {strides = array<i32>} : memref<128x256xf32, #tpu.memory_space<vmem>>, vector<1x16xf32>,
        %get3A_314 = vector.shape_cast %get3A_313 : vector<1x16xf32> to vector<16xf32>
        %add3A_315 = arith.constant 64 : i32
        %add3A_316 = arith.addi %add3A_315, %scan3A_308 : i32
        %get3A_317 = arith.index_cast %add3A_316 : i32 to index
        %get3A_318 = arith.constant 0 : index
        %get3A_319 = tpu.vector_load %arg16[%get3A_317, %get3A_318] {strides = array<i32>} : memref<128x256xf32, #tpu.memory_space<vmem>>, vector<1x16xf32>,
        %get3A_320 = vector.shape_cast %get3A_319 : vector<1x16xf32> to vector<16xf32>
        %add3A_321 = arith.addf %get3A_314, %get3A_320 : vector<16xf32>
        %add3A_322 = arith.constant 64 : i32
        %add3A_323 = arith.addi %add3A_322, %scan3A_308 : i32
        %swap3A = arith.index_cast %add3A_323 : i32 to index
        %swap3A_324 = arith.constant 0 : index
        %swap3A_325 = tpu.vector_load %arg15[%swap3A, %swap3A_324] {strides = array<i32>} : memref<128x256xf32, #tpu.memory_space<vmem>>, vector<1x16xf32>,
        %swap3A_326 = vector.shape_cast %swap3A_325 : vector<1x16xf32> to vector<16xf32>
        %swap3A_327 = vector.shape_cast %add3A_321 : vector<16xf32> to vector<1x16xf32>
        tpu.vector_store %arg15[%swap3A, %swap3A_324], %swap3A_327 {strides = array<i32>} : memref<128x256xf32, #tpu.memory_space<vmem>>, vector<1x16xf32>,
        %add3A_328 = arith.constant 64 : i32
        %add3A_329 = arith.addi %add3A_328, %scan3A_308 : i32
        %get3A_330 = arith.index_cast %add3A_329 : i32 to index
        %get3A_331 = arith.constant 16 : index
        %get3A_332 = tpu.vector_load %arg15[%get3A_330, %get3A_331] {strides = array<i32>} : memref<128x256xf32, #tpu.memory_space<vmem>>, vector<1x16xf32>,
        %get3A_333 = vector.shape_cast %get3A_332 : vector<1x16xf32> to vector<16xf32>
        %add3A_334 = arith.constant 64 : i32
        %add3A_335 = arith.addi %add3A_334, %scan3A_308 : i32
        %get3A_336 = arith.index_cast %add3A_335 : i32 to index
        %get3A_337 = arith.constant 16 : index
        %get3A_338 = tpu.vector_load %arg16[%get3A_336, %get3A_337] {strides = array<i32>} : memref<128x256xf32, #tpu.memory_space<vmem>>, vector<1x16xf32>,
        %get3A_339 = vector.shape_cast %get3A_338 : vector<1x16xf32> to vector<16xf32>
        %add3A_340 = arith.addf %get3A_333, %get3A_339 : vector<16xf32>
        %add3A_341 = arith.constant 64 : i32
        %add3A_342 = arith.addi %add3A_341, %scan3A_308 : i32
        %swap3A_343 = arith.index_cast %add3A_342 : i32 to index
        %swap3A_344 = arith.constant 16 : index
        %swap3A_345 = tpu.vector_load %arg15[%swap3A_343, %swap3A_344] {strides = array<i32>} : memref<128x256xf32, #tpu.memory_space<vmem>>, vector<1x16xf32>,
        %swap3A_346 = vector.shape_cast %swap3A_345 : vector<1x16xf32> to vector<16xf32>
        %swap3A_347 = vector.shape_cast %add3A_340 : vector<16xf32> to vector<1x16xf32>
        tpu.vector_store %arg15[%swap3A_343, %swap3A_344], %swap3A_347 {strides = array<i32>} : memref<128x256xf32, #tpu.memory_space<vmem>>, vector<1x16xf32>,
        %add3A_348 = arith.constant 64 : i32
        %add3A_349 = arith.addi %add3A_348, %scan3A_308 : i32
        %get3A_350 = arith.index_cast %add3A_349 : i32 to index
        %get3A_351 = arith.constant 32 : index
        %get3A_352 = tpu.vector_load %arg15[%get3A_350, %get3A_351] {strides = array<i32>} : memref<128x256xf32, #tpu.memory_space<vmem>>, vector<1x16xf32>,
        %get3A_353 = vector.shape_cast %get3A_352 : vector<1x16xf32> to vector<16xf32>
        %add3A_354 = arith.constant 64 : i32
        %add3A_355 = arith.addi %add3A_354, %scan3A_308 : i32
        %get3A_356 = arith.index_cast %add3A_355 : i32 to index
        %get3A_357 = arith.constant 32 : index
        %get3A_358 = tpu.vector_load %arg16[%get3A_356, %get3A_357] {strides = array<i32>} : memref<128x256xf32, #tpu.memory_space<vmem>>, vector<1x16xf32>,
        %get3A_359 = vector.shape_cast %get3A_358 : vector<1x16xf32> to vector<16xf32>
        %add3A_360 = arith.addf %get3A_353, %get3A_359 : vector<16xf32>
        %add3A_361 = arith.constant 64 : i32
        %add3A_362 = arith.addi %add3A_361, %scan3A_308 : i32
        %swap3A_363 = arith.index_cast %add3A_362 : i32 to index
        %swap3A_364 = arith.constant 32 : index
        %swap3A_365 = tpu.vector_load %arg15[%swap3A_363, %swap3A_364] {strides = array<i32>} : memref<128x256xf32, #tpu.memory_space<vmem>>, vector<1x16xf32>,
        %swap3A_366 = vector.shape_cast %swap3A_365 : vector<1x16xf32> to vector<16xf32>
        %swap3A_367 = vector.shape_cast %add3A_360 : vector<16xf32> to vector<1x16xf32>
        tpu.vector_store %arg15[%swap3A_363, %swap3A_364], %swap3A_367 {strides = array<i32>} : memref<128x256xf32, #tpu.memory_space<vmem>>, vector<1x16xf32>,
        %add3A_368 = arith.constant 64 : i32
        %add3A_369 = arith.addi %add3A_368, %scan3A_308 : i32
        %get3A_370 = arith.index_cast %add3A_369 : i32 to index
        %get3A_371 = arith.constant 48 : index
        %get3A_372 = tpu.vector_load %arg15[%get3A_370, %get3A_371] {strides = array<i32>} : memref<128x256xf32, #tpu.memory_space<vmem>>, vector<1x16xf32>,
        %get3A_373 = vector.shape_cast %get3A_372 : vector<1x16xf32> to vector<16xf32>
        %add3A_374 = arith.constant 64 : i32
        %add3A_375 = arith.addi %add3A_374, %scan3A_308 : i32
        %get3A_376 = arith.index_cast %add3A_375 : i32 to index
        %get3A_377 = arith.constant 48 : index
        %get3A_378 = tpu.vector_load %arg16[%get3A_376, %get3A_377] {strides = array<i32>} : memref<128x256xf32, #tpu.memory_space<vmem>>, vector<1x16xf32>,
        %get3A_379 = vector.shape_cast %get3A_378 : vector<1x16xf32> to vector<16xf32>
        %add3A_380 = arith.addf %get3A_373, %get3A_379 : vector<16xf32>
        %add3A_381 = arith.constant 64 : i32
        %add3A_382 = arith.addi %add3A_381, %scan3A_308 : i32
        %swap3A_383 = arith.index_cast %add3A_382 : i32 to index
        %swap3A_384 = arith.constant 48 : index
        %swap3A_385 = tpu.vector_load %arg15[%swap3A_383, %swap3A_384] {strides = array<i32>} : memref<128x256xf32, #tpu.memory_space<vmem>>, vector<1x16xf32>,
        %swap3A_386 = vector.shape_cast %swap3A_385 : vector<1x16xf32> to vector<16xf32>
        %swap3A_387 = vector.shape_cast %add3A_380 : vector<16xf32> to vector<1x16xf32>
        tpu.vector_store %arg15[%swap3A_383, %swap3A_384], %swap3A_387 {strides = array<i32>} : memref<128x256xf32, #tpu.memory_space<vmem>>, vector<1x16xf32>,
        %add3A_388 = arith.constant 64 : i32
        %add3A_389 = arith.addi %add3A_388, %scan3A_308 : i32
        %get3A_390 = arith.index_cast %add3A_389 : i32 to index
        %get3A_391 = arith.constant 64 : index
        %get3A_392 = tpu.vector_load %arg15[%get3A_390, %get3A_391] {strides = array<i32>} : memref<128x256xf32, #tpu.memory_space<vmem>>, vector<1x16xf32>,
        %get3A_393 = vector.shape_cast %get3A_392 : vector<1x16xf32> to vector<16xf32>
        %add3A_394 = arith.constant 64 : i32
        %add3A_395 = arith.addi %add3A_394, %scan3A_308 : i32
        %get3A_396 = arith.index_cast %add3A_395 : i32 to index
        %get3A_397 = arith.constant 64 : index
        %get3A_398 = tpu.vector_load %arg16[%get3A_396, %get3A_397] {strides = array<i32>} : memref<128x256xf32, #tpu.memory_space<vmem>>, vector<1x16xf32>,
        %get3A_399 = vector.shape_cast %get3A_398 : vector<1x16xf32> to vector<16xf32>
        %add3A_400 = arith.addf %get3A_393, %get3A_399 : vector<16xf32>
        %add3A_401 = arith.constant 64 : i32
        %add3A_402 = arith.addi %add3A_401, %scan3A_308 : i32
        %swap3A_403 = arith.index_cast %add3A_402 : i32 to index
        %swap3A_404 = arith.constant 64 : index
        %swap3A_405 = tpu.vector_load %arg15[%swap3A_403, %swap3A_404] {strides = array<i32>} : memref<128x256xf32, #tpu.memory_space<vmem>>, vector<1x16xf32>,
        %swap3A_406 = vector.shape_cast %swap3A_405 : vector<1x16xf32> to vector<16xf32>
        %swap3A_407 = vector.shape_cast %add3A_400 : vector<16xf32> to vector<1x16xf32>
        tpu.vector_store %arg15[%swap3A_403, %swap3A_404], %swap3A_407 {strides = array<i32>} : memref<128x256xf32, #tpu.memory_space<vmem>>, vector<1x16xf32>,
        %add3A_408 = arith.constant 64 : i32
        %add3A_409 = arith.addi %add3A_408, %scan3A_308 : i32
        %get3A_410 = arith.index_cast %add3A_409 : i32 to index
        %get3A_411 = arith.constant 80 : index
        %get3A_412 = tpu.vector_load %arg15[%get3A_410, %get3A_411] {strides = array<i32>} : memref<128x256xf32, #tpu.memory_space<vmem>>, vector<1x16xf32>,
        %get3A_413 = vector.shape_cast %get3A_412 : vector<1x16xf32> to vector<16xf32>
        %add3A_414 = arith.constant 64 : i32
        %add3A_415 = arith.addi %add3A_414, %scan3A_308 : i32
        %get3A_416 = arith.index_cast %add3A_415 : i32 to index
        %get3A_417 = arith.constant 80 : index
        %get3A_418 = tpu.vector_load %arg16[%get3A_416, %get3A_417] {strides = array<i32>} : memref<128x256xf32, #tpu.memory_space<vmem>>, vector<1x16xf32>,
        %get3A_419 = vector.shape_cast %get3A_418 : vector<1x16xf32> to vector<16xf32>
        %add3A_420 = arith.addf %get3A_413, %get3A_419 : vector<16xf32>
        %add3A_421 = arith.constant 64 : i32
        %add3A_422 = arith.addi %add3A_421, %scan3A_308 : i32
        %swap3A_423 = arith.index_cast %add3A_422 : i32 to index
        %swap3A_424 = arith.constant 80 : index
        %swap3A_425 = tpu.vector_load %arg15[%swap3A_423, %swap3A_424] {strides = array<i32>} : memref<128x256xf32, #tpu.memory_space<vmem>>, vector<1x16xf32>,
        %swap3A_426 = vector.shape_cast %swap3A_425 : vector<1x16xf32> to vector<16xf32>
        %swap3A_427 = vector.shape_cast %add3A_420 : vector<16xf32> to vector<1x16xf32>
        tpu.vector_store %arg15[%swap3A_423, %swap3A_424], %swap3A_427 {strides = array<i32>} : memref<128x256xf32, #tpu.memory_space<vmem>>, vector<1x16xf32>,
        %add3A_428 = arith.constant 64 : i32
        %add3A_429 = arith.addi %add3A_428, %scan3A_308 : i32
        %get3A_430 = arith.index_cast %add3A_429 : i32 to index
        %get3A_431 = arith.constant 96 : index
        %get3A_432 = tpu.vector_load %arg15[%get3A_430, %get3A_431] {strides = array<i32>} : memref<128x256xf32, #tpu.memory_space<vmem>>, vector<1x16xf32>,
        %get3A_433 = vector.shape_cast %get3A_432 : vector<1x16xf32> to vector<16xf32>
        %add3A_434 = arith.constant 64 : i32
        %add3A_435 = arith.addi %add3A_434, %scan3A_308 : i32
        %get3A_436 = arith.index_cast %add3A_435 : i32 to index
        %get3A_437 = arith.constant 96 : index
        %get3A_438 = tpu.vector_load %arg16[%get3A_436, %get3A_437] {strides = array<i32>} : memref<128x256xf32, #tpu.memory_space<vmem>>, vector<1x16xf32>,
        %get3A_439 = vector.shape_cast %get3A_438 : vector<1x16xf32> to vector<16xf32>
        %add3A_440 = arith.addf %get3A_433, %get3A_439 : vector<16xf32>
        %add3A_441 = arith.constant 64 : i32
        %add3A_442 = arith.addi %add3A_441, %scan3A_308 : i32
        %swap3A_443 = arith.index_cast %add3A_442 : i32 to index
        %swap3A_444 = arith.constant 96 : index
        %swap3A_445 = tpu.vector_load %arg15[%swap3A_443, %swap3A_444] {strides = array<i32>} : memref<128x256xf32, #tpu.memory_space<vmem>>, vector<1x16xf32>,
        %swap3A_446 = vector.shape_cast %swap3A_445 : vector<1x16xf32> to vector<16xf32>
        %swap3A_447 = vector.shape_cast %add3A_440 : vector<16xf32> to vector<1x16xf32>
        tpu.vector_store %arg15[%swap3A_443, %swap3A_444], %swap3A_447 {strides = array<i32>} : memref<128x256xf32, #tpu.memory_space<vmem>>, vector<1x16xf32>,
        %add3A_448 = arith.constant 64 : i32
        %add3A_449 = arith.addi %add3A_448, %scan3A_308 : i32
        %get3A_450 = arith.index_cast %add3A_449 : i32 to index
        %get3A_451 = arith.constant 112 : index
        %get3A_452 = tpu.vector_load %arg15[%get3A_450, %get3A_451] {strides = array<i32>} : memref<128x256xf32, #tpu.memory_space<vmem>>, vector<1x16xf32>,
        %get3A_453 = vector.shape_cast %get3A_452 : vector<1x16xf32> to vector<16xf32>
        %add3A_454 = arith.constant 64 : i32
        %add3A_455 = arith.addi %add3A_454, %scan3A_308 : i32
        %get3A_456 = arith.index_cast %add3A_455 : i32 to index
        %get3A_457 = arith.constant 112 : index
        %get3A_458 = tpu.vector_load %arg16[%get3A_456, %get3A_457] {strides = array<i32>} : memref<128x256xf32, #tpu.memory_space<vmem>>, vector<1x16xf32>,
        %get3A_459 = vector.shape_cast %get3A_458 : vector<1x16xf32> to vector<16xf32>
        %add3A_460 = arith.addf %get3A_453, %get3A_459 : vector<16xf32>
        %add3A_461 = arith.constant 64 : i32
        %add3A_462 = arith.addi %add3A_461, %scan3A_308 : i32
        %swap3A_463 = arith.index_cast %add3A_462 : i32 to index
        %swap3A_464 = arith.constant 112 : index
        %swap3A_465 = tpu.vector_load %arg15[%swap3A_463, %swap3A_464] {strides = array<i32>} : memref<128x256xf32, #tpu.memory_space<vmem>>, vector<1x16xf32>,
        %swap3A_466 = vector.shape_cast %swap3A_465 : vector<1x16xf32> to vector<16xf32>
        %swap3A_467 = vector.shape_cast %add3A_460 : vector<16xf32> to vector<1x16xf32>
        tpu.vector_store %arg15[%swap3A_463, %swap3A_464], %swap3A_467 {strides = array<i32>} : memref<128x256xf32, #tpu.memory_space<vmem>>, vector<1x16xf32>,
        %add3A_468 = arith.constant 64 : i32
        %add3A_469 = arith.addi %add3A_468, %scan3A_308 : i32
        %get3A_470 = arith.index_cast %add3A_469 : i32 to index
        %get3A_471 = arith.constant 128 : index
        %get3A_472 = tpu.vector_load %arg15[%get3A_470, %get3A_471] {strides = array<i32>} : memref<128x256xf32, #tpu.memory_space<vmem>>, vector<1x16xf32>,
        %get3A_473 = vector.shape_cast %get3A_472 : vector<1x16xf32> to vector<16xf32>
        %add3A_474 = arith.constant 64 : i32
        %add3A_475 = arith.addi %add3A_474, %scan3A_308 : i32
        %get3A_476 = arith.index_cast %add3A_475 : i32 to index
        %get3A_477 = arith.constant 128 : index
        %get3A_478 = tpu.vector_load %arg16[%get3A_476, %get3A_477] {strides = array<i32>} : memref<128x256xf32, #tpu.memory_space<vmem>>, vector<1x16xf32>,
        %get3A_479 = vector.shape_cast %get3A_478 : vector<1x16xf32> to vector<16xf32>
        %add3A_480 = arith.addf %get3A_473, %get3A_479 : vector<16xf32>
        %add3A_481 = arith.constant 64 : i32
        %add3A_482 = arith.addi %add3A_481, %scan3A_308 : i32
        %swap3A_483 = arith.index_cast %add3A_482 : i32 to index
        %swap3A_484 = arith.constant 128 : index
        %swap3A_485 = tpu.vector_load %arg15[%swap3A_483, %swap3A_484] {strides = array<i32>} : memref<128x256xf32, #tpu.memory_space<vmem>>, vector<1x16xf32>,
        %swap3A_486 = vector.shape_cast %swap3A_485 : vector<1x16xf32> to vector<16xf32>
        %swap3A_487 = vector.shape_cast %add3A_480 : vector<16xf32> to vector<1x16xf32>
        tpu.vector_store %arg15[%swap3A_483, %swap3A_484], %swap3A_487 {strides = array<i32>} : memref<128x256xf32, #tpu.memory_space<vmem>>, vector<1x16xf32>,
        %add3A_488 = arith.constant 64 : i32
        %add3A_489 = arith.addi %add3A_488, %scan3A_308 : i32
        %get3A_490 = arith.index_cast %add3A_489 : i32 to index
        %get3A_491 = arith.constant 144 : index
        %get3A_492 = tpu.vector_load %arg15[%get3A_490, %get3A_491] {strides = array<i32>} : memref<128x256xf32, #tpu.memory_space<vmem>>, vector<1x16xf32>,
        %get3A_493 = vector.shape_cast %get3A_492 : vector<1x16xf32> to vector<16xf32>
        %add3A_494 = arith.constant 64 : i32
        %add3A_495 = arith.addi %add3A_494, %scan3A_308 : i32
        %get3A_496 = arith.index_cast %add3A_495 : i32 to index
        %get3A_497 = arith.constant 144 : index
        %get3A_498 = tpu.vector_load %arg16[%get3A_496, %get3A_497] {strides = array<i32>} : memref<128x256xf32, #tpu.memory_space<vmem>>, vector<1x16xf32>,
        %get3A_499 = vector.shape_cast %get3A_498 : vector<1x16xf32> to vector<16xf32>
        %add3A_500 = arith.addf %get3A_493, %get3A_499 : vector<16xf32>
        %add3A_501 = arith.constant 64 : i32
        %add3A_502 = arith.addi %add3A_501, %scan3A_308 : i32
        %swap3A_503 = arith.index_cast %add3A_502 : i32 to index
        %swap3A_504 = arith.constant 144 : index
        %swap3A_505 = tpu.vector_load %arg15[%swap3A_503, %swap3A_504] {strides = array<i32>} : memref<128x256xf32, #tpu.memory_space<vmem>>, vector<1x16xf32>,
        %swap3A_506 = vector.shape_cast %swap3A_505 : vector<1x16xf32> to vector<16xf32>
        %swap3A_507 = vector.shape_cast %add3A_500 : vector<16xf32> to vector<1x16xf32>
        tpu.vector_store %arg15[%swap3A_503, %swap3A_504], %swap3A_507 {strides = array<i32>} : memref<128x256xf32, #tpu.memory_space<vmem>>, vector<1x16xf32>,
        %add3A_508 = arith.constant 64 : i32
        %add3A_509 = arith.addi %add3A_508, %scan3A_308 : i32
        %get3A_510 = arith.index_cast %add3A_509 : i32 to index
        %get3A_511 = arith.constant 160 : index
        %get3A_512 = tpu.vector_load %arg15[%get3A_510, %get3A_511] {strides = array<i32>} : memref<128x256xf32, #tpu.memory_space<vmem>>, vector<1x16xf32>,
        %get3A_513 = vector.shape_cast %get3A_512 : vector<1x16xf32> to vector<16xf32>
        %add3A_514 = arith.constant 64 : i32
        %add3A_515 = arith.addi %add3A_514, %scan3A_308 : i32
        %get3A_516 = arith.index_cast %add3A_515 : i32 to index
        %get3A_517 = arith.constant 160 : index
        %get3A_518 = tpu.vector_load %arg16[%get3A_516, %get3A_517] {strides = array<i32>} : memref<128x256xf32, #tpu.memory_space<vmem>>, vector<1x16xf32>,
        %get3A_519 = vector.shape_cast %get3A_518 : vector<1x16xf32> to vector<16xf32>
        %add3A_520 = arith.addf %get3A_513, %get3A_519 : vector<16xf32>
        %add3A_521 = arith.constant 64 : i32
        %add3A_522 = arith.addi %add3A_521, %scan3A_308 : i32
        %swap3A_523 = arith.index_cast %add3A_522 : i32 to index
        %swap3A_524 = arith.constant 160 : index
        %swap3A_525 = tpu.vector_load %arg15[%swap3A_523, %swap3A_524] {strides = array<i32>} : memref<128x256xf32, #tpu.memory_space<vmem>>, vector<1x16xf32>,
        %swap3A_526 = vector.shape_cast %swap3A_525 : vector<1x16xf32> to vector<16xf32>
        %swap3A_527 = vector.shape_cast %add3A_520 : vector<16xf32> to vector<1x16xf32>
        tpu.vector_store %arg15[%swap3A_523, %swap3A_524], %swap3A_527 {strides = array<i32>} : memref<128x256xf32, #tpu.memory_space<vmem>>, vector<1x16xf32>,
        %add3A_528 = arith.constant 64 : i32
        %add3A_529 = arith.addi %add3A_528, %scan3A_308 : i32
        %get3A_530 = arith.index_cast %add3A_529 : i32 to index
        %get3A_531 = arith.constant 176 : index
        %get3A_532 = tpu.vector_load %arg15[%get3A_530, %get3A_531] {strides = array<i32>} : memref<128x256xf32, #tpu.memory_space<vmem>>, vector<1x16xf32>,
        %get3A_533 = vector.shape_cast %get3A_532 : vector<1x16xf32> to vector<16xf32>
        %add3A_534 = arith.constant 64 : i32
        %add3A_535 = arith.addi %add3A_534, %scan3A_308 : i32
        %get3A_536 = arith.index_cast %add3A_535 : i32 to index
        %get3A_537 = arith.constant 176 : index
        %get3A_538 = tpu.vector_load %arg16[%get3A_536, %get3A_537] {strides = array<i32>} : memref<128x256xf32, #tpu.memory_space<vmem>>, vector<1x16xf32>,
        %get3A_539 = vector.shape_cast %get3A_538 : vector<1x16xf32> to vector<16xf32>
        %add3A_540 = arith.addf %get3A_533, %get3A_539 : vector<16xf32>
        %add3A_541 = arith.constant 64 : i32
        %add3A_542 = arith.addi %add3A_541, %scan3A_308 : i32
        %swap3A_543 = arith.index_cast %add3A_542 : i32 to index
        %swap3A_544 = arith.constant 176 : index
        %swap3A_545 = tpu.vector_load %arg15[%swap3A_543, %swap3A_544] {strides = array<i32>} : memref<128x256xf32, #tpu.memory_space<vmem>>, vector<1x16xf32>,
        %swap3A_546 = vector.shape_cast %swap3A_545 : vector<1x16xf32> to vector<16xf32>
        %swap3A_547 = vector.shape_cast %add3A_540 : vector<16xf32> to vector<1x16xf32>
        tpu.vector_store %arg15[%swap3A_543, %swap3A_544], %swap3A_547 {strides = array<i32>} : memref<128x256xf32, #tpu.memory_space<vmem>>, vector<1x16xf32>,
        %add3A_548 = arith.constant 64 : i32
        %add3A_549 = arith.addi %add3A_548, %scan3A_308 : i32
        %get3A_550 = arith.index_cast %add3A_549 : i32 to index
        %get3A_551 = arith.constant 192 : index
        %get3A_552 = tpu.vector_load %arg15[%get3A_550, %get3A_551] {strides = array<i32>} : memref<128x256xf32, #tpu.memory_space<vmem>>, vector<1x16xf32>,
        %get3A_553 = vector.shape_cast %get3A_552 : vector<1x16xf32> to vector<16xf32>
        %add3A_554 = arith.constant 64 : i32
        %add3A_555 = arith.addi %add3A_554, %scan3A_308 : i32
        %get3A_556 = arith.index_cast %add3A_555 : i32 to index
        %get3A_557 = arith.constant 192 : index
        %get3A_558 = tpu.vector_load %arg16[%get3A_556, %get3A_557] {strides = array<i32>} : memref<128x256xf32, #tpu.memory_space<vmem>>, vector<1x16xf32>,
        %get3A_559 = vector.shape_cast %get3A_558 : vector<1x16xf32> to vector<16xf32>
        %add3A_560 = arith.addf %get3A_553, %get3A_559 : vector<16xf32>
        %add3A_561 = arith.constant 64 : i32
        %add3A_562 = arith.addi %add3A_561, %scan3A_308 : i32
        %swap3A_563 = arith.index_cast %add3A_562 : i32 to index
        %swap3A_564 = arith.constant 192 : index
        %swap3A_565 = tpu.vector_load %arg15[%swap3A_563, %swap3A_564] {strides = array<i32>} : memref<128x256xf32, #tpu.memory_space<vmem>>, vector<1x16xf32>,
        %swap3A_566 = vector.shape_cast %swap3A_565 : vector<1x16xf32> to vector<16xf32>
        %swap3A_567 = vector.shape_cast %add3A_560 : vector<16xf32> to vector<1x16xf32>
        tpu.vector_store %arg15[%swap3A_563, %swap3A_564], %swap3A_567 {strides = array<i32>} : memref<128x256xf32, #tpu.memory_space<vmem>>, vector<1x16xf32>,
        %add3A_568 = arith.constant 64 : i32
        %add3A_569 = arith.addi %add3A_568, %scan3A_308 : i32
        %get3A_570 = arith.index_cast %add3A_569 : i32 to index
        %get3A_571 = arith.constant 208 : index
        %get3A_572 = tpu.vector_load %arg15[%get3A_570, %get3A_571] {strides = array<i32>} : memref<128x256xf32, #tpu.memory_space<vmem>>, vector<1x16xf32>,
        %get3A_573 = vector.shape_cast %get3A_572 : vector<1x16xf32> to vector<16xf32>
        %add3A_574 = arith.constant 64 : i32
        %add3A_575 = arith.addi %add3A_574, %scan3A_308 : i32
        %get3A_576 = arith.index_cast %add3A_575 : i32 to index
        %get3A_577 = arith.constant 208 : index
        %get3A_578 = tpu.vector_load %arg16[%get3A_576, %get3A_577] {strides = array<i32>} : memref<128x256xf32, #tpu.memory_space<vmem>>, vector<1x16xf32>,
        %get3A_579 = vector.shape_cast %get3A_578 : vector<1x16xf32> to vector<16xf32>
        %add3A_580 = arith.addf %get3A_573, %get3A_579 : vector<16xf32>
        %add3A_581 = arith.constant 64 : i32
        %add3A_582 = arith.addi %add3A_581, %scan3A_308 : i32
        %swap3A_583 = arith.index_cast %add3A_582 : i32 to index
        %swap3A_584 = arith.constant 208 : index
        %swap3A_585 = tpu.vector_load %arg15[%swap3A_583, %swap3A_584] {strides = array<i32>} : memref<128x256xf32, #tpu.memory_space<vmem>>, vector<1x16xf32>,
        %swap3A_586 = vector.shape_cast %swap3A_585 : vector<1x16xf32> to vector<16xf32>
        %swap3A_587 = vector.shape_cast %add3A_580 : vector<16xf32> to vector<1x16xf32>
        tpu.vector_store %arg15[%swap3A_583, %swap3A_584], %swap3A_587 {strides = array<i32>} : memref<128x256xf32, #tpu.memory_space<vmem>>, vector<1x16xf32>,
        %add3A_588 = arith.constant 64 : i32
        %add3A_589 = arith.addi %add3A_588, %scan3A_308 : i32
        %get3A_590 = arith.index_cast %add3A_589 : i32 to index
        %get3A_591 = arith.constant 224 : index
        %get3A_592 = tpu.vector_load %arg15[%get3A_590, %get3A_591] {strides = array<i32>} : memref<128x256xf32, #tpu.memory_space<vmem>>, vector<1x16xf32>,
        %get3A_593 = vector.shape_cast %get3A_592 : vector<1x16xf32> to vector<16xf32>
        %add3A_594 = arith.constant 64 : i32
        %add3A_595 = arith.addi %add3A_594, %scan3A_308 : i32
        %get3A_596 = arith.index_cast %add3A_595 : i32 to index
        %get3A_597 = arith.constant 224 : index
        %get3A_598 = tpu.vector_load %arg16[%get3A_596, %get3A_597] {strides = array<i32>} : memref<128x256xf32, #tpu.memory_space<vmem>>, vector<1x16xf32>,
        %get3A_599 = vector.shape_cast %get3A_598 : vector<1x16xf32> to vector<16xf32>
        %add3A_600 = arith.addf %get3A_593, %get3A_599 : vector<16xf32>
        %add3A_601 = arith.constant 64 : i32
        %add3A_602 = arith.addi %add3A_601, %scan3A_308 : i32
        %swap3A_603 = arith.index_cast %add3A_602 : i32 to index
        %swap3A_604 = arith.constant 224 : index
        %swap3A_605 = tpu.vector_load %arg15[%swap3A_603, %swap3A_604] {strides = array<i32>} : memref<128x256xf32, #tpu.memory_space<vmem>>, vector<1x16xf32>,
        %swap3A_606 = vector.shape_cast %swap3A_605 : vector<1x16xf32> to vector<16xf32>
        %swap3A_607 = vector.shape_cast %add3A_600 : vector<16xf32> to vector<1x16xf32>
        tpu.vector_store %arg15[%swap3A_603, %swap3A_604], %swap3A_607 {strides = array<i32>} : memref<128x256xf32, #tpu.memory_space<vmem>>, vector<1x16xf32>,
        %add3A_608 = arith.constant 64 : i32
        %add3A_609 = arith.addi %add3A_608, %scan3A_308 : i32
        %get3A_610 = arith.index_cast %add3A_609 : i32 to index
        %get3A_611 = arith.constant 240 : index
        %get3A_612 = tpu.vector_load %arg15[%get3A_610, %get3A_611] {strides = array<i32>} : memref<128x256xf32, #tpu.memory_space<vmem>>, vector<1x16xf32>,
        %get3A_613 = vector.shape_cast %get3A_612 : vector<1x16xf32> to vector<16xf32>
        %add3A_614 = arith.constant 64 : i32
        %add3A_615 = arith.addi %add3A_614, %scan3A_308 : i32
        %get3A_616 = arith.index_cast %add3A_615 : i32 to index
        %get3A_617 = arith.constant 240 : index
        %get3A_618 = tpu.vector_load %arg16[%get3A_616, %get3A_617] {strides = array<i32>} : memref<128x256xf32, #tpu.memory_space<vmem>>, vector<1x16xf32>,
        %get3A_619 = vector.shape_cast %get3A_618 : vector<1x16xf32> to vector<16xf32>
        %add3A_620 = arith.addf %get3A_613, %get3A_619 : vector<16xf32>
        %add3A_621 = arith.constant 64 : i32
        %add3A_622 = arith.addi %add3A_621, %scan3A_308 : i32
        %swap3A_623 = arith.index_cast %add3A_622 : i32 to index
        %swap3A_624 = arith.constant 240 : index
        %swap3A_625 = tpu.vector_load %arg15[%swap3A_623, %swap3A_624] {strides = array<i32>} : memref<128x256xf32, #tpu.memory_space<vmem>>, vector<1x16xf32>,
        %swap3A_626 = vector.shape_cast %swap3A_625 : vector<1x16xf32> to vector<16xf32>
        %swap3A_627 = vector.shape_cast %add3A_620 : vector<16xf32> to vector<1x16xf32>
        tpu.vector_store %arg15[%swap3A_623, %swap3A_624], %swap3A_627 {strides = array<i32>} : memref<128x256xf32, #tpu.memory_space<vmem>>, vector<1x16xf32>,
      }
      %scan3A_282 = arith.constant 64 : i32
      %mul3A_283 = arith.constant 64 : i32
      %mul3A_284 = arith.muli %add3A_253, %mul3A_283 : i32
      %add3A_285 = arith.addi %mul3A_105, %mul3A_284 : i32
      "tpu.region"() ({
        %run_scoped3A = tpu.sem_alloc : memref<!tpu.dma_semaphore, #tpu.memory_space<semaphore_mem>>
        %dma_start3A_308 = arith.constant 64 : i32
        %dma_start3A_309 = arith.constant 0 : i32
        %dma_start3A_310 = tpu.memref_slice %arg15[%dma_start3A_308, %dma_start3A_309] : memref<128x256xf32, #tpu.memory_space<vmem>> -> memref<64x256xf32, #tpu.memory_space<vmem>>
        %dma_start3A_311 = arith.constant 0 : i32
        %dma_start3A_312 = tpu.memref_slice %arg8[%add3A_285, %dma_start3A_311] : memref<32768x256xf32, #tpu.memory_space<hbm>> -> memref<64x256xf32, #tpu.memory_space<hbm>>
        %dma_start3A_313 = arith.constant 0 : i32
        %dma_start3A_314 = tpu.memref_slice %arg8[%add3A_285, %dma_start3A_313] : memref<32768x256xf32, #tpu.memory_space<hbm>> -> memref<64x256xf32, #tpu.memory_space<hbm>>
        %dma_start3A_315 = arith.constant 64 : i32
        %dma_start3A_316 = arith.constant 0 : i32
        %dma_start3A_317 = tpu.memref_slice %arg15[%dma_start3A_315, %dma_start3A_316] : memref<128x256xf32, #tpu.memory_space<vmem>> -> memref<64x256xf32, #tpu.memory_space<vmem>>
        tpu.enqueue_dma source(%dma_start3A_317 : memref<64x256xf32, #tpu.memory_space<vmem>>) target(%dma_start3A_314 : memref<64x256xf32, #tpu.memory_space<hbm>>) target_semaphore(%run_scoped3A : memref<!tpu.dma_semaphore, #tpu.memory_space<semaphore_mem>>)
        %dma_wait3A_318 = arith.constant 64 : i32
        %dma_wait3A_319 = arith.constant 0 : i32
        %dma_wait3A_320 = tpu.memref_slice %arg15[%dma_wait3A_318, %dma_wait3A_319] : memref<128x256xf32, #tpu.memory_space<vmem>> -> memref<64x256xf32, #tpu.memory_space<vmem>>
        %dma_wait3A_321 = arith.constant 0 : i32
        %dma_wait3A_322 = tpu.memref_slice %arg8[%add3A_285, %dma_wait3A_321] : memref<32768x256xf32, #tpu.memory_space<hbm>> -> memref<64x256xf32, #tpu.memory_space<hbm>>
        %dma_wait3A_323 = arith.constant 0 : i32
        %dma_wait3A_324 = tpu.memref_slice %arg8[%add3A_285, %dma_wait3A_323] : memref<32768x256xf32, #tpu.memory_space<hbm>> -> memref<64x256xf32, #tpu.memory_space<hbm>>
        %dma_wait3A_325 = arith.constant 64 : i32
        %dma_wait3A_326 = arith.constant 0 : i32
        %dma_wait3A_327 = tpu.memref_slice %arg15[%dma_wait3A_325, %dma_wait3A_326] : memref<128x256xf32, #tpu.memory_space<vmem>> -> memref<64x256xf32, #tpu.memory_space<vmem>>
        tpu.wait_dma2 semaphore(%run_scoped3A : memref<!tpu.dma_semaphore, #tpu.memory_space<semaphore_mem>>) src(%dma_wait3A_327 : memref<64x256xf32, #tpu.memory_space<vmem>>) dst(%dma_wait3A_324 : memref<64x256xf32, #tpu.memory_space<hbm>>)
        tpu.yield
      }) : () -> ()
      %add3A_286 = arith.constant 2 : i32
      %add3A_287 = arith.addi %add3A_253, %add3A_286 : i32
      %min3A_288 = arith.constant 15 : i32
      %min3A_289 = arith.minsi %add3A_287, %min3A_288 : i32
      %dma_start3A_290 = arith.constant 64 : i32
      %dma_start3A_291 = arith.constant 0 : i32
      %dma_start3A_292 = tpu.memref_slice %arg15[%dma_start3A_290, %dma_start3A_291] : memref<128x256xf32, #tpu.memory_space<vmem>> -> memref<64x256xf32, #tpu.memory_space<vmem>>
      %dma_start3A_293 = arith.constant 0 : i32
      %dma_start3A_294 = tpu.memref_slice %arg12[%min3A_289, %dma_start3A_293] : memref<16x64xi32, #tpu.memory_space<vmem>> -> memref<1x64xi32, #tpu.memory_space<vmem>>
      %dma_start3A_295 = tpu.memref_squeeze %dma_start3A_294 : memref<1x64xi32, #tpu.memory_space<vmem>> -> memref<64xi32, #tpu.memory_space<vmem>>
      %dma_start3A_296 = arith.constant 0 : i32
      %dma_start3A_297 = arith.constant 0 : i32
      %dma_start3A_298 = tpu.memref_slice %arg2[%dma_start3A_296, %dma_start3A_297] : memref<131072x256xf32, #tpu.memory_space<hbm>> -> memref<131072x256xf32, #tpu.memory_space<hbm>>
      tpu.enqueue_indirect_dma source(%dma_start3A_298 : memref<131072x256xf32, #tpu.memory_space<hbm>>) target(%dma_start3A_292 : memref<64x256xf32, #tpu.memory_space<vmem>>) offsets(%dma_start3A_295 : memref<64xi32, #tpu.memory_space<vmem>>) semaphore(%arg20 : memref<!tpu.dma_semaphore, #tpu.memory_space<semaphore_mem>>)
      %dma_start3A_299 = arith.constant 64 : i32
      %dma_start3A_300 = arith.constant 0 : i32
      %dma_start3A_301 = tpu.memref_slice %arg16[%dma_start3A_299, %dma_start3A_300] : memref<128x256xf32, #tpu.memory_space<vmem>> -> memref<64x256xf32, #tpu.memory_space<vmem>>
      %dma_start3A_302 = arith.constant 0 : i32
      %dma_start3A_303 = tpu.memref_slice %arg13[%min3A_289, %dma_start3A_302] : memref<16x64xi32, #tpu.memory_space<vmem>> -> memref<1x64xi32, #tpu.memory_space<vmem>>
      %dma_start3A_304 = tpu.memref_squeeze %dma_start3A_303 : memref<1x64xi32, #tpu.memory_space<vmem>> -> memref<64xi32, #tpu.memory_space<vmem>>
      %dma_start3A_305 = arith.constant 0 : i32
      %dma_start3A_306 = arith.constant 0 : i32
      %dma_start3A_307 = tpu.memref_slice %arg3[%dma_start3A_305, %dma_start3A_306] : memref<10000x256xf32, #tpu.memory_space<hbm>> -> memref<10000x256xf32, #tpu.memory_space<hbm>>
      tpu.enqueue_indirect_dma source(%dma_start3A_307 : memref<10000x256xf32, #tpu.memory_space<hbm>>) target(%dma_start3A_301 : memref<64x256xf32, #tpu.memory_space<vmem>>) offsets(%dma_start3A_304 : memref<64xi32, #tpu.memory_space<vmem>>) semaphore(%arg22 : memref<!tpu.dma_semaphore, #tpu.memory_space<semaphore_mem>>)
    }
    %scan3A_151 = arith.constant 8 : i32
    %dma_wait3A_152 = arith.constant 0 : i32
    %dma_wait3A_153 = arith.constant 0 : i32
    %dma_wait3A_154 = arith.constant 0 : i32
    %dma_wait3A_155 = tpu.memref_slice %arg15[%dma_wait3A_153, %dma_wait3A_154] : memref<128x256xf32, #tpu.memory_space<vmem>> -> memref<64x256xf32, #tpu.memory_space<vmem>>
    %dma_wait3A_156 = arith.constant 0 : i32
    %dma_wait3A_157 = tpu.memref_slice %arg12[%dma_wait3A_152, %dma_wait3A_156] : memref<16x64xi32, #tpu.memory_space<vmem>> -> memref<1x64xi32, #tpu.memory_space<vmem>>
    %dma_wait3A_158 = tpu.memref_squeeze %dma_wait3A_157 : memref<1x64xi32, #tpu.memory_space<vmem>> -> memref<64xi32, #tpu.memory_space<vmem>>
    %dma_wait3A_159 = arith.constant 0 : i32
    %dma_wait3A_160 = arith.constant 0 : i32
    %dma_wait3A_161 = tpu.memref_slice %arg2[%dma_wait3A_159, %dma_wait3A_160] : memref<131072x256xf32, #tpu.memory_space<hbm>> -> memref<131072x256xf32, #tpu.memory_space<hbm>>
    tpu.wait_indirect_dma semaphore(%arg19 : memref<!tpu.dma_semaphore, #tpu.memory_space<semaphore_mem>>) src(%dma_wait3A_161 : memref<131072x256xf32, #tpu.memory_space<hbm>>) dst(%dma_wait3A_155 : memref<64x256xf32, #tpu.memory_space<vmem>>)
    %dma_wait3A_162 = arith.constant 0 : i32
    %dma_wait3A_163 = arith.constant 0 : i32
    %dma_wait3A_164 = arith.constant 0 : i32
    %dma_wait3A_165 = tpu.memref_slice %arg16[%dma_wait3A_163, %dma_wait3A_164] : memref<128x256xf32, #tpu.memory_space<vmem>> -> memref<64x256xf32, #tpu.memory_space<vmem>>
    %dma_wait3A_166 = arith.constant 0 : i32
    %dma_wait3A_167 = tpu.memref_slice %arg13[%dma_wait3A_162, %dma_wait3A_166] : memref<16x64xi32, #tpu.memory_space<vmem>> -> memref<1x64xi32, #tpu.memory_space<vmem>>
    %dma_wait3A_168 = tpu.memref_squeeze %dma_wait3A_167 : memref<1x64xi32, #tpu.memory_space<vmem>> -> memref<64xi32, #tpu.memory_space<vmem>>
    %dma_wait3A_169 = arith.constant 0 : i32
    %dma_wait3A_170 = arith.constant 0 : i32
    %dma_wait3A_171 = tpu.memref_slice %arg3[%dma_wait3A_169, %dma_wait3A_170] : memref<10000x256xf32, #tpu.memory_space<hbm>> -> memref<10000x256xf32, #tpu.memory_space<hbm>>
    tpu.wait_indirect_dma semaphore(%arg21 : memref<!tpu.dma_semaphore, #tpu.memory_space<semaphore_mem>>) src(%dma_wait3A_171 : memref<10000x256xf32, #tpu.memory_space<hbm>>) dst(%dma_wait3A_165 : memref<64x256xf32, #tpu.memory_space<vmem>>)
    %dma_wait3A_172 = arith.constant 0 : i32
    %dma_wait3A_173 = arith.constant 64 : i32
    %dma_wait3A_174 = arith.constant 0 : i32
    %dma_wait3A_175 = tpu.memref_slice %arg15[%dma_wait3A_173, %dma_wait3A_174] : memref<128x256xf32, #tpu.memory_space<vmem>> -> memref<64x256xf32, #tpu.memory_space<vmem>>
    %dma_wait3A_176 = arith.constant 0 : i32
    %dma_wait3A_177 = tpu.memref_slice %arg12[%dma_wait3A_172, %dma_wait3A_176] : memref<16x64xi32, #tpu.memory_space<vmem>> -> memref<1x64xi32, #tpu.memory_space<vmem>>
    %dma_wait3A_178 = tpu.memref_squeeze %dma_wait3A_177 : memref<1x64xi32, #tpu.memory_space<vmem>> -> memref<64xi32, #tpu.memory_space<vmem>>
    %dma_wait3A_179 = arith.constant 0 : i32
    %dma_wait3A_180 = arith.constant 0 : i32
    %dma_wait3A_181 = tpu.memref_slice %arg2[%dma_wait3A_179, %dma_wait3A_180] : memref<131072x256xf32, #tpu.memory_space<hbm>> -> memref<131072x256xf32, #tpu.memory_space<hbm>>
    tpu.wait_indirect_dma semaphore(%arg20 : memref<!tpu.dma_semaphore, #tpu.memory_space<semaphore_mem>>) src(%dma_wait3A_181 : memref<131072x256xf32, #tpu.memory_space<hbm>>) dst(%dma_wait3A_175 : memref<64x256xf32, #tpu.memory_space<vmem>>)
    %dma_wait3A_182 = arith.constant 0 : i32
    %dma_wait3A_183 = arith.constant 64 : i32
    %dma_wait3A_184 = arith.constant 0 : i32
    %dma_wait3A_185 = tpu.memref_slice %arg16[%dma_wait3A_183, %dma_wait3A_184] : memref<128x256xf32, #tpu.memory_space<vmem>> -> memref<64x256xf32, #tpu.memory_space<vmem>>
    %dma_wait3A_186 = arith.constant 0 : i32
    %dma_wait3A_187 = tpu.memref_slice %arg13[%dma_wait3A_182, %dma_wait3A_186] : memref<16x64xi32, #tpu.memory_space<vmem>> -> memref<1x64xi32, #tpu.memory_space<vmem>>
    %dma_wait3A_188 = tpu.memref_squeeze %dma_wait3A_187 : memref<1x64xi32, #tpu.memory_space<vmem>> -> memref<64xi32, #tpu.memory_space<vmem>>
    %dma_wait3A_189 = arith.constant 0 : i32
    %dma_wait3A_190 = arith.constant 0 : i32
    %dma_wait3A_191 = tpu.memref_slice %arg3[%dma_wait3A_189, %dma_wait3A_190] : memref<10000x256xf32, #tpu.memory_space<hbm>> -> memref<10000x256xf32, #tpu.memory_space<hbm>>
    tpu.wait_indirect_dma semaphore(%arg22 : memref<!tpu.dma_semaphore, #tpu.memory_space<semaphore_mem>>) src(%dma_wait3A_191 : memref<10000x256xf32, #tpu.memory_space<hbm>>) dst(%dma_wait3A_185 : memref<64x256xf32, #tpu.memory_space<vmem>>)
    return
  }
}

</mosaic_0001>

<sc_bundles>
// kernel: kernel.3.cloned.1.call-start
scs
__scs_entry_jumppad:
0x0: {  	(pc) =	sbr.rel $0x88, $3  }
0x1: {  	(tag) =	ssettag $0x0;
	lr =	simm.s32 $0x1  }
0x2: {  	[smem:$0x3F9E] =	sst lr;
	_ =	strace $0xD0000000  }
0x3: {  	_ = 	snop  }
0x4: {  	_ = 	snop  }
0x5: {  	_ = 	snop  }
0x6: {  	_ = 	snop  }
0x7: {  	_ = 	snop  }
__scs_overlays_trampoline_lowered:
0x8: {  	[smem:$0x3FAD] =	sst s0  }
0x9: {  	[smem:$0x3FAE] =	sst s1  }
0xa: {  	[smem:$0x3FAF] =	sst s2  }
0xb: {  	[smem:$0x3FB0] =	sst s3  }
0xc: {  	[smem:$0x3FB1] =	sst s4  }
0xd: {  	[smem:$0x3FB2] =	sst s5  }
0xe: {  	[smem:$0x3FB3] =	sst s6  }
0xf: {  	[smem:$0x3FB4] =	sst s7  }
0x10: {  	[smem:$0x3FB5] =	sst s8  }
0x11: {  	[smem:$0x3FB6] =	sst s9;
	s0 =	simm.s32 @!p0 $0x0  }
0x12: {  	s1 =	sld [smem:$0x3F9C];
	s0 =	simm.s32 @p0 $0x1  }
0x13: {  	[smem:$0x3FB7] =	sst s0;
	s0 =	simm.s32 @!p1 $0x0  }
0x14: {  	s2 =	sld [smem:$0x3F9B];
	s0 =	simm.s32 @p1 $0x1  }
0x15: {  	[smem:$0x3FB8] =	sst s0;
	s0 =	simm.s32 @!p2 $0x0  }
0x16: {  	s3 =	sld [smem:$0x3FDB];
	s0 =	simm.s32 @p2 $0x1  }
0x17: {  	s4 =	simm.s32 $0x1BF5;
	[smem:$0x3FBA] =	sst s0  }
0x18: {  	s0 =	sld [smem:$0x3F9D];
	_ =	swait.ge [sflag:s4], $0x0  }
0x19: {  	s7 =	sld [smem:$0x3F9E]  }
0x1a: {  	s8 =	sadd.s32 $0xFFFFE003, lr  }
0x1b: {  	s9 =	sadd.s32 $0xFFFFFEF7, lr;
	s5 =	simm.s32 $0xFFFFFFFF;
	p2 =	slt.u32 s8, $0xFFFFF086  }
0x1c: {  	p1 =	slt.u32 s9, $0xF7A;
	s5 =	simm.s32 @!p2 $0x0  }
0x1d: {  	s5 =	simm.s32 @p1 $0x1;
	p0 =	seq.s32 s7, s2  }
0x1e: {  	s7 =	smul.u32 @!p0 $0xF7A, s2;
	p2 =	seq.s32 @!p0 s5, $0x0  }
0x1f: {  	s9 =	smul.u32 $0xF7A, s1;
	s8 =	simm.s32 @!p0 $0x1BF5;
	p2 =	por !p2, p0  }
0x20: {  	[sflag:s8] =	ssyncset.s32 @!p0 $0xFFFFF086;
	s6 =	sadd.s32 @!p0 s3, s7;
	s7 =	simm.s32 @!p0 $0x108  }
0x21: {  	s3 =	sadd.s32 s3, s9;
	s6 =	sadd.s32 @!p0 $0x88, s6;
	s7 =	simm.s32 @p2 $0x1082  }
0x22: {  	[simem:s7], [sflag:s8] =	dma.local @!p0 [hbm:s6], $0xF7A  }
0x23: {  	s9 =	sor.u32 $0xD0000000, s2;
	s6 =	simm.s32 $0x108;
	_ =	swait.ge @!p0 [sflag:s8], $0x0  }
0x24: {  	s3 =	sadd.s32 $0x88, s3;
	s6 =	simm.s32 @!p1 $0x1082;
	[sflag:s4] =	ssyncset.s32 $0xFFFFF086  }
0x25: {  	[simem:s6], [sflag:s4] =	dma.local [hbm:s3], $0xF7A  }
0x26: {  	[smem:$0x3F9E] =	sst s1;
	(tag) =	ssettag s2;
	_ =	strace s9  }
0x27: {  	s1 =	sld [smem:$0x3FAE]  }
0x28: {  	s2 =	sld [smem:$0x3FAF]  }
0x29: {  	s4 =	sld [smem:$0x3FB1]  }
0x2a: {  	p0 =	seq.s32 s5, $0x0;
	s5 =	sld [smem:$0x3FB2]  }
0x2b: {  	s6 =	sld [smem:$0x3FB3]  }
0x2c: {  	s7 =	sld [smem:$0x3FB4]  }
0x2d: {  	s3 =	simm.s32 $0x108;
	s8 =	sld [smem:$0x3FB5]  }
0x2e: {  	s3 =	simm.s32 @!p0 $0x1082;
	s9 =	sld [smem:$0x3FB6]  }
0x2f: {  	lr =	sadd.s32 s0, s3;
	s0 =	sld [smem:$0x3FAD]  }
0x30: {  	s3 =	sld [smem:$0x3FB0]  }
0x31: {  	[smem:$0x3FB9] =	sst s10  }
0x32: {  	s10 =	sld [smem:$0x3FB7];
	_ =	sdelay $0x3  }
0x33: {  	p0 =	seq.s32 s10, $0x1;
	s10 =	sld [smem:$0x3FB9];
	_ =	sdelay $0x3  }
0x34: {  	[smem:$0x3FB9] =	sst s10  }
0x35: {  	s10 =	sld [smem:$0x3FB8];
	_ =	sdelay $0x3  }
0x36: {  	p1 =	seq.s32 s10, $0x1;
	s10 =	sld [smem:$0x3FB9];
	_ =	sdelay $0x3  }
0x37: {  	[smem:$0x3FB9] =	sst s10  }
0x38: {  	s10 =	sld [smem:$0x3FBA]  }
0x39: {  	_ = 	snop;
	(pc) =	sbr.ind lr, $3  }
0x3a: {  	_ = 	snop  }
0x3b: {  	_ = 	snop  }
0x3c: {  	p2 =	seq.s32 s10, $0x1;
	s10 =	sld [smem:$0x3FB9]  }
0x3d: {  	_ =	shalt  }
0x3e: {  	_ =	shalt  }
0x3f: {  	_ =	shalt  }
0x40: {  	_ =	shalt  }
0x41: {  	_ =	shalt  }
0x42: {  	_ =	shalt  }
0x43: {  	_ =	shalt  }
0x44: {  	_ =	shalt  }
0x45: {  	_ =	shalt  }
0x46: {  	_ =	shalt  }
0x47: {  	_ =	shalt  }
0x48: {  	_ =	shalt  }
0x49: {  	_ =	shalt  }
0x4a: {  	_ =	shalt  }
0x4b: {  	_ =	shalt  }
0x4c: {  	_ =	shalt  }
0x4d: {  	_ =	shalt  }
0x4e: {  	_ =	shalt  }
0x4f: {  	_ =	shalt  }
0x50: {  	_ =	shalt  }
0x51: {  	_ =	shalt  }
0x52: {  	_ =	shalt  }
0x53: {  	_ =	shalt  }
0x54: {  	_ =	shalt  }
0x55: {  	_ =	shalt  }
0x56: {  	_ =	shalt  }
0x57: {  	_ =	shalt  }
0x58: {  	_ =	shalt  }
0x59: {  	_ =	shalt  }
0x5a: {  	_ =	shalt  }
0x5b: {  	_ =	shalt  }
0x5c: {  	_ =	shalt  }
0x5d: {  	_ =	shalt  }
0x5e: {  	_ =	shalt  }
0x5f: {  	_ =	shalt  }
0x60: {  	_ =	shalt  }
0x61: {  	_ =	shalt  }
0x62: {  	_ =	shalt  }
0x63: {  	_ =	shalt  }
0x64: {  	_ =	shalt  }
0x65: {  	_ =	shalt  }
0x66: {  	_ =	shalt  }
0x67: {  	_ =	shalt  }
0x68: {  	_ =	shalt  }
0x69: {  	_ =	shalt  }
0x6a: {  	_ =	shalt  }
0x6b: {  	_ =	shalt  }
0x6c: {  	_ =	shalt  }
0x6d: {  	_ =	shalt  }
0x6e: {  	_ =	shalt  }
0x6f: {  	_ =	shalt  }
0x70: {  	_ =	shalt  }
0x71: {  	_ =	shalt  }
0x72: {  	_ =	shalt  }
0x73: {  	_ =	shalt  }
0x74: {  	_ =	shalt  }
0x75: {  	_ =	shalt  }
0x76: {  	_ =	shalt  }
0x77: {  	_ =	shalt  }
0x78: {  	_ =	shalt  }
0x79: {  	_ =	shalt  }
0x7a: {  	_ =	shalt  }
0x7b: {  	_ =	shalt  }
0x7c: {  	_ =	shalt  }
0x7d: {  	_ =	shalt  }
0x7e: {  	_ =	shalt  }
0x7f: {  	_ =	shalt  }
0x80: {  	_ =	shalt  }
0x81: {  	_ =	shalt  }
0x82: {  	_ =	shalt  }
0x83: {  	_ =	shalt  }
0x84: {  	_ =	shalt  }
0x85: {  	_ =	shalt  }
0x86: {  	_ =	shalt  }
0x87: {  	_ =	shalt  }
.Lfunc_end0:
.L_simem_size_0:
called_computation_lowered:
.L_overlay_start_0:
0x88: {  	s2 =	sld [smem:$0x3FD9]  }
0x89: {  	s3 =	sld [smem:$0x3FFE];
	_ =	sdelay $0x1  }
0x8a: {  	s1 =	srdreg.scid  }
0x8b: {  	s0 =	sand.u32 $0x1, s1  }
0x8c: {  	s14 =	sshll.u32 s0, $0xA;
	s2 =	sadd.s32 s3, s2  }
0x8d: {  	s2 =	sadd.s32 s2, s14  }
0x8e: {  	[smem:$0x3FC5] =	sst s2  }
0x8f: {  	_ = 	snop  }
0x90: {  	s2 =	sld [smem:$0x3FD0]  }
0x91: {  	s15 =	sld [smem:$0x3FC9]  }
0x92: {  	s4 =	sld [smem:$0x3FC8]  }
0x93: {  	s6 =	simm.s32 $0xA;
	s7 =	simm.s32 $0x10;
	s5 =	sld [smem:$0x3FC7]  }
0x94: {  	[smem:s7], [sflag:s6] =	dma.local [hbm:s2], $0x1  }
0x95: {  	_ =	swait.eq [sflag:s6], $0x1  }
0x96: {  	s16 =	sld [smem:$0x10]  }
0x97: {  	s17 =	sld [smem:$0x11];
	[sflag:s6] =	ssyncset.done $0x0  }
0x98: {  	s8 =	sld [smem:$0x12];
	[sflag:s6] =	ssyncadd.s32 $0xFFFFFFFF  }
0x99: {  	s18 =	sld [smem:$0x13];
	(tm) =	ssettm $0x1  }
0x9a: {  	s9 =	sld [smem:$0x3FFB];
	_ =	sdelay $0x3  }
0x9b: {  	_ =	strace s9  }
0x9c: {  	s9 =	sld [smem:$0x3FFC];
	_ =	sdelay $0x3  }
0x9d: {  	_ =	strace s9  }
0x9e: {  	s9 =	sld [smem:$0x3FFD];
	_ =	sdelay $0x3  }
0x9f: {  	_ =	strace s9  }
0xa0: {  	_ =	strace $0x8FFFFFFF  }
0xa1: {  	s19 =	sld [smem:$0x3FDB];
	_ =	sdelay $0x1  }
0xa2: {  	s10 =	simm.s32 $_scs_section_size  }
0xa3: {  	s11 =	simm.s32 $_size__tile_overlayer_lowered;
	s12 =	simm.s32 $_tile_overlayer_lowered  }
0xa4: {  	s22 =	simm.s32 $0x1BFF;
	s21 =	sshll.u32 s12, $0x1;
	s9 =	sadd.s32 s10, s19  }
0xa5: {  	s13 =	simm.s32 $0x0;
	s20 =	sshll.u32 s11, $0x1;
	s11 =	sadd.s32 s21, s9  }
0xa6: {  	[timem:s13], [sflag:s22] =	dma.local [hbm:s11], s20  }
0xa7: {  	_ =	swait.ge [sflag:s22], s20  }
0xa8: {  	s10 =	ssub.s32 $0x0, s20;
	[sflag:s22] =	ssyncset.done $0x0  }
0xa9: {  	[sflag:s22] =	ssyncadd.s32 s10;
	_ =	sdelay $0x1  }
0xaa: {  	s23 =	simm.s32 $0x1B8B  }
0xab: {  	_ =	swait.ge [sflag:s23], $0x1  }
0xac: {  	[sflag:s23] =	ssyncset.done $0x0  }
0xad: {  	s25 =	simm.s32 $0x1B8E;
	s24 =	sld [smem:$0x3FFE];
	[sflag:s23] =	ssyncadd.s32 $0xFFFFFFFF  }
0xae: {  	s26 =	simm.s32 $execute0_lowered;
	[smem:$0x3FD2] =	sst s25  }
0xaf: {  	s11 =	sshll.u32 s26, $0x1;
	_ =	strace $0x80000046;
	[dreg:$0x1] =	wrdreg $0xFFFFFFFF  }
0xb0: {  	s28 =	simm.s32 $_size_execute0_lowered;
	s9 =	sadd.s32 s9, s11;
	[dreg:$0x0] =	wrdreg $0x0  }
0xb1: {  	s11 =	sshll.u32 s28, $0x1;
	[dreg:$0x2] =	wrdreg s9  }
0xb2: {  	[dreg:$0x3] =	wrdreg s11  }
0xb3: {  	[dreg:$0x4] =	wrdreg $0xC0  }
0xb4: {  	_ =	task [dreg:s13], $0x5FFFF  }
0xb5: {  	[dreg:$0x1] =	wrdreg $0xFFFFFFFF  }
0xb6: {  	[dreg:$0x0] =	wrdreg $0x60  }
0xb7: {  	[dreg:$0x2] =	wrdreg s15  }
0xb8: {  	[dreg:$0x3] =	wrdreg s5  }
0xb9: {  	[dreg:$0x4] =	wrdreg s4  }
0xba: {  	[dreg:$0x5] =	wrdreg s18  }
0xbb: {  	[dreg:$0x6] =	wrdreg s24  }
0xbc: {  	[dreg:$0x7] =	wrdreg s16  }
0xbd: {  	[dreg:$0x8] =	wrdreg s8  }
0xbe: {  	[dreg:$0x9] =	wrdreg s17  }
0xbf: {  	[dreg:$0xa] =	wrdreg $0x9  }
0xc0: {  	_ =	task.clear_ibuf [dreg:s13], $0xBFFFF;
	_ =	strace $0x90000046  }
0xc1: {  	s29 =	simm.s32 $0x9;
	_ =	strace $0x80000048  }
0xc2: {  	_ =	swait.ge [sflag:s29], $0x1  }
0xc3: {  	[sflag:s29] =	ssyncadd.s32 $0xFFFFFFFF  }
0xc4: {  	_ =	strace $0x90000048  }
0xc5: {  	_ =	sfence  }
0xc6: {  	s30 =	sld [smem:$0x0];
	_ =	sdelay $0x2  }
0xc7: {  	s31 =	sshll.u32 s1, $0xD;
	s1 =	sshrl.u32 s1, $0x2  }
0xc8: {  	s3 =	sand.u32 $0x4000, s31;
	s1 =	sadd.s32 s1, s30  }
0xc9: {  	s0 =	sor.u32 s3, s0;
	s1 =	sshll.u32 s1, $0x11  }
0xca: {  	s0 =	sor.u32 s1, s0  }
0xcb: {  	s0 =	sadd.s32 $0x8F2B, s0  }
0xcc: {  	[sflag:s0] =	ssyncadd.remote.s32 $0x1  }
0xcd: {  	_ =	sfence.sel $0xFFFF  }
0xce: {  	[dreg:$0x0] =	wrdreg $0xFFFFFFFF;
	(pc) =	sbr.abs _section_cstart, $3  }
0xcf: {  	[dreg:$0x1] =	wrdreg $0xFFFFFFFF  }
0xd0: {  	_ =	task.clear_ibuf [dreg:s13], $0x2FFFF;
	_ =	strace $0x9FFFFFFF  }
0xd1: {  	(tm) =	ssettm $0x7FFFFFFF  }
tec
execute0_lowered:
.L_overlay_start_1:
0x0: {  	(tag) =	ssettag $0x1  }
0x1: {  	s0 =	rddreg [dreg:$0x0]  }
0x2: {  	s1 =	rddreg [dreg:$0x1]  }
0x3: {  	s2 =	rddreg [dreg:$0x3]  }
0x4: {  	s3 =	rddreg [dreg:$0x4]  }
0x5: {  	s5 =	rddreg [dreg:$0x7]  }
0x6: {  	s8 =	srdreg.scid;
	s15 =	stileid.u32;
	s7 =	simm.s32 $0x0  }
0x7: {  	s4 =	simm.s32 $0x12000;
	s30 =	simm.s32 $0x13800;
	s31 =	simm.s32 $0x14000  }
0x8: {  	s6 =	simm.s32 $0x18000;
	s9 =	sand.u32 $0x1, s8;
	s18 =	sshll.u32 s15, $0x1  }
0x9: {  	[smem:$0x7FF] =	sst s7;
	s22 =	sshll.u32 s15, $0xB;
	s23 =	smul.u32 $0x30000, s15  }
0xa: {  	s10 =	sor.u32 s9, s18;
	_ =	strace $0x80000047;
	s13 =	ssub.s32 $0x2, s9  }
0xb: {  	s24 =	sshll.u32 s9, $0xF;
	s9 =	smul.u32 $0x18000, s9;
	s18 =	simm.s32 $0x5  }
0xc: {  	s11 =	sshll.u32 s10, $0x8;
	s8 =	sshll.u32 s10, $0x9;
	s19 =	sshrl.u32 s13, $0x1  }
0xd: {  	s28 =	sadd.s32 s23, s5;
	s29 =	sshll.u32 s10, $0xF;
	s10 =	simm.s32 $0x6000  }
0xe: {  	s12 =	sadd.s32 s11, s3;
	s14 =	sadd.s32 s8, s3;
	s8 =	sadd.s32 $0x6C00, s3  }
0xf: {  	s3 =	ssub.s32 s13, s19;
	s2 =	sadd.s32 s2, s11;
	[dreg:$0x10] =	wrdreg s29  }
0x10: {  	s11 =	simm.s32 $0x2000;
	[dreg:$0x9] =	wrdreg s2;
	s20 =	sadd.s32 $0xC00, s12  }
0x11: {  	s21 =	sadd.s32 $0x2C00, s14;
	s25 =	sadd.s32 s8, s22;
	[dreg:$0xa] =	wrdreg s20  }
0x12: {  	s2 =	sadd.s32 s1, s22;
	s3 =	smax.u32 s3, $0x1;
	[dreg:$0xb] =	wrdreg s21  }
0x13: {  	s12 =	simm.s32 $0x0;
	[dreg:$0xc] =	wrdreg s2;
	s26 =	sadd.s32 s24, s25  }
0x14: {  	v2 =	vlaneseq.u32;
	[dreg:$0xe] =	wrdreg s3;
	s2 =	sadd.s32 s9, s28;
	s9 =	simm.s32 $0x12800  }
0x15: {  	vm0 =	vmmov $0xffff;
	v1 =	vshrl.u32 v2, $0x3;
	s20 =	simm.s32 $0x13000;
	[dreg:$0xd] =	wrdreg s26;
	s2 =	sadd.s32 $0xC00, s2  }
0x16: {  	v0 =	vand.u32 $0x7, v2;
	v2 =	vor.u32 $0x8, v2;
	v1 =	vmul.u32 $0x8, v1;
	s25 =	simm.s32 $0x1;
	s26 =	simm.s32 $0x2;
	[dreg:$0xf] =	wrdreg s2  }
.LBB2_1:
0x17: {  	[dreg:$0x11] =	wrdreg s12  }
0x18: {  	s2 =	rddreg [dreg:$0x2];
	s3 =	simm.s32 $0x1E000  }
0x19: {  	[tilespmem:s3], [sflag:$0x5] =	stream.linear.gather [hbm4b:s2+s7], $0x100, $0x38;
	[tilespmem:$0x1E100] =	vst v63  }
0x1a: {  	_ =	swait.ge [sflag:s18], $0x100  }
0x1b: {  	[sflag:s18] =	ssyncset.done $0x0  }
0x1c: {  	s17 =	rddreg [dreg:$0x9];
	[sflag:s18] =	ssyncadd.s32 $0xFFFFFF00  }
0x1d: {  	[tilespmem:s7], [sflag:$0x5] =	stream.linear.gather [hbm4b:s17+s7], $0x800, $0x38;
	[tilespmem:$0x1E100] =	vst v63  }
0x1e: {  	_ =	swait.ge [sflag:s18], $0x800  }
0x1f: {  	[sflag:s18] =	ssyncset.done $0x0  }
0x20: {  	s21 =	simm.s32 $0x800;
	s19 =	rddreg [dreg:$0xa];
	[sflag:s18] =	ssyncadd.s32 $0xFFFFF800  }
0x21: {  	[tilespmem:s21], [sflag:$0x5] =	stream.linear.gather [hbm4b:s19+s7], $0x800, $0x38;
	[tilespmem:$0x1E100] =	vst v63  }
0x22: {  	_ =	swait.ge [sflag:s18], $0x800  }
0x23: {  	[sflag:s18] =	ssyncset.done $0x0  }
0x24: {  	s23 =	simm.s32 $0x1000;
	s22 =	rddreg [dreg:$0xb];
	[sflag:s18] =	ssyncadd.s32 $0xFFFFF800  }
0x25: {  	[tilespmem:s23], [sflag:$0x5] =	stream.linear.gather [hbm4b:s22+s7], $0x1000, $0x38;
	[tilespmem:$0x1E100] =	vst v63  }
0x26: {  	_ =	swait.ge [sflag:s18], $0x1000  }
0x27: {  	[sflag:s18] =	ssyncset.done $0x0  }
0x28: {  	[sflag:s18] =	ssyncadd.s32 $0xFFFFF000  }
0x29: {  	v5 =	vld [tilespmem:$0x1E000]  }
0x2a: {  	v7 =	vld [tilespmem:$0x1E010]  }
0x2b: {  	v9 =	vld [tilespmem:$0x1E020]  }
0x2c: {  	v11 =	vld [tilespmem:$0x1E030]  }
0x2d: {  	v12 =	vld [tilespmem:$0x1E040]  }
0x2e: {  	v14 =	vld [tilespmem:$0x1E050]  }
0x2f: {  	v15 =	vld [tilespmem:$0x1E060]  }
0x30: {  	v17 =	vld [tilespmem:$0x1E070]  }
0x31: {  	v18 =	vld [tilespmem:$0x1E080]  }
0x32: {  	v16 =	vld [tilespmem:$0x1E090]  }
0x33: {  	v13 =	vld [tilespmem:$0x1E0A0]  }
0x34: {  	v10 =	vld [tilespmem:$0x1E0B0]  }
0x35: {  	v8 =	vld [tilespmem:$0x1E0C0]  }
0x36: {  	v6 =	vld [tilespmem:$0x1E0D0]  }
0x37: {  	s24 =	rddreg [dreg:$0xc];
	v4 =	vld [tilespmem:$0x1E0E0]  }
0x38: {  	v3 =	vld [tilespmem:$0x1E0F0];
	[tilespmem:s11], [sflag:$0x5] =	stream.linear.gather [hbm4b:s24+s7], $0x4000, $0x38  }
0x39: {  	_ =	swait.ge [sflag:s18], $0x4000  }
0x3a: {  	s28 =	sand.u32 $0x3800, s7;
	s29 =	sand.u32 $0x380, s7;
	[sflag:s18] =	ssyncset.done $0x0  }
0x3b: {  	s24 =	sor.u32 s29, s28;
	[sflag:s18] =	ssyncadd.s32 $0xFFFFC000  }
0x3c: {  	v19 =	vld [tilespmem:s24+$0x2000]  }
0x3d: {  	v20 =	vld [tilespmem:s24+$0x2010]  }
0x3e: {  	v21 =	vld [tilespmem:s24+$0x2020]  }
0x3f: {  	v22 =	vld [tilespmem:s24+$0x2030]  }
0x40: {  	v23 =	vld [tilespmem:s24+$0x2040]  }
0x41: {  	v24 =	vld [tilespmem:s24+$0x2050];
	v19 =	vadd.f32 v19, v5  }
0x42: {  	v25 =	vld [tilespmem:s24+$0x2060];
	v20 =	vadd.f32 v20, v7  }
0x43: {  	v26 =	vld [tilespmem:s24+$0x2070];
	[tilespmem:s24+$0x2000] =	vst v19;
	v19 =	vadd.f32 v21, v9  }
0x44: {  	v27 =	vld [tilespmem:s24+$0x2400];
	[tilespmem:s24+$0x2010] =	vst v20;
	v20 =	vadd.f32 v22, v11  }
0x45: {  	v22 =	vld [tilespmem:s24+$0x2410];
	[tilespmem:s24+$0x2020] =	vst v19;
	v19 =	vadd.f32 v23, v12  }
0x46: {  	v21 =	vld [tilespmem:s24+$0x2420];
	[tilespmem:s24+$0x2030] =	vst v20;
	v20 =	vadd.f32 v24, v14  }
0x47: {  	v23 =	vadd.f32 v25, v15;
	[tilespmem:s24+$0x2040] =	vst v19;
	v19 =	vld [tilespmem:s24+$0x2430]  }
0x48: {  	v25 =	vadd.f32 v26, v17;
	[tilespmem:s24+$0x2050] =	vst v20;
	v20 =	vld [tilespmem:s24+$0x2440]  }
0x49: {  	s2 =	simm.s32 $0x80;
	s3 =	simm.s32 $0x100;
	v24 =	vadd.f32 v27, v18;
	[tilespmem:s24+$0x2060] =	vst v23;
	v23 =	vld [tilespmem:s24+$0x2450]  }
.LBB2_2:
0x4a: {  	s28 =	sand.u32 $0x3800, s3;
	s29 =	sand.u32 $0x380, s2;
	p0 =	sne.s32 s3, $0x3F00;
	[tilespmem:s24+$0x2070] =	vst v25;
	v22 =	vadd.f32 v22, v16;
	v25 =	vld [tilespmem:s24+$0x2460]  }
0x4b: {  	s28 =	sor.u32 s29, s28;
	[tilespmem:s24+$0x2400] =	vst v24;
	v21 =	vadd.f32 v21, v13;
	v24 =	vld [tilespmem:s24+$0x2470]  }
0x4c: {  	v26 =	vld [tilespmem:s28+$0x2000];
	[tilespmem:s24+$0x2410] =	vst v22;
	v19 =	vadd.f32 v19, v10  }
0x4d: {  	v22 =	vld [tilespmem:s28+$0x2010];
	[tilespmem:s24+$0x2420] =	vst v21;
	v20 =	vadd.f32 v20, v8  }
0x4e: {  	v21 =	vld [tilespmem:s28+$0x2020];
	[tilespmem:s24+$0x2430] =	vst v19;
	v19 =	vadd.f32 v23, v6  }
0x4f: {  	v23 =	vld [tilespmem:s28+$0x2030];
	[tilespmem:s24+$0x2440] =	vst v20;
	v20 =	vadd.f32 v25, v4  }
0x50: {  	v25 =	vld [tilespmem:s28+$0x2040];
	[tilespmem:s24+$0x2450] =	vst v19;
	v19 =	vadd.f32 v24, v3  }
0x51: {  	v24 =	vadd.f32 v26, v5;
	v26 =	vld [tilespmem:s28+$0x2050];
	[tilespmem:s24+$0x2460] =	vst v20  }
0x52: {  	v20 =	vadd.f32 v22, v7;
	v27 =	vld [tilespmem:s28+$0x2060];
	[tilespmem:s24+$0x2470] =	vst v19;
	s24 =	smov.u32 s28  }
0x53: {  	[tilespmem:s24+$0x2000] =	vst v24;
	v19 =	vadd.f32 v21, v9;
	v24 =	vld [tilespmem:s24+$0x2070]  }
0x54: {  	[tilespmem:s24+$0x2010] =	vst v20;
	v20 =	vadd.f32 v23, v11;
	v23 =	vld [tilespmem:s24+$0x2400]  }
.Ltmp0:
0x55: {  	[tilespmem:s24+$0x2020] =	vst v19;
	v19 =	vadd.f32 v25, v12;
	v22 =	vld [tilespmem:s24+$0x2410];
	(pc) =	sbr.rel @p0 .LBB2_2-.Ltmp0, $4  }
0x56: {  	[tilespmem:s24+$0x2030] =	vst v20;
	v20 =	vadd.f32 v26, v14;
	v21 =	vld [tilespmem:s24+$0x2420]  }
0x57: {  	[tilespmem:s24+$0x2040] =	vst v19;
	v26 =	vadd.f32 v27, v15;
	v19 =	vld [tilespmem:s24+$0x2430]  }
0x58: {  	[tilespmem:s24+$0x2050] =	vst v20;
	v25 =	vadd.f32 v24, v17;
	v20 =	vld [tilespmem:s24+$0x2440]  }
0x59: {  	s2 =	sadd.s32 $0x80, s2;
	s3 =	sadd.s32 $0x100, s3;
	[tilespmem:s24+$0x2060] =	vst v26;
	v24 =	vadd.f32 v23, v18;
	v23 =	vld [tilespmem:s24+$0x2450]  }
0x5a: {  	[tilespmem:s24+$0x2070] =	vst v25;
	v5 =	vadd.f32 v22, v16;
	v7 =	vld [tilespmem:s24+$0x2460]  }
0x5b: {  	v11 =	vld [tilespmem:s24+$0x2470];
	[tilespmem:s24+$0x2400] =	vst v24;
	v9 =	vadd.f32 v21, v13  }
0x5c: {  	[tilespmem:s24+$0x2410] =	vst v5;
	v50 =	vadd.f32 v19, v10  }
0x5d: {  	[tilespmem:s24+$0x2420] =	vst v9;
	v8 =	vadd.f32 v20, v8  }
0x5e: {  	[tilespmem:s24+$0x2430] =	vst v50;
	v51 =	vadd.f32 v23, v6  }
0x5f: {  	[tilespmem:s24+$0x2440] =	vst v8;
	v4 =	vadd.f32 v7, v4  }
0x60: {  	v3 =	vadd.f32 v11, v3;
	[tilespmem:s24+$0x2450] =	vst v51  }
0x61: {  	[tilespmem:s24+$0x2460] =	vst v4  }
0x62: {  	s2 =	rddreg [dreg:$0xd];
	[tilespmem:s24+$0x2470] =	vst v3;
	s24 =	simm.s32 $0x0  }
0x63: {  	[hbm4b:s2+s24] =	stream.linear.scatter [tilespmem:s11], [sflag:$0x5], $0x4000, $0x38;
	[tilespmem:$0x1E100] =	vst v63  }
0x64: {  	_ =	swait.ge [sflag:s18], $0x4000  }
0x65: {  	[sflag:s18] =	ssyncset.done $0x0  }
0x66: {  	[sflag:s18] =	ssyncadd.s32 $0xFFFFC000  }
0x67: {  	[bflag:$0x0] =	sbarrier.arrive $0xFFFF  }
0x68: {  	v3 =	vld [tilespmem:$0x1000];
	_ =	sdelay $0x4  }
0x69: {  	v52 =	vshll.u32 v3, $0x1  }
0x6a: {  	v3 =	vand.u32 $0x7, v3;
	v4 =	vand.u32 $0xFFFFFFF0, v52  }
0x6b: {  	v3 =	vor.u32 v3, v4  }
0x6c: {  	v4 =	vperm.xlane v3, v0;
	_ =	sdelay $0x1  }
0x6d: {  	v3 =	vperm.xlane v3, v2;
	v4 =	vadd.s32 v1, v4;
	_ =	sdelay $0x1  }
0x6e: {  	v3 =	vadd.s32 v1, v3;
	_ =	sdelay $0x2  }
0x6f: {  	[tilespmem:s4], [sflag:$0x1] =	stream.indirect_vreg.gather [hbm4b:s8+s24], $0x80, v4, vm0, $0xb8;
	[tilespmem:$0x1E100] =	vst v63  }
0x70: {  	_ = 	snop  }
0x71: {  	[tilespmem:s9], [sflag:$0x1] =	stream.indirect_vreg.gather [hbm4b:s8+s24], $0x80, v3, vm0, $0xb8;
	[tilespmem:$0x1E100] =	vst v63  }
0x72: {  	v3 =	vld [tilespmem:$0x1010];
	_ =	sdelay $0x4  }
0x73: {  	v53 =	vshll.u32 v3, $0x1  }
0x74: {  	v3 =	vand.u32 $0x7, v3;
	v4 =	vand.u32 $0xFFFFFFF0, v53  }
0x75: {  	v3 =	vor.u32 v3, v4  }
0x76: {  	v4 =	vperm.xlane v3, v0;
	_ =	sdelay $0x1  }
0x77: {  	v3 =	vperm.xlane v3, v2;
	v4 =	vadd.s32 v1, v4;
	_ =	sdelay $0x1  }
0x78: {  	v3 =	vadd.s32 v1, v3;
	_ =	sdelay $0x2  }
0x79: {  	[tilespmem:s20], [sflag:$0x1] =	stream.indirect_vreg.gather [hbm4b:s8+s24], $0x80, v4, vm0, $0xb8;
	[tilespmem:$0x1E100] =	vst v63  }
0x7a: {  	_ = 	snop  }
0x7b: {  	[tilespmem:s30], [sflag:$0x1] =	stream.indirect_vreg.gather [hbm4b:s8+s24], $0x80, v3, vm0, $0xb8;
	[tilespmem:$0x1E100] =	vst v63  }
0x7c: {  	v3 =	vld [tilespmem:$0x1020];
	_ =	sdelay $0x4  }
0x7d: {  	v54 =	vshll.u32 v3, $0x1  }
0x7e: {  	v3 =	vand.u32 $0x7, v3;
	v4 =	vand.u32 $0xFFFFFFF0, v54  }
0x7f: {  	v3 =	vor.u32 v3, v4  }
0x80: {  	v4 =	vperm.xlane v3, v0;
	_ =	sdelay $0x1  }
0x81: {  	v3 =	vperm.xlane v3, v2;
	v4 =	vadd.s32 v1, v4;
	_ =	sdelay $0x1  }
0x82: {  	v3 =	vadd.s32 v1, v3;
	_ =	sdelay $0x2  }
0x83: {  	[tilespmem:s31], [sflag:$0x1] =	stream.indirect_vreg.gather [hbm4b:s8+s24], $0x80, v4, vm0, $0xb8;
	[tilespmem:$0x1E100] =	vst v63  }
0x84: {  	s21 =	simm.s32 $0x14800  }
0x85: {  	[tilespmem:s21], [sflag:$0x1] =	stream.indirect_vreg.gather [hbm4b:s8+s24], $0x80, v3, vm0, $0xb8;
	[tilespmem:$0x1E100] =	vst v63  }
0x86: {  	v3 =	vld [tilespmem:$0x1030];
	_ =	sdelay $0x4  }
0x87: {  	v55 =	vshll.u32 v3, $0x1  }
0x88: {  	v3 =	vand.u32 $0x7, v3;
	v4 =	vand.u32 $0xFFFFFFF0, v55  }
0x89: {  	v3 =	vor.u32 v3, v4  }
0x8a: {  	v4 =	vperm.xlane v3, v0;
	_ =	sdelay $0x1  }
0x8b: {  	v3 =	vperm.xlane v3, v2;
	v4 =	vadd.s32 v1, v4;
	_ =	sdelay $0x1  }
0x8c: {  	v3 =	vadd.s32 v1, v3;
	_ =	sdelay $0x1  }
0x8d: {  	s22 =	simm.s32 $0x15000  }
0x8e: {  	[tilespmem:s22], [sflag:$0x1] =	stream.indirect_vreg.gather [hbm4b:s8+s24], $0x80, v4, vm0, $0xb8;
	[tilespmem:$0x1E100] =	vst v63  }
0x8f: {  	s23 =	simm.s32 $0x15800  }
0x90: {  	[tilespmem:s23], [sflag:$0x1] =	stream.indirect_vreg.gather [hbm4b:s8+s24], $0x80, v3, vm0, $0xb8;
	[tilespmem:$0x1E100] =	vst v63  }
0x91: {  	v3 =	vld [tilespmem:$0x1040];
	_ =	sdelay $0x4  }
0x92: {  	v56 =	vshll.u32 v3, $0x1  }
0x93: {  	v3 =	vand.u32 $0x7, v3;
	v4 =	vand.u32 $0xFFFFFFF0, v56  }
0x94: {  	v3 =	vor.u32 v3, v4  }
0x95: {  	v4 =	vperm.xlane v3, v0;
	_ =	sdelay $0x1  }
0x96: {  	v3 =	vperm.xlane v3, v2;
	v4 =	vadd.s32 v1, v4;
	_ =	sdelay $0x1  }
0x97: {  	v3 =	vadd.s32 v1, v3;
	_ =	sdelay $0x1  }
0x98: {  	s11 =	simm.s32 $0x16000  }
0x99: {  	[tilespmem:s11], [sflag:$0x1] =	stream.indirect_vreg.gather [hbm4b:s8+s24], $0x80, v4, vm0, $0xb8;
	[tilespmem:$0x1E100] =	vst v63  }
0x9a: {  	s12 =	simm.s32 $0x16800  }
0x9b: {  	[tilespmem:s12], [sflag:$0x1] =	stream.indirect_vreg.gather [hbm4b:s8+s24], $0x80, v3, vm0, $0xb8;
	[tilespmem:$0x1E100] =	vst v63  }
0x9c: {  	v3 =	vld [tilespmem:$0x1050];
	_ =	sdelay $0x4  }
0x9d: {  	v57 =	vshll.u32 v3, $0x1  }
0x9e: {  	v3 =	vand.u32 $0x7, v3;
	v4 =	vand.u32 $0xFFFFFFF0, v57  }
0x9f: {  	v3 =	vor.u32 v3, v4  }
0xa0: {  	v4 =	vperm.xlane v3, v0;
	_ =	sdelay $0x1  }
0xa1: {  	v3 =	vperm.xlane v3, v2;
	v4 =	vadd.s32 v1, v4;
	_ =	sdelay $0x1  }
0xa2: {  	v3 =	vadd.s32 v1, v3;
	_ =	sdelay $0x1  }
0xa3: {  	s13 =	simm.s32 $0x17000  }
0xa4: {  	[tilespmem:s13], [sflag:$0x1] =	stream.indirect_vreg.gather [hbm4b:s8+s24], $0x80, v4, vm0, $0xb8;
	[tilespmem:$0x1E100] =	vst v63  }
0xa5: {  	s4 =	simm.s32 $0x17800  }
0xa6: {  	[tilespmem:s4], [sflag:$0x1] =	stream.indirect_vreg.gather [hbm4b:s8+s24], $0x80, v3, vm0, $0xb8;
	[tilespmem:$0x1E100] =	vst v63  }
0xa7: {  	v3 =	vld [tilespmem:$0x1080];
	_ =	sdelay $0x4  }
0xa8: {  	v58 =	vshll.u32 v3, $0x1  }
0xa9: {  	v3 =	vand.u32 $0x7, v3;
	v4 =	vand.u32 $0xFFFFFFF0, v58  }
0xaa: {  	v3 =	vor.u32 v3, v4  }
0xab: {  	v4 =	vperm.xlane v3, v0;
	_ =	sdelay $0x1  }
0xac: {  	v3 =	vperm.xlane v3, v2;
	v4 =	vadd.s32 v1, v4;
	_ =	sdelay $0x1  }
0xad: {  	v3 =	vadd.s32 v1, v3;
	_ =	sdelay $0x2  }
0xae: {  	[tilespmem:s6], [sflag:$0x2] =	stream.indirect_vreg.gather [hbm4b:s8+s24], $0x80, v4, vm0, $0xb8;
	[tilespmem:$0x1E100] =	vst v63  }
0xaf: {  	s6 =	simm.s32 $0x18800  }
0xb0: {  	[tilespmem:s6], [sflag:$0x2] =	stream.indirect_vreg.gather [hbm4b:s8+s24], $0x80, v3, vm0, $0xb8;
	[tilespmem:$0x1E100] =	vst v63  }
0xb1: {  	v3 =	vld [tilespmem:$0x1090];
	_ =	sdelay $0x4  }
0xb2: {  	v59 =	vshll.u32 v3, $0x1  }
0xb3: {  	v3 =	vand.u32 $0x7, v3;
	v4 =	vand.u32 $0xFFFFFFF0, v59  }
0xb4: {  	v3 =	vor.u32 v3, v4  }
0xb5: {  	v4 =	vperm.xlane v3, v0;
	_ =	sdelay $0x1  }
0xb6: {  	v3 =	vperm.xlane v3, v2;
	v4 =	vadd.s32 v1, v4;
	_ =	sdelay $0x1  }
0xb7: {  	v3 =	vadd.s32 v1, v3;
	_ =	sdelay $0x1  }
0xb8: {  	s14 =	simm.s32 $0x19000  }
0xb9: {  	[tilespmem:s14], [sflag:$0x2] =	stream.indirect_vreg.gather [hbm4b:s8+s24], $0x80, v4, vm0, $0xb8;
	[tilespmem:$0x1E100] =	vst v63  }
0xba: {  	s22 =	simm.s32 $0x19800  }
0xbb: {  	[tilespmem:s22], [sflag:$0x2] =	stream.indirect_vreg.gather [hbm4b:s8+s24], $0x80, v3, vm0, $0xb8;
	[tilespmem:$0x1E100] =	vst v63  }
0xbc: {  	v3 =	vld [tilespmem:$0x10A0];
	_ =	sdelay $0x4  }
0xbd: {  	v60 =	vshll.u32 v3, $0x1  }
0xbe: {  	v3 =	vand.u32 $0x7, v3;
	v4 =	vand.u32 $0xFFFFFFF0, v60  }
0xbf: {  	v3 =	vor.u32 v3, v4  }
0xc0: {  	v4 =	vperm.xlane v3, v0;
	_ =	sdelay $0x1  }
0xc1: {  	v3 =	vperm.xlane v3, v2;
	v4 =	vadd.s32 v1, v4;
	_ =	sdelay $0x1  }
0xc2: {  	v3 =	vadd.s32 v1, v3;
	_ =	sdelay $0x1  }
0xc3: {  	s21 =	simm.s32 $0x1A000  }
0xc4: {  	[tilespmem:s21], [sflag:$0x2] =	stream.indirect_vreg.gather [hbm4b:s8+s24], $0x80, v4, vm0, $0xb8;
	[tilespmem:$0x1E100] =	vst v63  }
0xc5: {  	s16 =	simm.s32 $0x1A800  }
0xc6: {  	[tilespmem:s16], [sflag:$0x2] =	stream.indirect_vreg.gather [hbm4b:s8+s24], $0x80, v3, vm0, $0xb8;
	[tilespmem:$0x1E100] =	vst v63  }
0xc7: {  	v3 =	vld [tilespmem:$0x10B0];
	_ =	sdelay $0x4  }
0xc8: {  	v61 =	vshll.u32 v3, $0x1  }
0xc9: {  	v3 =	vand.u32 $0x7, v3;
	v4 =	vand.u32 $0xFFFFFFF0, v61  }
0xca: {  	v3 =	vor.u32 v3, v4  }
0xcb: {  	v4 =	vperm.xlane v3, v0;
	_ =	sdelay $0x1  }
0xcc: {  	v3 =	vperm.xlane v3, v2;
	v4 =	vadd.s32 v1, v4;
	_ =	sdelay $0x1  }
0xcd: {  	v3 =	vadd.s32 v1, v3;
	_ =	sdelay $0x1  }
0xce: {  	s5 =	simm.s32 $0x1B000  }
0xcf: {  	[tilespmem:s5], [sflag:$0x2] =	stream.indirect_vreg.gather [hbm4b:s8+s24], $0x80, v4, vm0, $0xb8;
	[tilespmem:$0x1E100] =	vst v63  }
0xd0: {  	s15 =	simm.s32 $0x1B800  }
0xd1: {  	[tilespmem:s15], [sflag:$0x2] =	stream.indirect_vreg.gather [hbm4b:s8+s24], $0x80, v3, vm0, $0xb8;
	[tilespmem:$0x1E100] =	vst v63  }
0xd2: {  	v3 =	vld [tilespmem:$0x10C0];
	_ =	sdelay $0x4  }
0xd3: {  	v62 =	vshll.u32 v3, $0x1  }
0xd4: {  	v3 =	vand.u32 $0x7, v3;
	v4 =	vand.u32 $0xFFFFFFF0, v62  }
0xd5: {  	v3 =	vor.u32 v3, v4  }
0xd6: {  	v4 =	vperm.xlane v3, v0;
	_ =	sdelay $0x1  }
0xd7: {  	v3 =	vperm.xlane v3, v2;
	v4 =	vadd.s32 v1, v4;
	_ =	sdelay $0x1  }
0xd8: {  	v3 =	vadd.s32 v1, v3;
	_ =	sdelay $0x1  }
0xd9: {  	s23 =	simm.s32 $0x1C000  }
0xda: {  	[tilespmem:s23], [sflag:$0x2] =	stream.indirect_vreg.gather [hbm4b:s8+s24], $0x80, v4, vm0, $0xb8;
	[tilespmem:$0x1E100] =	vst v63  }
0xdb: {  	s3 =	simm.s32 $0x1C800  }
0xdc: {  	[tilespmem:s3], [sflag:$0x2] =	stream.indirect_vreg.gather [hbm4b:s8+s24], $0x80, v3, vm0, $0xb8;
	[tilespmem:$0x1E100] =	vst v63  }
0xdd: {  	v3 =	vld [tilespmem:$0x10D0];
	_ =	sdelay $0x4  }
0xde: {  	v63 =	vshll.u32 v3, $0x1  }
0xdf: {  	v3 =	vand.u32 $0x7, v3;
	v4 =	vand.u32 $0xFFFFFFF0, v63  }
0xe0: {  	v3 =	vor.u32 v3, v4  }
0xe1: {  	v4 =	vperm.xlane v3, v0;
	_ =	sdelay $0x1  }
0xe2: {  	v3 =	vperm.xlane v3, v2;
	v4 =	vadd.s32 v1, v4;
	_ =	sdelay $0x1  }
0xe3: {  	v3 =	vadd.s32 v1, v3;
	_ =	sdelay $0x1  }
0xe4: {  	s17 =	simm.s32 $0x12000;
	s29 =	simm.s32 $0x1D000  }
0xe5: {  	[tilespmem:s29], [sflag:$0x2] =	stream.indirect_vreg.gather [hbm4b:s8+s24], $0x80, v4, vm0, $0xb8;
	[tilespmem:$0x1E100] =	vst v63  }
0xe6: {  	s19 =	simm.s32 $0x18000;
	s28 =	rddreg [dreg:$0xf];
	s29 =	simm.s32 $0x1D800  }
0xe7: {  	[tilespmem:s29], [sflag:$0x2] =	stream.indirect_vreg.gather [hbm4b:s8+s24], $0x80, v3, vm0, $0xb8;
	[tilespmem:$0x1E100] =	vst v63  }
.LBB2_4:
0xe8: {  	_ =	swait.ge [sflag:s25], $0x6000  }
0xe9: {  	[sflag:s25] =	ssyncset.done $0x0  }
0xea: {  	s2 =	sadd.s32 $0xFFFFF400, s28;
	[sflag:s25] =	ssyncadd.s32 $0xFFFFA000  }
0xeb: {  	[hbm4b:s2+s7] =	stream.linear.scatter [tilespmem:s17], [sflag:$0x5], $0x6000, $0x38;
	[tilespmem:$0x1E100] =	vst v63  }
0xec: {  	_ =	swait.ge [sflag:s18], $0x6000  }
0xed: {  	s29 =	smin.u32 s24, $0x1D;
	[sflag:s18] =	ssyncset.done $0x0  }
0xee: {  	s2 =	sshll.u32 s29, $0x7;
	[sflag:s18] =	ssyncadd.s32 $0xFFFFA000  }
0xef: {  	v3 =	vld [tilespmem:s2+$0x1100];
	_ =	sdelay $0x4  }
0xf0: {  	v4 =	vshll.u32 v3, $0x1  }
0xf1: {  	v3 =	vand.u32 $0x7, v3;
	v4 =	vand.u32 $0xFFFFFFF0, v4  }
0xf2: {  	v3 =	vor.u32 v3, v4  }
0xf3: {  	v4 =	vperm.xlane v3, v0;
	_ =	sdelay $0x1  }
0xf4: {  	v3 =	vperm.xlane v3, v2;
	v4 =	vadd.s32 v1, v4;
	_ =	sdelay $0x1  }
0xf5: {  	v3 =	vadd.s32 v1, v3;
	_ =	sdelay $0x2  }
0xf6: {  	[tilespmem:s17], [sflag:$0x1] =	stream.indirect_vreg.gather [hbm4b:s8+s7], $0x80, v4, vm0, $0xb8;
	[tilespmem:$0x1E100] =	vst v63  }
0xf7: {  	_ = 	snop  }
0xf8: {  	[tilespmem:s9], [sflag:$0x1] =	stream.indirect_vreg.gather [hbm4b:s8+s7], $0x80, v3, vm0, $0xb8;
	[tilespmem:$0x1E100] =	vst v63  }
0xf9: {  	v3 =	vld [tilespmem:s2+$0x1110];
	_ =	sdelay $0x4  }
0xfa: {  	v53 =	vshll.u32 v3, $0x1  }
0xfb: {  	v3 =	vand.u32 $0x7, v3;
	v4 =	vand.u32 $0xFFFFFFF0, v53  }
0xfc: {  	v3 =	vor.u32 v3, v4  }
0xfd: {  	v4 =	vperm.xlane v3, v0;
	_ =	sdelay $0x1  }
0xfe: {  	v3 =	vperm.xlane v3, v2;
	v4 =	vadd.s32 v1, v4;
	_ =	sdelay $0x1  }
0xff: {  	v3 =	vadd.s32 v1, v3;
	_ =	sdelay $0x2  }
0x100: {  	[tilespmem:s20], [sflag:$0x1] =	stream.indirect_vreg.gather [hbm4b:s8+s7], $0x80, v4, vm0, $0xb8;
	[tilespmem:$0x1E100] =	vst v63  }
0x101: {  	_ = 	snop  }
0x102: {  	[tilespmem:s30], [sflag:$0x1] =	stream.indirect_vreg.gather [hbm4b:s8+s7], $0x80, v3, vm0, $0xb8;
	[tilespmem:$0x1E100] =	vst v63  }
0x103: {  	v3 =	vld [tilespmem:s2+$0x1120];
	_ =	sdelay $0x4  }
0x104: {  	v54 =	vshll.u32 v3, $0x1  }
0x105: {  	v3 =	vand.u32 $0x7, v3;
	v4 =	vand.u32 $0xFFFFFFF0, v54  }
0x106: {  	v3 =	vor.u32 v3, v4  }
0x107: {  	v4 =	vperm.xlane v3, v0;
	_ =	sdelay $0x1  }
0x108: {  	v3 =	vperm.xlane v3, v2;
	v4 =	vadd.s32 v1, v4;
	_ =	sdelay $0x1  }
0x109: {  	v3 =	vadd.s32 v1, v3;
	_ =	sdelay $0x2  }
0x10a: {  	[tilespmem:s31], [sflag:$0x1] =	stream.indirect_vreg.gather [hbm4b:s8+s7], $0x80, v4, vm0, $0xb8;
	[tilespmem:$0x1E100] =	vst v63  }
0x10b: {  	s29 =	simm.s32 $0x14800  }
0x10c: {  	[tilespmem:s29], [sflag:$0x1] =	stream.indirect_vreg.gather [hbm4b:s8+s7], $0x80, v3, vm0, $0xb8;
	[tilespmem:$0x1E100] =	vst v63  }
0x10d: {  	v3 =	vld [tilespmem:s2+$0x1130];
	_ =	sdelay $0x4  }
0x10e: {  	v55 =	vshll.u32 v3, $0x1  }
0x10f: {  	v3 =	vand.u32 $0x7, v3;
	v4 =	vand.u32 $0xFFFFFFF0, v55  }
0x110: {  	v3 =	vor.u32 v3, v4  }
0x111: {  	v4 =	vperm.xlane v3, v0;
	_ =	sdelay $0x1  }
0x112: {  	v3 =	vperm.xlane v3, v2;
	v4 =	vadd.s32 v1, v4;
	_ =	sdelay $0x1  }
0x113: {  	v3 =	vadd.s32 v1, v3;
	_ =	sdelay $0x1  }
0x114: {  	s29 =	simm.s32 $0x15000  }
0x115: {  	[tilespmem:s29], [sflag:$0x1] =	stream.indirect_vreg.gather [hbm4b:s8+s7], $0x80, v4, vm0, $0xb8;
	[tilespmem:$0x1E100] =	vst v63  }
0x116: {  	s29 =	simm.s32 $0x15800  }
0x117: {  	[tilespmem:s29], [sflag:$0x1] =	stream.indirect_vreg.gather [hbm4b:s8+s7], $0x80, v3, vm0, $0xb8;
	[tilespmem:$0x1E100] =	vst v63  }
0x118: {  	v3 =	vld [tilespmem:s2+$0x1140];
	_ =	sdelay $0x4  }
0x119: {  	v56 =	vshll.u32 v3, $0x1  }
0x11a: {  	v3 =	vand.u32 $0x7, v3;
	v4 =	vand.u32 $0xFFFFFFF0, v56  }
0x11b: {  	v3 =	vor.u32 v3, v4  }
0x11c: {  	v4 =	vperm.xlane v3, v0;
	_ =	sdelay $0x1  }
0x11d: {  	v3 =	vperm.xlane v3, v2;
	v4 =	vadd.s32 v1, v4;
	_ =	sdelay $0x1  }
0x11e: {  	v3 =	vadd.s32 v1, v3;
	_ =	sdelay $0x2  }
0x11f: {  	[tilespmem:s11], [sflag:$0x1] =	stream.indirect_vreg.gather [hbm4b:s8+s7], $0x80, v4, vm0, $0xb8;
	[tilespmem:$0x1E100] =	vst v63  }
0x120: {  	_ = 	snop  }
0x121: {  	[tilespmem:s12], [sflag:$0x1] =	stream.indirect_vreg.gather [hbm4b:s8+s7], $0x80, v3, vm0, $0xb8;
	[tilespmem:$0x1E100] =	vst v63  }
0x122: {  	v3 =	vld [tilespmem:s2+$0x1150];
	_ =	sdelay $0x4  }
0x123: {  	v57 =	vshll.u32 v3, $0x1  }
0x124: {  	v3 =	vand.u32 $0x7, v3;
	v4 =	vand.u32 $0xFFFFFFF0, v57  }
0x125: {  	v3 =	vor.u32 v3, v4  }
0x126: {  	v4 =	vperm.xlane v3, v0;
	_ =	sdelay $0x1  }
0x127: {  	v3 =	vperm.xlane v3, v2;
	v4 =	vadd.s32 v1, v4;
	_ =	sdelay $0x1  }
0x128: {  	v3 =	vadd.s32 v1, v3;
	_ =	sdelay $0x2  }
0x129: {  	[tilespmem:s13], [sflag:$0x1] =	stream.indirect_vreg.gather [hbm4b:s8+s7], $0x80, v4, vm0, $0xb8;
	[tilespmem:$0x1E100] =	vst v63  }
0x12a: {  	_ = 	snop  }
0x12b: {  	[tilespmem:s4], [sflag:$0x1] =	stream.indirect_vreg.gather [hbm4b:s8+s7], $0x80, v3, vm0, $0xb8;
	[tilespmem:$0x1E100] =	vst v63  }
0x12c: {  	_ =	swait.ge [sflag:s26], $0x6000  }
0x12d: {  	[sflag:s26] =	ssyncset.done $0x0  }
0x12e: {  	[sflag:s26] =	ssyncadd.s32 $0xFFFFA000  }
0x12f: {  	[hbm4b:s28+s7] =	stream.linear.scatter [tilespmem:s19], [sflag:$0x5], $0x6000, $0x38;
	[tilespmem:$0x1E100] =	vst v63  }
0x130: {  	_ =	swait.ge [sflag:s18], $0x6000  }
0x131: {  	s29 =	smin.u32 s24, $0x1C;
	[sflag:s18] =	ssyncset.done $0x0  }
0x132: {  	s2 =	sshll.u32 s29, $0x7;
	[sflag:s18] =	ssyncadd.s32 $0xFFFFA000  }
0x133: {  	v3 =	vld [tilespmem:s2+$0x1180];
	_ =	sdelay $0x4  }
0x134: {  	v58 =	vshll.u32 v3, $0x1  }
0x135: {  	v3 =	vand.u32 $0x7, v3;
	v4 =	vand.u32 $0xFFFFFFF0, v58  }
0x136: {  	v3 =	vor.u32 v3, v4  }
0x137: {  	v4 =	vperm.xlane v3, v0;
	_ =	sdelay $0x1  }
0x138: {  	v3 =	vperm.xlane v3, v2;
	v4 =	vadd.s32 v1, v4;
	_ =	sdelay $0x1  }
0x139: {  	v3 =	vadd.s32 v1, v3;
	_ =	sdelay $0x2  }
0x13a: {  	[tilespmem:s19], [sflag:$0x2] =	stream.indirect_vreg.gather [hbm4b:s8+s7], $0x80, v4, vm0, $0xb8;
	[tilespmem:$0x1E100] =	vst v63  }
0x13b: {  	_ = 	snop  }
0x13c: {  	[tilespmem:s6], [sflag:$0x2] =	stream.indirect_vreg.gather [hbm4b:s8+s7], $0x80, v3, vm0, $0xb8;
	[tilespmem:$0x1E100] =	vst v63  }
0x13d: {  	v3 =	vld [tilespmem:s2+$0x1190];
	_ =	sdelay $0x4  }
0x13e: {  	v59 =	vshll.u32 v3, $0x1  }
0x13f: {  	v3 =	vand.u32 $0x7, v3;
	v4 =	vand.u32 $0xFFFFFFF0, v59  }
0x140: {  	v3 =	vor.u32 v3, v4  }
0x141: {  	v4 =	vperm.xlane v3, v0;
	_ =	sdelay $0x1  }
0x142: {  	v3 =	vperm.xlane v3, v2;
	v4 =	vadd.s32 v1, v4;
	_ =	sdelay $0x1  }
0x143: {  	v3 =	vadd.s32 v1, v3;
	_ =	sdelay $0x2  }
0x144: {  	[tilespmem:s14], [sflag:$0x2] =	stream.indirect_vreg.gather [hbm4b:s8+s7], $0x80, v4, vm0, $0xb8;
	[tilespmem:$0x1E100] =	vst v63  }
0x145: {  	_ = 	snop  }
0x146: {  	[tilespmem:s22], [sflag:$0x2] =	stream.indirect_vreg.gather [hbm4b:s8+s7], $0x80, v3, vm0, $0xb8;
	[tilespmem:$0x1E100] =	vst v63  }
0x147: {  	v3 =	vld [tilespmem:s2+$0x11A0];
	_ =	sdelay $0x4  }
0x148: {  	v60 =	vshll.u32 v3, $0x1  }
0x149: {  	v3 =	vand.u32 $0x7, v3;
	v4 =	vand.u32 $0xFFFFFFF0, v60  }
0x14a: {  	v3 =	vor.u32 v3, v4  }
0x14b: {  	v4 =	vperm.xlane v3, v0;
	_ =	sdelay $0x1  }
0x14c: {  	v3 =	vperm.xlane v3, v2;
	v4 =	vadd.s32 v1, v4;
	_ =	sdelay $0x1  }
0x14d: {  	v3 =	vadd.s32 v1, v3;
	_ =	sdelay $0x2  }
0x14e: {  	[tilespmem:s21], [sflag:$0x2] =	stream.indirect_vreg.gather [hbm4b:s8+s7], $0x80, v4, vm0, $0xb8;
	[tilespmem:$0x1E100] =	vst v63  }
0x14f: {  	_ = 	snop  }
0x150: {  	[tilespmem:s16], [sflag:$0x2] =	stream.indirect_vreg.gather [hbm4b:s8+s7], $0x80, v3, vm0, $0xb8;
	[tilespmem:$0x1E100] =	vst v63  }
0x151: {  	v3 =	vld [tilespmem:s2+$0x11B0];
	_ =	sdelay $0x4  }
0x152: {  	v61 =	vshll.u32 v3, $0x1  }
0x153: {  	v3 =	vand.u32 $0x7, v3;
	v4 =	vand.u32 $0xFFFFFFF0, v61  }
0x154: {  	v3 =	vor.u32 v3, v4  }
0x155: {  	v4 =	vperm.xlane v3, v0;
	_ =	sdelay $0x1  }
0x156: {  	v3 =	vperm.xlane v3, v2;
	v4 =	vadd.s32 v1, v4;
	_ =	sdelay $0x1  }
0x157: {  	v3 =	vadd.s32 v1, v3;
	_ =	sdelay $0x2  }
0x158: {  	[tilespmem:s5], [sflag:$0x2] =	stream.indirect_vreg.gather [hbm4b:s8+s7], $0x80, v4, vm0, $0xb8;
	[tilespmem:$0x1E100] =	vst v63  }
0x159: {  	_ = 	snop  }
0x15a: {  	[tilespmem:s15], [sflag:$0x2] =	stream.indirect_vreg.gather [hbm4b:s8+s7], $0x80, v3, vm0, $0xb8;
	[tilespmem:$0x1E100] =	vst v63  }
0x15b: {  	v3 =	vld [tilespmem:s2+$0x11C0];
	_ =	sdelay $0x4  }
0x15c: {  	v62 =	vshll.u32 v3, $0x1  }
0x15d: {  	v3 =	vand.u32 $0x7, v3;
	v4 =	vand.u32 $0xFFFFFFF0, v62  }
0x15e: {  	v3 =	vor.u32 v3, v4  }
0x15f: {  	v4 =	vperm.xlane v3, v0;
	_ =	sdelay $0x1  }
0x160: {  	v3 =	vperm.xlane v3, v2;
	v4 =	vadd.s32 v1, v4;
	_ =	sdelay $0x1  }
0x161: {  	v3 =	vadd.s32 v1, v3;
	_ =	sdelay $0x2  }
0x162: {  	[tilespmem:s23], [sflag:$0x2] =	stream.indirect_vreg.gather [hbm4b:s8+s7], $0x80, v4, vm0, $0xb8;
	[tilespmem:$0x1E100] =	vst v63  }
0x163: {  	_ = 	snop  }
0x164: {  	[tilespmem:s3], [sflag:$0x2] =	stream.indirect_vreg.gather [hbm4b:s8+s7], $0x80, v3, vm0, $0xb8;
	[tilespmem:$0x1E100] =	vst v63  }
0x165: {  	v3 =	vld [tilespmem:s2+$0x11D0];
	_ =	sdelay $0x4  }
0x166: {  	v63 =	vshll.u32 v3, $0x1  }
0x167: {  	v3 =	vand.u32 $0x7, v3;
	v4 =	vand.u32 $0xFFFFFFF0, v63  }
0x168: {  	v3 =	vor.u32 v3, v4  }
0x169: {  	v4 =	vperm.xlane v3, v0;
	_ =	sdelay $0x1  }
0x16a: {  	v3 =	vperm.xlane v3, v2;
	v4 =	vadd.s32 v1, v4;
	_ =	sdelay $0x1  }
0x16b: {  	p0 =	sne.s32 s24, $0x1E;
	v3 =	vadd.s32 v1, v3  }
.Ltmp1:
0x16c: {  	_ = 	snop;
	(pc) =	sbr.rel @p0 .LBB2_4-.Ltmp1, $4  }
0x16d: {  	s29 =	simm.s32 $0x1D000  }
0x16e: {  	[tilespmem:s29], [sflag:$0x2] =	stream.indirect_vreg.gather [hbm4b:s8+s7], $0x80, v4, vm0, $0xb8;
	[tilespmem:$0x1E100] =	vst v63  }
0x16f: {  	s24 =	sadd.s32 $0x2, s24;
	s28 =	sadd.s32 $0x1800, s28;
	s29 =	simm.s32 $0x1D800  }
0x170: {  	[tilespmem:s29], [sflag:$0x2] =	stream.indirect_vreg.gather [hbm4b:s8+s7], $0x80, v3, vm0, $0xb8;
	[tilespmem:$0x1E100] =	vst v63  }
0x171: {  	_ =	swait.ge [sflag:s25], $0x6000  }
0x172: {  	[sflag:s25] =	ssyncset.done $0x0  }
0x173: {  	[sflag:s25] =	ssyncadd.s32 $0xFFFFA000  }
0x174: {  	_ =	swait.ge [sflag:s26], $0x6000  }
0x175: {  	[sflag:s26] =	ssyncset.done $0x0  }
0x176: {  	[sflag:s26] =	ssyncadd.s32 $0xFFFFA000  }
0x177: {  	v3 =	vld [tilespmem:$0x0];
	_ =	sdelay $0x4  }
0x178: {  	v4 =	vshll.u32 v3, $0x1  }
0x179: {  	v3 =	vand.u32 $0x7, v3;
	v4 =	vand.u32 $0xFFFFFFF0, v4  }
0x17a: {  	v3 =	vor.u32 v3, v4  }
0x17b: {  	v4 =	vperm.xlane v3, v0;
	_ =	sdelay $0x1  }
0x17c: {  	v3 =	vperm.xlane v3, v2;
	v4 =	vadd.s32 v1, v4;
	_ =	sdelay $0x1  }
0x17d: {  	v3 =	vadd.s32 v1, v3;
	_ =	sdelay $0x1  }
0x17e: {  	s24 =	simm.s32 $0x0;
	s11 =	simm.s32 $0x2000  }
0x17f: {  	[tilespmem:s11], [sflag:$0x1] =	stream.indirect_vreg.gather [hbm4b:s0+s24], $0x80, v4, vm0, $0xb8;
	[tilespmem:$0x1E100] =	vst v63  }
0x180: {  	s2 =	simm.s32 $0x2800  }
0x181: {  	[tilespmem:s2], [sflag:$0x1] =	stream.indirect_vreg.gather [hbm4b:s0+s24], $0x80, v3, vm0, $0xb8;
	[tilespmem:$0x1E100] =	vst v63  }
0x182: {  	v3 =	vld [tilespmem:$0x10];
	_ =	sdelay $0x4  }
0x183: {  	v49 =	vshll.u32 v3, $0x1  }
0x184: {  	v3 =	vand.u32 $0x7, v3;
	v4 =	vand.u32 $0xFFFFFFF0, v49  }
0x185: {  	v3 =	vor.u32 v3, v4  }
0x186: {  	v4 =	vperm.xlane v3, v0;
	_ =	sdelay $0x1  }
0x187: {  	v3 =	vperm.xlane v3, v2;
	v4 =	vadd.s32 v1, v4;
	_ =	sdelay $0x1  }
0x188: {  	v3 =	vadd.s32 v1, v3;
	_ =	sdelay $0x1  }
0x189: {  	s12 =	simm.s32 $0x3000  }
0x18a: {  	[tilespmem:s12], [sflag:$0x1] =	stream.indirect_vreg.gather [hbm4b:s0+s24], $0x80, v4, vm0, $0xb8;
	[tilespmem:$0x1E100] =	vst v63  }
0x18b: {  	s13 =	simm.s32 $0x3800  }
0x18c: {  	[tilespmem:s13], [sflag:$0x1] =	stream.indirect_vreg.gather [hbm4b:s0+s24], $0x80, v3, vm0, $0xb8;
	[tilespmem:$0x1E100] =	vst v63  }
0x18d: {  	v3 =	vld [tilespmem:$0x20];
	_ =	sdelay $0x4  }
0x18e: {  	v50 =	vshll.u32 v3, $0x1  }
0x18f: {  	v3 =	vand.u32 $0x7, v3;
	v4 =	vand.u32 $0xFFFFFFF0, v50  }
0x190: {  	v3 =	vor.u32 v3, v4  }
0x191: {  	v4 =	vperm.xlane v3, v0;
	_ =	sdelay $0x1  }
0x192: {  	v3 =	vperm.xlane v3, v2;
	v4 =	vadd.s32 v1, v4;
	_ =	sdelay $0x1  }
0x193: {  	v3 =	vadd.s32 v1, v3;
	_ =	sdelay $0x1  }
0x194: {  	s14 =	simm.s32 $0x4000  }
0x195: {  	[tilespmem:s14], [sflag:$0x1] =	stream.indirect_vreg.gather [hbm4b:s0+s24], $0x80, v4, vm0, $0xb8;
	[tilespmem:$0x1E100] =	vst v63  }
0x196: {  	s15 =	simm.s32 $0x4800  }
0x197: {  	[tilespmem:s15], [sflag:$0x1] =	stream.indirect_vreg.gather [hbm4b:s0+s24], $0x80, v3, vm0, $0xb8;
	[tilespmem:$0x1E100] =	vst v63  }
0x198: {  	v3 =	vld [tilespmem:$0x30];
	_ =	sdelay $0x4  }
0x199: {  	v51 =	vshll.u32 v3, $0x1  }
0x19a: {  	v3 =	vand.u32 $0x7, v3;
	v4 =	vand.u32 $0xFFFFFFF0, v51  }
0x19b: {  	v3 =	vor.u32 v3, v4  }
0x19c: {  	v4 =	vperm.xlane v3, v0;
	_ =	sdelay $0x1  }
0x19d: {  	v3 =	vperm.xlane v3, v2;
	v4 =	vadd.s32 v1, v4;
	_ =	sdelay $0x1  }
0x19e: {  	v3 =	vadd.s32 v1, v3;
	_ =	sdelay $0x1  }
0x19f: {  	s16 =	simm.s32 $0x5000  }
0x1a0: {  	[tilespmem:s16], [sflag:$0x1] =	stream.indirect_vreg.gather [hbm4b:s0+s24], $0x80, v4, vm0, $0xb8;
	[tilespmem:$0x1E100] =	vst v63  }
0x1a1: {  	s17 =	simm.s32 $0x5800  }
0x1a2: {  	[tilespmem:s17], [sflag:$0x1] =	stream.indirect_vreg.gather [hbm4b:s0+s24], $0x80, v3, vm0, $0xb8;
	[tilespmem:$0x1E100] =	vst v63  }
0x1a3: {  	v3 =	vld [tilespmem:$0x800];
	_ =	sdelay $0x4  }
0x1a4: {  	v52 =	vshll.u32 v3, $0x1  }
0x1a5: {  	v3 =	vand.u32 $0x7, v3;
	v4 =	vand.u32 $0xFFFFFFF0, v52  }
0x1a6: {  	v3 =	vor.u32 v3, v4  }
0x1a7: {  	v4 =	vperm.xlane v3, v0;
	_ =	sdelay $0x1  }
0x1a8: {  	v3 =	vperm.xlane v3, v2;
	v4 =	vadd.s32 v1, v4;
	_ =	sdelay $0x1  }
0x1a9: {  	v3 =	vadd.s32 v1, v3;
	_ =	sdelay $0x1  }
0x1aa: {  	s19 =	simm.s32 $0xA000  }
0x1ab: {  	[tilespmem:s19], [sflag:$0x3] =	stream.indirect_vreg.gather [hbm4b:s1+s24], $0x80, v4, vm0, $0xb8;
	[tilespmem:$0x1E100] =	vst v63  }
0x1ac: {  	s21 =	simm.s32 $0xA800  }
0x1ad: {  	[tilespmem:s21], [sflag:$0x3] =	stream.indirect_vreg.gather [hbm4b:s1+s24], $0x80, v3, vm0, $0xb8;
	[tilespmem:$0x1E100] =	vst v63  }
0x1ae: {  	v3 =	vld [tilespmem:$0x810];
	_ =	sdelay $0x4  }
0x1af: {  	v53 =	vshll.u32 v3, $0x1  }
0x1b0: {  	v3 =	vand.u32 $0x7, v3;
	v4 =	vand.u32 $0xFFFFFFF0, v53  }
0x1b1: {  	v3 =	vor.u32 v3, v4  }
0x1b2: {  	v4 =	vperm.xlane v3, v0;
	_ =	sdelay $0x1  }
0x1b3: {  	v3 =	vperm.xlane v3, v2;
	v4 =	vadd.s32 v1, v4;
	_ =	sdelay $0x1  }
0x1b4: {  	v3 =	vadd.s32 v1, v3;
	_ =	sdelay $0x1  }
0x1b5: {  	s22 =	simm.s32 $0xB000  }
0x1b6: {  	[tilespmem:s22], [sflag:$0x3] =	stream.indirect_vreg.gather [hbm4b:s1+s24], $0x80, v4, vm0, $0xb8;
	[tilespmem:$0x1E100] =	vst v63  }
0x1b7: {  	s23 =	simm.s32 $0xB800  }
0x1b8: {  	[tilespmem:s23], [sflag:$0x3] =	stream.indirect_vreg.gather [hbm4b:s1+s24], $0x80, v3, vm0, $0xb8;
	[tilespmem:$0x1E100] =	vst v63  }
0x1b9: {  	v3 =	vld [tilespmem:$0x820];
	_ =	sdelay $0x4  }
0x1ba: {  	v54 =	vshll.u32 v3, $0x1  }
0x1bb: {  	v3 =	vand.u32 $0x7, v3;
	v4 =	vand.u32 $0xFFFFFFF0, v54  }
0x1bc: {  	v3 =	vor.u32 v3, v4  }
0x1bd: {  	v4 =	vperm.xlane v3, v0;
	_ =	sdelay $0x1  }
0x1be: {  	v3 =	vperm.xlane v3, v2;
	v4 =	vadd.s32 v1, v4;
	_ =	sdelay $0x1  }
0x1bf: {  	v3 =	vadd.s32 v1, v3;
	_ =	sdelay $0x1  }
0x1c0: {  	s4 =	simm.s32 $0xC000  }
0x1c1: {  	[tilespmem:s4], [sflag:$0x3] =	stream.indirect_vreg.gather [hbm4b:s1+s24], $0x80, v4, vm0, $0xb8;
	[tilespmem:$0x1E100] =	vst v63  }
0x1c2: {  	s5 =	simm.s32 $0xC800  }
0x1c3: {  	[tilespmem:s5], [sflag:$0x3] =	stream.indirect_vreg.gather [hbm4b:s1+s24], $0x80, v3, vm0, $0xb8;
	[tilespmem:$0x1E100] =	vst v63  }
0x1c4: {  	v3 =	vld [tilespmem:$0x830];
	_ =	sdelay $0x4  }
0x1c5: {  	v55 =	vshll.u32 v3, $0x1  }
0x1c6: {  	v3 =	vand.u32 $0x7, v3;
	v4 =	vand.u32 $0xFFFFFFF0, v55  }
0x1c7: {  	v3 =	vor.u32 v3, v4  }
0x1c8: {  	v4 =	vperm.xlane v3, v0;
	_ =	sdelay $0x1  }
0x1c9: {  	v3 =	vperm.xlane v3, v2;
	v4 =	vadd.s32 v1, v4;
	_ =	sdelay $0x1  }
0x1ca: {  	v3 =	vadd.s32 v1, v3;
	_ =	sdelay $0x1  }
0x1cb: {  	s6 =	simm.s32 $0xD000  }
0x1cc: {  	[tilespmem:s6], [sflag:$0x3] =	stream.indirect_vreg.gather [hbm4b:s1+s24], $0x80, v4, vm0, $0xb8;
	[tilespmem:$0x1E100] =	vst v63  }
0x1cd: {  	s9 =	simm.s32 $0xD800  }
0x1ce: {  	[tilespmem:s9], [sflag:$0x3] =	stream.indirect_vreg.gather [hbm4b:s1+s24], $0x80, v3, vm0, $0xb8;
	[tilespmem:$0x1E100] =	vst v63  }
0x1cf: {  	v3 =	vld [tilespmem:$0x80];
	_ =	sdelay $0x4  }
0x1d0: {  	v56 =	vshll.u32 v3, $0x1  }
0x1d1: {  	v3 =	vand.u32 $0x7, v3;
	v4 =	vand.u32 $0xFFFFFFF0, v56  }
0x1d2: {  	v3 =	vor.u32 v3, v4  }
0x1d3: {  	v4 =	vperm.xlane v3, v0;
	_ =	sdelay $0x1  }
0x1d4: {  	v3 =	vperm.xlane v3, v2;
	v4 =	vadd.s32 v1, v4;
	_ =	sdelay $0x1  }
0x1d5: {  	v3 =	vadd.s32 v1, v3;
	_ =	sdelay $0x2  }
0x1d6: {  	[tilespmem:s10], [sflag:$0x2] =	stream.indirect_vreg.gather [hbm4b:s0+s24], $0x80, v4, vm0, $0xb8;
	[tilespmem:$0x1E100] =	vst v63  }
0x1d7: {  	s10 =	simm.s32 $0x6800  }
0x1d8: {  	[tilespmem:s10], [sflag:$0x2] =	stream.indirect_vreg.gather [hbm4b:s0+s24], $0x80, v3, vm0, $0xb8;
	[tilespmem:$0x1E100] =	vst v63  }
0x1d9: {  	v3 =	vld [tilespmem:$0x90];
	_ =	sdelay $0x4  }
0x1da: {  	v57 =	vshll.u32 v3, $0x1  }
0x1db: {  	v3 =	vand.u32 $0x7, v3;
	v4 =	vand.u32 $0xFFFFFFF0, v57  }
0x1dc: {  	v3 =	vor.u32 v3, v4  }
0x1dd: {  	v4 =	vperm.xlane v3, v0;
	_ =	sdelay $0x1  }
0x1de: {  	v3 =	vperm.xlane v3, v2;
	v4 =	vadd.s32 v1, v4;
	_ =	sdelay $0x1  }
0x1df: {  	v3 =	vadd.s32 v1, v3;
	_ =	sdelay $0x1  }
0x1e0: {  	s20 =	simm.s32 $0x7000  }
0x1e1: {  	[tilespmem:s20], [sflag:$0x2] =	stream.indirect_vreg.gather [hbm4b:s0+s24], $0x80, v4, vm0, $0xb8;
	[tilespmem:$0x1E100] =	vst v63  }
0x1e2: {  	s29 =	simm.s32 $0x7800  }
0x1e3: {  	[tilespmem:s29], [sflag:$0x2] =	stream.indirect_vreg.gather [hbm4b:s0+s24], $0x80, v3, vm0, $0xb8;
	[tilespmem:$0x1E100] =	vst v63  }
0x1e4: {  	v3 =	vld [tilespmem:$0xA0];
	_ =	sdelay $0x4  }
0x1e5: {  	v58 =	vshll.u32 v3, $0x1  }
0x1e6: {  	v3 =	vand.u32 $0x7, v3;
	v4 =	vand.u32 $0xFFFFFFF0, v58  }
0x1e7: {  	v3 =	vor.u32 v3, v4  }
0x1e8: {  	v4 =	vperm.xlane v3, v0;
	_ =	sdelay $0x1  }
0x1e9: {  	v3 =	vperm.xlane v3, v2;
	v4 =	vadd.s32 v1, v4;
	_ =	sdelay $0x1  }
0x1ea: {  	v3 =	vadd.s32 v1, v3;
	_ =	sdelay $0x1  }
0x1eb: {  	s30 =	simm.s32 $0x8000  }
0x1ec: {  	[tilespmem:s30], [sflag:$0x2] =	stream.indirect_vreg.gather [hbm4b:s0+s24], $0x80, v4, vm0, $0xb8;
	[tilespmem:$0x1E100] =	vst v63  }
0x1ed: {  	s31 =	simm.s32 $0x8800  }
0x1ee: {  	[tilespmem:s31], [sflag:$0x2] =	stream.indirect_vreg.gather [hbm4b:s0+s24], $0x80, v3, vm0, $0xb8;
	[tilespmem:$0x1E100] =	vst v63  }
0x1ef: {  	v3 =	vld [tilespmem:$0xB0];
	_ =	sdelay $0x4  }
0x1f0: {  	v59 =	vshll.u32 v3, $0x1  }
0x1f1: {  	v3 =	vand.u32 $0x7, v3;
	v4 =	vand.u32 $0xFFFFFFF0, v59  }
0x1f2: {  	v3 =	vor.u32 v3, v4  }
0x1f3: {  	v4 =	vperm.xlane v3, v0;
	_ =	sdelay $0x1  }
0x1f4: {  	v3 =	vperm.xlane v3, v2;
	v4 =	vadd.s32 v1, v4;
	_ =	sdelay $0x1  }
0x1f5: {  	v3 =	vadd.s32 v1, v3;
	_ =	sdelay $0x1  }
0x1f6: {  	s3 =	simm.s32 $0x9000  }
0x1f7: {  	[tilespmem:s3], [sflag:$0x2] =	stream.indirect_vreg.gather [hbm4b:s0+s24], $0x80, v4, vm0, $0xb8;
	[tilespmem:$0x1E100] =	vst v63  }
0x1f8: {  	s4 =	simm.s32 $0x9800  }
0x1f9: {  	[tilespmem:s4], [sflag:$0x2] =	stream.indirect_vreg.gather [hbm4b:s0+s24], $0x80, v3, vm0, $0xb8;
	[tilespmem:$0x1E100] =	vst v63  }
0x1fa: {  	v3 =	vld [tilespmem:$0x880];
	_ =	sdelay $0x4  }
0x1fb: {  	v60 =	vshll.u32 v3, $0x1  }
0x1fc: {  	v3 =	vand.u32 $0x7, v3;
	v4 =	vand.u32 $0xFFFFFFF0, v60  }
0x1fd: {  	v3 =	vor.u32 v3, v4  }
0x1fe: {  	v4 =	vperm.xlane v3, v0;
	_ =	sdelay $0x1  }
0x1ff: {  	v3 =	vperm.xlane v3, v2;
	v4 =	vadd.s32 v1, v4;
	_ =	sdelay $0x1  }
0x200: {  	v3 =	vadd.s32 v1, v3;
	_ =	sdelay $0x1  }
0x201: {  	s5 =	simm.s32 $0xE000  }
0x202: {  	[tilespmem:s5], [sflag:$0x4] =	stream.indirect_vreg.gather [hbm4b:s1+s24], $0x80, v4, vm0, $0xb8;
	[tilespmem:$0x1E100] =	vst v63  }
0x203: {  	s6 =	simm.s32 $0xE800  }
0x204: {  	[tilespmem:s6], [sflag:$0x4] =	stream.indirect_vreg.gather [hbm4b:s1+s24], $0x80, v3, vm0, $0xb8;
	[tilespmem:$0x1E100] =	vst v63  }
0x205: {  	v3 =	vld [tilespmem:$0x890];
	_ =	sdelay $0x4  }
0x206: {  	v61 =	vshll.u32 v3, $0x1  }
0x207: {  	v3 =	vand.u32 $0x7, v3;
	v4 =	vand.u32 $0xFFFFFFF0, v61  }
0x208: {  	v3 =	vor.u32 v3, v4  }
0x209: {  	v4 =	vperm.xlane v3, v0;
	_ =	sdelay $0x1  }
0x20a: {  	v3 =	vperm.xlane v3, v2;
	v4 =	vadd.s32 v1, v4;
	_ =	sdelay $0x1  }
0x20b: {  	v3 =	vadd.s32 v1, v3;
	_ =	sdelay $0x1  }
0x20c: {  	s9 =	simm.s32 $0xF000  }
0x20d: {  	[tilespmem:s9], [sflag:$0x4] =	stream.indirect_vreg.gather [hbm4b:s1+s24], $0x80, v4, vm0, $0xb8;
	[tilespmem:$0x1E100] =	vst v63  }
0x20e: {  	s10 =	simm.s32 $0xF800  }
0x20f: {  	[tilespmem:s10], [sflag:$0x4] =	stream.indirect_vreg.gather [hbm4b:s1+s24], $0x80, v3, vm0, $0xb8;
	[tilespmem:$0x1E100] =	vst v63  }
0x210: {  	v3 =	vld [tilespmem:$0x8A0];
	_ =	sdelay $0x4  }
0x211: {  	v62 =	vshll.u32 v3, $0x1  }
0x212: {  	v3 =	vand.u32 $0x7, v3;
	v4 =	vand.u32 $0xFFFFFFF0, v62  }
0x213: {  	v3 =	vor.u32 v3, v4  }
0x214: {  	v4 =	vperm.xlane v3, v0;
	_ =	sdelay $0x1  }
0x215: {  	v3 =	vperm.xlane v3, v2;
	v4 =	vadd.s32 v1, v4;
	_ =	sdelay $0x1  }
0x216: {  	v3 =	vadd.s32 v1, v3;
	_ =	sdelay $0x1  }
0x217: {  	s20 =	simm.s32 $0x10000  }
0x218: {  	[tilespmem:s20], [sflag:$0x4] =	stream.indirect_vreg.gather [hbm4b:s1+s24], $0x80, v4, vm0, $0xb8;
	[tilespmem:$0x1E100] =	vst v63  }
0x219: {  	s29 =	simm.s32 $0x10800  }
0x21a: {  	[tilespmem:s29], [sflag:$0x4] =	stream.indirect_vreg.gather [hbm4b:s1+s24], $0x80, v3, vm0, $0xb8;
	[tilespmem:$0x1E100] =	vst v63  }
0x21b: {  	v3 =	vld [tilespmem:$0x8B0];
	_ =	sdelay $0x4  }
0x21c: {  	v63 =	vshll.u32 v3, $0x1  }
0x21d: {  	v3 =	vand.u32 $0x7, v3;
	v4 =	vand.u32 $0xFFFFFFF0, v63  }
0x21e: {  	v3 =	vor.u32 v3, v4  }
0x21f: {  	v4 =	vperm.xlane v3, v0;
	_ =	sdelay $0x1  }
0x220: {  	v3 =	vperm.xlane v3, v2;
	v4 =	vadd.s32 v1, v4;
	_ =	sdelay $0x1  }
0x221: {  	v3 =	vadd.s32 v1, v3  }
0x222: {  	s4 =	rddreg [dreg:$0x5]  }
0x223: {  	s30 =	simm.s32 $0x11000;
	s5 =	rddreg [dreg:$0x10]  }
0x224: {  	[tilespmem:s30], [sflag:$0x4] =	stream.indirect_vreg.gather [hbm4b:s1+s24], $0x80, v4, vm0, $0xb8;
	[tilespmem:$0x1E100] =	vst v63  }
0x225: {  	s28 =	simm.s32 $0x0;
	s31 =	simm.s32 $0x11800;
	s6 =	rddreg [dreg:$0x6]  }
0x226: {  	[tilespmem:s31], [sflag:$0x4] =	stream.indirect_vreg.gather [hbm4b:s1+s24], $0x80, v3, vm0, $0xb8;
	[tilespmem:$0x1E100] =	vst v63  }
.LBB2_6:
0x227: {  	_ =	swait.ge [sflag:s25], $0x4000  }
0x228: {  	[sflag:s25] =	ssyncset.done $0x0  }
0x229: {  	s3 =	simm.s32 $0x3;
	[sflag:s25] =	ssyncadd.s32 $0xFFFFC000  }
0x22a: {  	s2 =	sshll.u32 s28, $0xC;
	_ =	swait.ge [sflag:s3], $0x4000  }
0x22b: {  	s30 =	sor.u32 s5, s2;
	[sflag:s3] =	ssyncset.done $0x0  }
0x22c: {  	s2 =	sadd.s32 s6, s30;
	[sflag:s3] =	ssyncadd.s32 $0xFFFFC000  }
0x22d: {  	[hbm4b:s2+s24] =	stream.linear.scatter [tilespmem:s19], [sflag:$0x5], $0x4000, $0x38;
	[tilespmem:$0x1E100] =	vst v63  }
0x22e: {  	_ =	swait.ge [sflag:s18], $0x4000  }
0x22f: {  	s10 =	sand.u32 $0x3800, s24;
	s20 =	sand.u32 $0x380, s24;
	[sflag:s18] =	ssyncset.done $0x0  }
0x230: {  	s29 =	sor.u32 s20, s10;
	[sflag:s18] =	ssyncadd.s32 $0xFFFFC000  }
0x231: {  	v10 =	vld [tilespmem:s29+$0xA000]  }
0x232: {  	v11 =	vld [tilespmem:s29+$0xA010]  }
0x233: {  	v12 =	vld [tilespmem:s29+$0xA020]  }
0x234: {  	v13 =	vld [tilespmem:s29+$0xA030]  }
0x235: {  	v14 =	vld [tilespmem:s29+$0xA040]  }
0x236: {  	v15 =	vld [tilespmem:s29+$0xA050]  }
0x237: {  	v16 =	vld [tilespmem:s29+$0xA060]  }
0x238: {  	v17 =	vld [tilespmem:s29+$0xA070]  }
0x239: {  	v18 =	vld [tilespmem:s29+$0xA400]  }
0x23a: {  	v9 =	vld [tilespmem:s29+$0xA410]  }
0x23b: {  	v8 =	vld [tilespmem:s29+$0xA420]  }
0x23c: {  	v7 =	vld [tilespmem:s29+$0xA430]  }
0x23d: {  	v6 =	vld [tilespmem:s29+$0xA440]  }
0x23e: {  	v5 =	vld [tilespmem:s29+$0xA450]  }
0x23f: {  	v4 =	vld [tilespmem:s29+$0xA460]  }
0x240: {  	v3 =	vld [tilespmem:s29+$0xA470]  }
0x241: {  	v19 =	vld [tilespmem:s29+$0x2000]  }
0x242: {  	v20 =	vld [tilespmem:s29+$0x2010]  }
0x243: {  	v21 =	vld [tilespmem:s29+$0x2020]  }
0x244: {  	v22 =	vld [tilespmem:s29+$0x2030]  }
0x245: {  	v23 =	vld [tilespmem:s29+$0x2040]  }
0x246: {  	v10 =	vadd.f32 v10, v19;
	v19 =	vld [tilespmem:s29+$0x2050]  }
0x247: {  	v61 =	vld [tilespmem:s29+$0x2060];
	v11 =	vadd.f32 v11, v20  }
0x248: {  	v62 =	vld [tilespmem:s29+$0x2070];
	[tilespmem:s29+$0x2000] =	vst v10;
	v10 =	vadd.f32 v12, v21  }
0x249: {  	v63 =	vld [tilespmem:s29+$0x2400];
	[tilespmem:s29+$0x2010] =	vst v11;
	v11 =	vadd.f32 v13, v22  }
0x24a: {  	v13 =	vld [tilespmem:s29+$0x2410];
	[tilespmem:s29+$0x2020] =	vst v10;
	v10 =	vadd.f32 v14, v23  }
0x24b: {  	v12 =	vld [tilespmem:s29+$0x2420];
	[tilespmem:s29+$0x2030] =	vst v11;
	v11 =	vadd.f32 v15, v19  }
0x24c: {  	v14 =	vadd.f32 v16, v61;
	[tilespmem:s29+$0x2040] =	vst v10;
	v10 =	vld [tilespmem:s29+$0x2430]  }
0x24d: {  	v16 =	vadd.f32 v17, v62;
	[tilespmem:s29+$0x2050] =	vst v11;
	v11 =	vld [tilespmem:s29+$0x2440]  }
0x24e: {  	s31 =	simm.s32 $0x80;
	s2 =	simm.s32 $0x100;
	v15 =	vadd.f32 v18, v63;
	[tilespmem:s29+$0x2060] =	vst v14;
	v14 =	vld [tilespmem:s29+$0x2450]  }
.LBB2_7:
0x24f: {  	s3 =	sand.u32 $0x3800, s2;
	s20 =	sand.u32 $0x380, s31;
	p0 =	sne.s32 s2, $0x3F00;
	[tilespmem:s29+$0x2070] =	vst v16;
	v9 =	vadd.f32 v9, v13;
	v13 =	vld [tilespmem:s29+$0x2460]  }
0x250: {  	s3 =	sor.u32 s20, s3;
	[tilespmem:s29+$0x2400] =	vst v15;
	v8 =	vadd.f32 v8, v12;
	v12 =	vld [tilespmem:s29+$0x2470]  }
0x251: {  	v15 =	vld [tilespmem:s3+$0xA000];
	[tilespmem:s29+$0x2410] =	vst v9;
	v7 =	vadd.f32 v7, v10  }
0x252: {  	v10 =	vld [tilespmem:s3+$0xA010];
	[tilespmem:s29+$0x2420] =	vst v8;
	v6 =	vadd.f32 v6, v11  }
0x253: {  	v11 =	vld [tilespmem:s3+$0xA020];
	[tilespmem:s29+$0x2430] =	vst v7;
	v5 =	vadd.f32 v5, v14  }
0x254: {  	v14 =	vld [tilespmem:s3+$0xA030];
	[tilespmem:s29+$0x2440] =	vst v6;
	v4 =	vadd.f32 v4, v13  }
0x255: {  	v13 =	vld [tilespmem:s3+$0xA040];
	[tilespmem:s29+$0x2450] =	vst v5;
	v3 =	vadd.f32 v3, v12  }
0x256: {  	v12 =	vld [tilespmem:s3+$0xA050];
	[tilespmem:s29+$0x2460] =	vst v4  }
0x257: {  	v16 =	vld [tilespmem:s3+$0xA060];
	[tilespmem:s29+$0x2470] =	vst v3;
	s29 =	smov.u32 s3  }
0x258: {  	v17 =	vld [tilespmem:s29+$0xA070]  }
0x259: {  	v18 =	vld [tilespmem:s29+$0xA400]  }
0x25a: {  	v9 =	vld [tilespmem:s29+$0xA410]  }
0x25b: {  	v8 =	vld [tilespmem:s29+$0xA420]  }
0x25c: {  	v7 =	vld [tilespmem:s29+$0xA430]  }
0x25d: {  	v6 =	vld [tilespmem:s29+$0xA440]  }
0x25e: {  	v5 =	vld [tilespmem:s29+$0xA450]  }
0x25f: {  	v4 =	vld [tilespmem:s29+$0xA460]  }
0x260: {  	v3 =	vld [tilespmem:s29+$0xA470]  }
0x261: {  	v19 =	vld [tilespmem:s29+$0x2000]  }
0x262: {  	v20 =	vld [tilespmem:s29+$0x2010]  }
0x263: {  	v21 =	vld [tilespmem:s29+$0x2020]  }
0x264: {  	v22 =	vld [tilespmem:s29+$0x2030]  }
0x265: {  	v23 =	vld [tilespmem:s29+$0x2040]  }
0x266: {  	v15 =	vadd.f32 v15, v19;
	v19 =	vld [tilespmem:s29+$0x2050]  }
0x267: {  	v10 =	vadd.f32 v10, v20;
	v20 =	vld [tilespmem:s29+$0x2060]  }
0x268: {  	[tilespmem:s29+$0x2000] =	vst v15;
	v11 =	vadd.f32 v11, v21;
	v15 =	vld [tilespmem:s29+$0x2070]  }
0x269: {  	[tilespmem:s29+$0x2010] =	vst v10;
	v10 =	vadd.f32 v14, v22;
	v14 =	vld [tilespmem:s29+$0x2400]  }
.Ltmp2:
0x26a: {  	[tilespmem:s29+$0x2020] =	vst v11;
	v11 =	vadd.f32 v13, v23;
	v13 =	vld [tilespmem:s29+$0x2410];
	(pc) =	sbr.rel @p0 .LBB2_7-.Ltmp2, $4  }
0x26b: {  	[tilespmem:s29+$0x2030] =	vst v10;
	v19 =	vadd.f32 v12, v19;
	v12 =	vld [tilespmem:s29+$0x2420]  }
0x26c: {  	[tilespmem:s29+$0x2040] =	vst v11;
	v20 =	vadd.f32 v16, v20;
	v10 =	vld [tilespmem:s29+$0x2430]  }
0x26d: {  	[tilespmem:s29+$0x2050] =	vst v19;
	v16 =	vadd.f32 v17, v15;
	v11 =	vld [tilespmem:s29+$0x2440]  }
0x26e: {  	s31 =	sadd.s32 $0x80, s31;
	s2 =	sadd.s32 $0x100, s2;
	[tilespmem:s29+$0x2060] =	vst v20;
	v15 =	vadd.f32 v18, v14;
	v14 =	vld [tilespmem:s29+$0x2450]  }
0x26f: {  	[tilespmem:s29+$0x2070] =	vst v16;
	v9 =	vadd.f32 v9, v13;
	v13 =	vld [tilespmem:s29+$0x2460]  }
0x270: {  	[tilespmem:s29+$0x2400] =	vst v15;
	v8 =	vadd.f32 v8, v12;
	v12 =	vld [tilespmem:s29+$0x2470]  }
0x271: {  	[tilespmem:s29+$0x2410] =	vst v9;
	v7 =	vadd.f32 v7, v10  }
0x272: {  	[tilespmem:s29+$0x2420] =	vst v8;
	v6 =	vadd.f32 v6, v11  }
0x273: {  	[tilespmem:s29+$0x2430] =	vst v7;
	v5 =	vadd.f32 v5, v14  }
0x274: {  	[tilespmem:s29+$0x2440] =	vst v6;
	v4 =	vadd.f32 v4, v13  }
0x275: {  	[tilespmem:s29+$0x2450] =	vst v5;
	v3 =	vadd.f32 v3, v12  }
0x276: {  	[tilespmem:s29+$0x2460] =	vst v4  }
0x277: {  	s2 =	sadd.s32 s4, s30;
	s31 =	simm.s32 $0x0;
	[tilespmem:s29+$0x2470] =	vst v3  }
0x278: {  	[hbm4b:s2+s31] =	stream.linear.scatter [tilespmem:s11], [sflag:$0x5], $0x4000, $0x38;
	[tilespmem:$0x1E100] =	vst v63  }
0x279: {  	s29 =	sshll.u32 s28, $0x1;
	_ =	swait.ge [sflag:s18], $0x4000  }
0x27a: {  	s9 =	smin.u32 s29, $0xD;
	[sflag:s18] =	ssyncset.done $0x0  }
0x27b: {  	s2 =	sshll.u32 s9, $0x7;
	[sflag:s18] =	ssyncadd.s32 $0xFFFFC000  }
0x27c: {  	v3 =	vld [tilespmem:s2+$0x100];
	_ =	sdelay $0x4  }
0x27d: {  	v4 =	vshll.u32 v3, $0x1  }
0x27e: {  	v3 =	vand.u32 $0x7, v3;
	v4 =	vand.u32 $0xFFFFFFF0, v4  }
0x27f: {  	v3 =	vor.u32 v3, v4  }
0x280: {  	v4 =	vperm.xlane v3, v0;
	_ =	sdelay $0x1  }
0x281: {  	v3 =	vperm.xlane v3, v2;
	v4 =	vadd.s32 v1, v4;
	_ =	sdelay $0x1  }
0x282: {  	v3 =	vadd.s32 v1, v3;
	_ =	sdelay $0x2  }
0x283: {  	[tilespmem:s11], [sflag:$0x1] =	stream.indirect_vreg.gather [hbm4b:s0+s31], $0x80, v4, vm0, $0xb8;
	[tilespmem:$0x1E100] =	vst v63  }
0x284: {  	s3 =	simm.s32 $0x2800  }
0x285: {  	[tilespmem:s3], [sflag:$0x1] =	stream.indirect_vreg.gather [hbm4b:s0+s31], $0x80, v3, vm0, $0xb8;
	[tilespmem:$0x1E100] =	vst v63  }
0x286: {  	v3 =	vld [tilespmem:s2+$0x110];
	_ =	sdelay $0x4  }
0x287: {  	v4 =	vshll.u32 v3, $0x1  }
0x288: {  	v3 =	vand.u32 $0x7, v3;
	v4 =	vand.u32 $0xFFFFFFF0, v4  }
0x289: {  	v3 =	vor.u32 v3, v4  }
0x28a: {  	v4 =	vperm.xlane v3, v0;
	_ =	sdelay $0x1  }
0x28b: {  	v3 =	vperm.xlane v3, v2;
	v4 =	vadd.s32 v1, v4;
	_ =	sdelay $0x1  }
0x28c: {  	v3 =	vadd.s32 v1, v3;
	_ =	sdelay $0x2  }
0x28d: {  	[tilespmem:s12], [sflag:$0x1] =	stream.indirect_vreg.gather [hbm4b:s0+s31], $0x80, v4, vm0, $0xb8;
	[tilespmem:$0x1E100] =	vst v63  }
0x28e: {  	_ = 	snop  }
0x28f: {  	[tilespmem:s13], [sflag:$0x1] =	stream.indirect_vreg.gather [hbm4b:s0+s31], $0x80, v3, vm0, $0xb8;
	[tilespmem:$0x1E100] =	vst v63  }
0x290: {  	v3 =	vld [tilespmem:s2+$0x120];
	_ =	sdelay $0x4  }
0x291: {  	v4 =	vshll.u32 v3, $0x1  }
0x292: {  	v3 =	vand.u32 $0x7, v3;
	v4 =	vand.u32 $0xFFFFFFF0, v4  }
0x293: {  	v3 =	vor.u32 v3, v4  }
0x294: {  	v4 =	vperm.xlane v3, v0;
	_ =	sdelay $0x1  }
0x295: {  	v3 =	vperm.xlane v3, v2;
	v4 =	vadd.s32 v1, v4;
	_ =	sdelay $0x1  }
0x296: {  	v3 =	vadd.s32 v1, v3;
	_ =	sdelay $0x2  }
0x297: {  	[tilespmem:s14], [sflag:$0x1] =	stream.indirect_vreg.gather [hbm4b:s0+s31], $0x80, v4, vm0, $0xb8;
	[tilespmem:$0x1E100] =	vst v63  }
0x298: {  	_ = 	snop  }
0x299: {  	[tilespmem:s15], [sflag:$0x1] =	stream.indirect_vreg.gather [hbm4b:s0+s31], $0x80, v3, vm0, $0xb8;
	[tilespmem:$0x1E100] =	vst v63  }
0x29a: {  	v3 =	vld [tilespmem:s2+$0x130];
	_ =	sdelay $0x4  }
0x29b: {  	v4 =	vshll.u32 v3, $0x1  }
0x29c: {  	v3 =	vand.u32 $0x7, v3;
	v4 =	vand.u32 $0xFFFFFFF0, v4  }
0x29d: {  	v3 =	vor.u32 v3, v4  }
0x29e: {  	v4 =	vperm.xlane v3, v0;
	_ =	sdelay $0x1  }
0x29f: {  	v3 =	vperm.xlane v3, v2;
	v4 =	vadd.s32 v1, v4;
	_ =	sdelay $0x1  }
0x2a0: {  	v3 =	vadd.s32 v1, v3;
	_ =	sdelay $0x2  }
0x2a1: {  	[tilespmem:s16], [sflag:$0x1] =	stream.indirect_vreg.gather [hbm4b:s0+s31], $0x80, v4, vm0, $0xb8;
	[tilespmem:$0x1E100] =	vst v63  }
0x2a2: {  	_ = 	snop  }
0x2a3: {  	[tilespmem:s17], [sflag:$0x1] =	stream.indirect_vreg.gather [hbm4b:s0+s31], $0x80, v3, vm0, $0xb8;
	[tilespmem:$0x1E100] =	vst v63  }
0x2a4: {  	v3 =	vld [tilespmem:s2+$0x900];
	_ =	sdelay $0x4  }
0x2a5: {  	v4 =	vshll.u32 v3, $0x1  }
0x2a6: {  	v3 =	vand.u32 $0x7, v3;
	v4 =	vand.u32 $0xFFFFFFF0, v4  }
0x2a7: {  	v3 =	vor.u32 v3, v4  }
0x2a8: {  	v4 =	vperm.xlane v3, v0;
	_ =	sdelay $0x1  }
0x2a9: {  	v3 =	vperm.xlane v3, v2;
	v4 =	vadd.s32 v1, v4;
	_ =	sdelay $0x1  }
0x2aa: {  	v3 =	vadd.s32 v1, v3;
	_ =	sdelay $0x2  }
0x2ab: {  	[tilespmem:s19], [sflag:$0x3] =	stream.indirect_vreg.gather [hbm4b:s1+s31], $0x80, v4, vm0, $0xb8;
	[tilespmem:$0x1E100] =	vst v63  }
0x2ac: {  	_ = 	snop  }
0x2ad: {  	[tilespmem:s21], [sflag:$0x3] =	stream.indirect_vreg.gather [hbm4b:s1+s31], $0x80, v3, vm0, $0xb8;
	[tilespmem:$0x1E100] =	vst v63  }
0x2ae: {  	v3 =	vld [tilespmem:s2+$0x910];
	_ =	sdelay $0x4  }
0x2af: {  	v4 =	vshll.u32 v3, $0x1  }
0x2b0: {  	v3 =	vand.u32 $0x7, v3;
	v4 =	vand.u32 $0xFFFFFFF0, v4  }
0x2b1: {  	v3 =	vor.u32 v3, v4  }
0x2b2: {  	v4 =	vperm.xlane v3, v0;
	_ =	sdelay $0x1  }
0x2b3: {  	v3 =	vperm.xlane v3, v2;
	v4 =	vadd.s32 v1, v4;
	_ =	sdelay $0x1  }
0x2b4: {  	v3 =	vadd.s32 v1, v3;
	_ =	sdelay $0x2  }
0x2b5: {  	[tilespmem:s22], [sflag:$0x3] =	stream.indirect_vreg.gather [hbm4b:s1+s31], $0x80, v4, vm0, $0xb8;
	[tilespmem:$0x1E100] =	vst v63  }
0x2b6: {  	_ = 	snop  }
0x2b7: {  	[tilespmem:s23], [sflag:$0x3] =	stream.indirect_vreg.gather [hbm4b:s1+s31], $0x80, v3, vm0, $0xb8;
	[tilespmem:$0x1E100] =	vst v63  }
0x2b8: {  	v3 =	vld [tilespmem:s2+$0x920];
	_ =	sdelay $0x4  }
0x2b9: {  	v4 =	vshll.u32 v3, $0x1  }
0x2ba: {  	v3 =	vand.u32 $0x7, v3;
	v4 =	vand.u32 $0xFFFFFFF0, v4  }
0x2bb: {  	v3 =	vor.u32 v3, v4  }
0x2bc: {  	v4 =	vperm.xlane v3, v0;
	_ =	sdelay $0x1  }
0x2bd: {  	v3 =	vperm.xlane v3, v2;
	v4 =	vadd.s32 v1, v4;
	_ =	sdelay $0x1  }
0x2be: {  	v3 =	vadd.s32 v1, v3;
	_ =	sdelay $0x1  }
0x2bf: {  	s10 =	simm.s32 $0xC000  }
0x2c0: {  	[tilespmem:s10], [sflag:$0x3] =	stream.indirect_vreg.gather [hbm4b:s1+s31], $0x80, v4, vm0, $0xb8;
	[tilespmem:$0x1E100] =	vst v63  }
0x2c1: {  	s20 =	simm.s32 $0xC800  }
0x2c2: {  	[tilespmem:s20], [sflag:$0x3] =	stream.indirect_vreg.gather [hbm4b:s1+s31], $0x80, v3, vm0, $0xb8;
	[tilespmem:$0x1E100] =	vst v63  }
0x2c3: {  	v3 =	vld [tilespmem:s2+$0x930];
	_ =	sdelay $0x4  }
0x2c4: {  	v4 =	vshll.u32 v3, $0x1  }
0x2c5: {  	v3 =	vand.u32 $0x7, v3;
	v4 =	vand.u32 $0xFFFFFFF0, v4  }
0x2c6: {  	v3 =	vor.u32 v3, v4  }
0x2c7: {  	v4 =	vperm.xlane v3, v0;
	_ =	sdelay $0x1  }
0x2c8: {  	v3 =	vperm.xlane v3, v2;
	v4 =	vadd.s32 v1, v4;
	_ =	sdelay $0x1  }
0x2c9: {  	v3 =	vadd.s32 v1, v3;
	_ =	sdelay $0x1  }
0x2ca: {  	s9 =	simm.s32 $0xD000  }
0x2cb: {  	[tilespmem:s9], [sflag:$0x3] =	stream.indirect_vreg.gather [hbm4b:s1+s31], $0x80, v4, vm0, $0xb8;
	[tilespmem:$0x1E100] =	vst v63  }
0x2cc: {  	s10 =	simm.s32 $0xD800  }
0x2cd: {  	[tilespmem:s10], [sflag:$0x3] =	stream.indirect_vreg.gather [hbm4b:s1+s31], $0x80, v3, vm0, $0xb8;
	[tilespmem:$0x1E100] =	vst v63  }
0x2ce: {  	_ =	swait.ge [sflag:s26], $0x4000  }
0x2cf: {  	[sflag:s26] =	ssyncset.done $0x0  }
0x2d0: {  	s20 =	simm.s32 $0x4;
	[sflag:s26] =	ssyncadd.s32 $0xFFFFC000  }
0x2d1: {  	_ =	swait.ge [sflag:s20], $0x4000  }
0x2d2: {  	s30 =	sor.u32 $0x800, s30;
	[sflag:s20] =	ssyncset.done $0x0  }
0x2d3: {  	s3 =	sadd.s32 s6, s30;
	s9 =	simm.s32 $0xE000;
	[sflag:s20] =	ssyncadd.s32 $0xFFFFC000  }
0x2d4: {  	[hbm4b:s3+s31] =	stream.linear.scatter [tilespmem:s9], [sflag:$0x5], $0x4000, $0x38;
	[tilespmem:$0x1E100] =	vst v63  }
0x2d5: {  	_ =	swait.ge [sflag:s18], $0x4000  }
0x2d6: {  	s10 =	sand.u32 $0x3800, s31;
	s20 =	sand.u32 $0x380, s31;
	[sflag:s18] =	ssyncset.done $0x0  }
0x2d7: {  	s31 =	sor.u32 s20, s10;
	[sflag:s18] =	ssyncadd.s32 $0xFFFFC000  }
0x2d8: {  	v10 =	vld [tilespmem:s31+$0xE000]  }
0x2d9: {  	v11 =	vld [tilespmem:s31+$0xE010]  }
0x2da: {  	v12 =	vld [tilespmem:s31+$0xE020]  }
0x2db: {  	v13 =	vld [tilespmem:s31+$0xE030]  }
0x2dc: {  	v14 =	vld [tilespmem:s31+$0xE040]  }
0x2dd: {  	v15 =	vld [tilespmem:s31+$0xE050]  }
0x2de: {  	v16 =	vld [tilespmem:s31+$0xE060]  }
0x2df: {  	v17 =	vld [tilespmem:s31+$0xE070]  }
0x2e0: {  	v18 =	vld [tilespmem:s31+$0xE400]  }
0x2e1: {  	v9 =	vld [tilespmem:s31+$0xE410]  }
0x2e2: {  	v8 =	vld [tilespmem:s31+$0xE420]  }
0x2e3: {  	v7 =	vld [tilespmem:s31+$0xE430]  }
0x2e4: {  	v6 =	vld [tilespmem:s31+$0xE440]  }
0x2e5: {  	v5 =	vld [tilespmem:s31+$0xE450]  }
0x2e6: {  	v4 =	vld [tilespmem:s31+$0xE460]  }
0x2e7: {  	v3 =	vld [tilespmem:s31+$0xE470]  }
0x2e8: {  	v19 =	vld [tilespmem:s31+$0x6000]  }
0x2e9: {  	v20 =	vld [tilespmem:s31+$0x6010]  }
0x2ea: {  	v21 =	vld [tilespmem:s31+$0x6020]  }
0x2eb: {  	v22 =	vld [tilespmem:s31+$0x6030]  }
0x2ec: {  	v23 =	vld [tilespmem:s31+$0x6040]  }
0x2ed: {  	v10 =	vadd.f32 v10, v19;
	v19 =	vld [tilespmem:s31+$0x6050]  }
0x2ee: {  	v61 =	vld [tilespmem:s31+$0x6060];
	v11 =	vadd.f32 v11, v20  }
0x2ef: {  	v62 =	vld [tilespmem:s31+$0x6070];
	[tilespmem:s31+$0x6000] =	vst v10;
	v10 =	vadd.f32 v12, v21  }
0x2f0: {  	v63 =	vld [tilespmem:s31+$0x6400];
	[tilespmem:s31+$0x6010] =	vst v11;
	v11 =	vadd.f32 v13, v22  }
0x2f1: {  	v13 =	vld [tilespmem:s31+$0x6410];
	[tilespmem:s31+$0x6020] =	vst v10;
	v10 =	vadd.f32 v14, v23  }
0x2f2: {  	v12 =	vld [tilespmem:s31+$0x6420];
	[tilespmem:s31+$0x6030] =	vst v11;
	v11 =	vadd.f32 v15, v19  }
0x2f3: {  	v14 =	vadd.f32 v16, v61;
	[tilespmem:s31+$0x6040] =	vst v10;
	v10 =	vld [tilespmem:s31+$0x6430]  }
0x2f4: {  	v16 =	vadd.f32 v17, v62;
	[tilespmem:s31+$0x6050] =	vst v11;
	v11 =	vld [tilespmem:s31+$0x6440]  }
0x2f5: {  	s2 =	simm.s32 $0x80;
	s3 =	simm.s32 $0x100;
	v15 =	vadd.f32 v18, v63;
	[tilespmem:s31+$0x6060] =	vst v14;
	v14 =	vld [tilespmem:s31+$0x6450]  }
.LBB2_9:
0x2f6: {  	s20 =	sand.u32 $0x3800, s3;
	s9 =	sand.u32 $0x380, s2;
	p0 =	sne.s32 s3, $0x3F00;
	[tilespmem:s31+$0x6070] =	vst v16;
	v9 =	vadd.f32 v9, v13;
	v13 =	vld [tilespmem:s31+$0x6460]  }
0x2f7: {  	s9 =	sor.u32 s9, s20;
	[tilespmem:s31+$0x6400] =	vst v15;
	v8 =	vadd.f32 v8, v12;
	v12 =	vld [tilespmem:s31+$0x6470]  }
0x2f8: {  	v15 =	vld [tilespmem:s9+$0xE000];
	[tilespmem:s31+$0x6410] =	vst v9;
	v7 =	vadd.f32 v7, v10  }
0x2f9: {  	v10 =	vld [tilespmem:s9+$0xE010];
	[tilespmem:s31+$0x6420] =	vst v8;
	v6 =	vadd.f32 v6, v11  }
0x2fa: {  	v11 =	vld [tilespmem:s9+$0xE020];
	[tilespmem:s31+$0x6430] =	vst v7;
	v5 =	vadd.f32 v5, v14  }
0x2fb: {  	v14 =	vld [tilespmem:s9+$0xE030];
	[tilespmem:s31+$0x6440] =	vst v6;
	v4 =	vadd.f32 v4, v13  }
0x2fc: {  	v13 =	vld [tilespmem:s9+$0xE040];
	[tilespmem:s31+$0x6450] =	vst v5;
	v3 =	vadd.f32 v3, v12  }
0x2fd: {  	v12 =	vld [tilespmem:s9+$0xE050];
	[tilespmem:s31+$0x6460] =	vst v4  }
0x2fe: {  	v16 =	vld [tilespmem:s9+$0xE060];
	[tilespmem:s31+$0x6470] =	vst v3;
	s31 =	smov.u32 s9  }
0x2ff: {  	v17 =	vld [tilespmem:s31+$0xE070]  }
0x300: {  	v18 =	vld [tilespmem:s31+$0xE400]  }
0x301: {  	v9 =	vld [tilespmem:s31+$0xE410]  }
0x302: {  	v8 =	vld [tilespmem:s31+$0xE420]  }
0x303: {  	v7 =	vld [tilespmem:s31+$0xE430]  }
0x304: {  	v6 =	vld [tilespmem:s31+$0xE440]  }
0x305: {  	v5 =	vld [tilespmem:s31+$0xE450]  }
0x306: {  	v4 =	vld [tilespmem:s31+$0xE460]  }
0x307: {  	v3 =	vld [tilespmem:s31+$0xE470]  }
0x308: {  	v19 =	vld [tilespmem:s31+$0x6000]  }
0x309: {  	v20 =	vld [tilespmem:s31+$0x6010]  }
0x30a: {  	v21 =	vld [tilespmem:s31+$0x6020]  }
0x30b: {  	v22 =	vld [tilespmem:s31+$0x6030]  }
0x30c: {  	v23 =	vld [tilespmem:s31+$0x6040]  }
0x30d: {  	v15 =	vadd.f32 v15, v19;
	v19 =	vld [tilespmem:s31+$0x6050]  }
0x30e: {  	v10 =	vadd.f32 v10, v20;
	v20 =	vld [tilespmem:s31+$0x6060]  }
0x30f: {  	[tilespmem:s31+$0x6000] =	vst v15;
	v11 =	vadd.f32 v11, v21;
	v15 =	vld [tilespmem:s31+$0x6070]  }
0x310: {  	[tilespmem:s31+$0x6010] =	vst v10;
	v10 =	vadd.f32 v14, v22;
	v14 =	vld [tilespmem:s31+$0x6400]  }
.Ltmp3:
0x311: {  	[tilespmem:s31+$0x6020] =	vst v11;
	v11 =	vadd.f32 v13, v23;
	v13 =	vld [tilespmem:s31+$0x6410];
	(pc) =	sbr.rel @p0 .LBB2_9-.Ltmp3, $4  }
0x312: {  	[tilespmem:s31+$0x6030] =	vst v10;
	v19 =	vadd.f32 v12, v19;
	v12 =	vld [tilespmem:s31+$0x6420]  }
0x313: {  	[tilespmem:s31+$0x6040] =	vst v11;
	v20 =	vadd.f32 v16, v20;
	v10 =	vld [tilespmem:s31+$0x6430]  }
0x314: {  	[tilespmem:s31+$0x6050] =	vst v19;
	v16 =	vadd.f32 v17, v15;
	v11 =	vld [tilespmem:s31+$0x6440]  }
0x315: {  	s2 =	sadd.s32 $0x80, s2;
	s3 =	sadd.s32 $0x100, s3;
	[tilespmem:s31+$0x6060] =	vst v20;
	v15 =	vadd.f32 v18, v14;
	v14 =	vld [tilespmem:s31+$0x6450]  }
0x316: {  	[tilespmem:s31+$0x6070] =	vst v16;
	v9 =	vadd.f32 v9, v13;
	v54 =	vld [tilespmem:s31+$0x6460]  }
0x317: {  	v55 =	vld [tilespmem:s31+$0x6470];
	[tilespmem:s31+$0x6400] =	vst v15;
	v8 =	vadd.f32 v8, v12  }
0x318: {  	[tilespmem:s31+$0x6410] =	vst v9;
	v7 =	vadd.f32 v7, v10  }
0x319: {  	[tilespmem:s31+$0x6420] =	vst v8;
	v6 =	vadd.f32 v6, v11  }
0x31a: {  	[tilespmem:s31+$0x6430] =	vst v7;
	v5 =	vadd.f32 v5, v14  }
0x31b: {  	[tilespmem:s31+$0x6440] =	vst v6;
	v4 =	vadd.f32 v4, v54  }
0x31c: {  	v3 =	vadd.f32 v3, v55;
	[tilespmem:s31+$0x6450] =	vst v5  }
0x31d: {  	[tilespmem:s31+$0x6460] =	vst v4  }
0x31e: {  	s2 =	sadd.s32 s4, s30;
	s3 =	simm.s32 $0x6000;
	[tilespmem:s31+$0x6470] =	vst v3  }
0x31f: {  	[hbm4b:s2+s7] =	stream.linear.scatter [tilespmem:s3], [sflag:$0x5], $0x4000, $0x38;
	[tilespmem:$0x1E100] =	vst v63  }
0x320: {  	_ =	swait.ge [sflag:s18], $0x4000  }
0x321: {  	s31 =	smin.u32 s29, $0xC;
	[sflag:s18] =	ssyncset.done $0x0  }
0x322: {  	s2 =	sshll.u32 s31, $0x7;
	[sflag:s18] =	ssyncadd.s32 $0xFFFFC000  }
0x323: {  	v3 =	vld [tilespmem:s2+$0x180];
	_ =	sdelay $0x4  }
0x324: {  	v56 =	vshll.u32 v3, $0x1  }
0x325: {  	v3 =	vand.u32 $0x7, v3;
	v4 =	vand.u32 $0xFFFFFFF0, v56  }
0x326: {  	v3 =	vor.u32 v3, v4  }
0x327: {  	v4 =	vperm.xlane v3, v0;
	_ =	sdelay $0x1  }
0x328: {  	v3 =	vperm.xlane v3, v2;
	v4 =	vadd.s32 v1, v4;
	_ =	sdelay $0x1  }
0x329: {  	v3 =	vadd.s32 v1, v3;
	_ =	sdelay $0x2  }
0x32a: {  	[tilespmem:s3], [sflag:$0x2] =	stream.indirect_vreg.gather [hbm4b:s0+s7], $0x80, v4, vm0, $0xb8;
	[tilespmem:$0x1E100] =	vst v63  }
0x32b: {  	s9 =	simm.s32 $0x6800  }
0x32c: {  	[tilespmem:s9], [sflag:$0x2] =	stream.indirect_vreg.gather [hbm4b:s0+s7], $0x80, v3, vm0, $0xb8;
	[tilespmem:$0x1E100] =	vst v63  }
0x32d: {  	v3 =	vld [tilespmem:s2+$0x190];
	_ =	sdelay $0x4  }
0x32e: {  	v57 =	vshll.u32 v3, $0x1  }
0x32f: {  	v3 =	vand.u32 $0x7, v3;
	v4 =	vand.u32 $0xFFFFFFF0, v57  }
0x330: {  	v3 =	vor.u32 v3, v4  }
0x331: {  	v4 =	vperm.xlane v3, v0;
	_ =	sdelay $0x1  }
0x332: {  	v3 =	vperm.xlane v3, v2;
	v4 =	vadd.s32 v1, v4;
	_ =	sdelay $0x1  }
0x333: {  	v3 =	vadd.s32 v1, v3;
	_ =	sdelay $0x1  }
0x334: {  	s20 =	simm.s32 $0x7000  }
0x335: {  	[tilespmem:s20], [sflag:$0x2] =	stream.indirect_vreg.gather [hbm4b:s0+s7], $0x80, v4, vm0, $0xb8;
	[tilespmem:$0x1E100] =	vst v63  }
0x336: {  	s29 =	simm.s32 $0x7800  }
0x337: {  	[tilespmem:s29], [sflag:$0x2] =	stream.indirect_vreg.gather [hbm4b:s0+s7], $0x80, v3, vm0, $0xb8;
	[tilespmem:$0x1E100] =	vst v63  }
0x338: {  	v3 =	vld [tilespmem:s2+$0x1A0];
	_ =	sdelay $0x4  }
0x339: {  	v58 =	vshll.u32 v3, $0x1  }
0x33a: {  	v3 =	vand.u32 $0x7, v3;
	v4 =	vand.u32 $0xFFFFFFF0, v58  }
0x33b: {  	v3 =	vor.u32 v3, v4  }
0x33c: {  	v4 =	vperm.xlane v3, v0;
	_ =	sdelay $0x1  }
0x33d: {  	v3 =	vperm.xlane v3, v2;
	v4 =	vadd.s32 v1, v4;
	_ =	sdelay $0x1  }
0x33e: {  	v3 =	vadd.s32 v1, v3;
	_ =	sdelay $0x1  }
0x33f: {  	s30 =	simm.s32 $0x8000  }
0x340: {  	[tilespmem:s30], [sflag:$0x2] =	stream.indirect_vreg.gather [hbm4b:s0+s7], $0x80, v4, vm0, $0xb8;
	[tilespmem:$0x1E100] =	vst v63  }
0x341: {  	s31 =	simm.s32 $0x8800  }
0x342: {  	[tilespmem:s31], [sflag:$0x2] =	stream.indirect_vreg.gather [hbm4b:s0+s7], $0x80, v3, vm0, $0xb8;
	[tilespmem:$0x1E100] =	vst v63  }
0x343: {  	v3 =	vld [tilespmem:s2+$0x1B0];
	_ =	sdelay $0x4  }
0x344: {  	v59 =	vshll.u32 v3, $0x1  }
0x345: {  	v3 =	vand.u32 $0x7, v3;
	v4 =	vand.u32 $0xFFFFFFF0, v59  }
0x346: {  	v3 =	vor.u32 v3, v4  }
0x347: {  	v4 =	vperm.xlane v3, v0;
	_ =	sdelay $0x1  }
0x348: {  	v3 =	vperm.xlane v3, v2;
	v4 =	vadd.s32 v1, v4;
	_ =	sdelay $0x1  }
0x349: {  	v3 =	vadd.s32 v1, v3;
	_ =	sdelay $0x1  }
0x34a: {  	s9 =	simm.s32 $0x9000  }
0x34b: {  	[tilespmem:s9], [sflag:$0x2] =	stream.indirect_vreg.gather [hbm4b:s0+s7], $0x80, v4, vm0, $0xb8;
	[tilespmem:$0x1E100] =	vst v63  }
0x34c: {  	s20 =	simm.s32 $0x9800  }
0x34d: {  	[tilespmem:s20], [sflag:$0x2] =	stream.indirect_vreg.gather [hbm4b:s0+s7], $0x80, v3, vm0, $0xb8;
	[tilespmem:$0x1E100] =	vst v63  }
0x34e: {  	v3 =	vld [tilespmem:s2+$0x980];
	_ =	sdelay $0x4  }
0x34f: {  	v60 =	vshll.u32 v3, $0x1  }
0x350: {  	v3 =	vand.u32 $0x7, v3;
	v4 =	vand.u32 $0xFFFFFFF0, v60  }
0x351: {  	v3 =	vor.u32 v3, v4  }
0x352: {  	v4 =	vperm.xlane v3, v0;
	_ =	sdelay $0x1  }
0x353: {  	v3 =	vperm.xlane v3, v2;
	v4 =	vadd.s32 v1, v4;
	_ =	sdelay $0x1  }
0x354: {  	v3 =	vadd.s32 v1, v3;
	_ =	sdelay $0x1  }
0x355: {  	s29 =	simm.s32 $0xE000  }
0x356: {  	[tilespmem:s29], [sflag:$0x4] =	stream.indirect_vreg.gather [hbm4b:s1+s7], $0x80, v4, vm0, $0xb8;
	[tilespmem:$0x1E100] =	vst v63  }
0x357: {  	s30 =	simm.s32 $0xE800  }
0x358: {  	[tilespmem:s30], [sflag:$0x4] =	stream.indirect_vreg.gather [hbm4b:s1+s7], $0x80, v3, vm0, $0xb8;
	[tilespmem:$0x1E100] =	vst v63  }
0x359: {  	v3 =	vld [tilespmem:s2+$0x990];
	_ =	sdelay $0x4  }
0x35a: {  	v61 =	vshll.u32 v3, $0x1  }
0x35b: {  	v3 =	vand.u32 $0x7, v3;
	v4 =	vand.u32 $0xFFFFFFF0, v61  }
0x35c: {  	v3 =	vor.u32 v3, v4  }
0x35d: {  	v4 =	vperm.xlane v3, v0;
	_ =	sdelay $0x1  }
0x35e: {  	v3 =	vperm.xlane v3, v2;
	v4 =	vadd.s32 v1, v4;
	_ =	sdelay $0x1  }
0x35f: {  	v3 =	vadd.s32 v1, v3;
	_ =	sdelay $0x1  }
0x360: {  	s31 =	simm.s32 $0xF000  }
0x361: {  	[tilespmem:s31], [sflag:$0x4] =	stream.indirect_vreg.gather [hbm4b:s1+s7], $0x80, v4, vm0, $0xb8;
	[tilespmem:$0x1E100] =	vst v63  }
0x362: {  	s9 =	simm.s32 $0xF800  }
0x363: {  	[tilespmem:s9], [sflag:$0x4] =	stream.indirect_vreg.gather [hbm4b:s1+s7], $0x80, v3, vm0, $0xb8;
	[tilespmem:$0x1E100] =	vst v63  }
0x364: {  	v3 =	vld [tilespmem:s2+$0x9A0];
	_ =	sdelay $0x4  }
0x365: {  	v62 =	vshll.u32 v3, $0x1  }
0x366: {  	v3 =	vand.u32 $0x7, v3;
	v4 =	vand.u32 $0xFFFFFFF0, v62  }
0x367: {  	v3 =	vor.u32 v3, v4  }
0x368: {  	v4 =	vperm.xlane v3, v0;
	_ =	sdelay $0x1  }
0x369: {  	v3 =	vperm.xlane v3, v2;
	v4 =	vadd.s32 v1, v4;
	_ =	sdelay $0x1  }
0x36a: {  	v3 =	vadd.s32 v1, v3;
	_ =	sdelay $0x1  }
0x36b: {  	s20 =	simm.s32 $0x10000  }
0x36c: {  	[tilespmem:s20], [sflag:$0x4] =	stream.indirect_vreg.gather [hbm4b:s1+s7], $0x80, v4, vm0, $0xb8;
	[tilespmem:$0x1E100] =	vst v63  }
0x36d: {  	s29 =	simm.s32 $0x10800  }
0x36e: {  	[tilespmem:s29], [sflag:$0x4] =	stream.indirect_vreg.gather [hbm4b:s1+s7], $0x80, v3, vm0, $0xb8;
	[tilespmem:$0x1E100] =	vst v63  }
0x36f: {  	v3 =	vld [tilespmem:s2+$0x9B0];
	_ =	sdelay $0x4  }
0x370: {  	v63 =	vshll.u32 v3, $0x1  }
0x371: {  	v3 =	vand.u32 $0x7, v3;
	v4 =	vand.u32 $0xFFFFFFF0, v63  }
0x372: {  	v3 =	vor.u32 v3, v4  }
0x373: {  	v4 =	vperm.xlane v3, v0;
	_ =	sdelay $0x1  }
0x374: {  	v3 =	vperm.xlane v3, v2;
	v4 =	vadd.s32 v1, v4  }
0x375: {  	s28 =	sadd.s32 $0x1, s28  }
0x376: {  	p0 =	sne.s32 s28, $0x8;
	v3 =	vadd.s32 v1, v3  }
.Ltmp4:
0x377: {  	_ = 	snop;
	(pc) =	sbr.rel @p0 .LBB2_6-.Ltmp4, $4  }
0x378: {  	s30 =	simm.s32 $0x11000  }
0x379: {  	[tilespmem:s30], [sflag:$0x4] =	stream.indirect_vreg.gather [hbm4b:s1+s7], $0x80, v4, vm0, $0xb8;
	[tilespmem:$0x1E100] =	vst v63  }
0x37a: {  	s10 =	simm.s32 $0x6000;
	s31 =	simm.s32 $0x11800  }
0x37b: {  	[tilespmem:s31], [sflag:$0x4] =	stream.indirect_vreg.gather [hbm4b:s1+s7], $0x80, v3, vm0, $0xb8;
	[tilespmem:$0x1E100] =	vst v63  }
0x37c: {  	_ =	swait.ge [sflag:s25], $0x4000  }
0x37d: {  	[sflag:s25] =	ssyncset.done $0x0  }
0x37e: {  	s2 =	simm.s32 $0x3;
	[sflag:s25] =	ssyncadd.s32 $0xFFFFC000  }
0x37f: {  	_ =	swait.ge [sflag:s2], $0x4000  }
0x380: {  	[sflag:s2] =	ssyncset.done $0x0  }
0x381: {  	[sflag:s2] =	ssyncadd.s32 $0xFFFFC000  }
0x382: {  	_ =	swait.ge [sflag:s26], $0x4000  }
0x383: {  	[sflag:s26] =	ssyncset.done $0x0  }
0x384: {  	s3 =	simm.s32 $0x4;
	[sflag:s26] =	ssyncadd.s32 $0xFFFFC000  }
0x385: {  	_ =	swait.ge [sflag:s3], $0x4000  }
0x386: {  	s12 =	rddreg [dreg:$0x11]  }
0x387: {  	s29 =	rddreg [dreg:$0xe];
	s12 =	sadd.s32 $0x1, s12  }
0x388: {  	p0 =	sne.s32 s12, s29  }
.Ltmp5:
0x389: {  	_ = 	snop;
	(pc) =	sbr.rel @p0 .LBB2_1-.Ltmp5, $4  }
0x38a: {  	_ = 	snop  }
0x38b: {  	s9 =	simm.s32 $0x12800;
	s20 =	simm.s32 $0x13000  }
0x38c: {  	s30 =	simm.s32 $0x13800;
	s31 =	simm.s32 $0x14000;
	[sflag:s3] =	ssyncset.done $0x0  }
0x38d: {  	s4 =	simm.s32 $0x12000;
	s6 =	simm.s32 $0x18000;
	[sflag:s3] =	ssyncadd.s32 $0xFFFFC000  }
0x38e: {  	_ =	sfence.sel $0x180000  }
0x38f: {  	[bflag:$0x0] =	sbarrier.arrive $0xFFFF  }
0x390: {  	_ =	strace $0x90000047  }
0x391: {  	s0 =	stileid.u32;
	[bflag:$0x2] =	sbarrier.arrive $0xFFFF  }
0x392: {  	p0 =	sne.s32 s0, $0x0;
	s0 =	rddreg [dreg:$0x8]  }
0x393: {  	s0 =	sadd.s32 @!p0 $0x100000, s0  }
0x394: {  	[sflag:s0] =	ssyncadd.tile.s32 @!p0 $0x1;
	_ =	shalt  }
.Lfunc_end2:
_tile_overlayer_lowered:
.L_overlay_start_2:
0x395: {  	(tag) =	ssettag $0x2  }
0x396: {  	s0 =	rddreg [dreg:$0x0];
	s2 =	stileid.u32  }
0x397: {  	s1 =	rddreg [dreg:$0x1];
	p0 =	sne.s32 s2, $0x0  }
0x398: {  	s3 =	rddreg [dreg:$0x2];
	[bflag:$0x3] =	sbarrier.arrive $0xFFFF;
	s2 =	simm.s32 @!p0 $0x1C05  }
0x399: {  	[timem:s3], [sflag:s2] =	dma.local @!p0 [hbm:s0], s1  }
0x39a: {  	s0 =	simm.s32 @!p0 $0x5  }
0x39b: {  	_ =	swait.ge @!p0 [sflag:s0], s1  }
0x39c: {  	s1 =	ssub.s32 @!p0 $0x0, s1;
	[sflag:s0] =	ssyncset.done @!p0 $0x0  }
0x39d: {  	[sflag:s0] =	ssyncadd.s32 @!p0 s1  }
0x39e: {  	[bflag:$0x3] =	sbarrier.arrive $0xFFFF  }
0x39f: {  	_ =	shalt  }

</sc_bundles>
